<compile_context>
chip_gen: v7x
topology: tpu7x:2x2x1
jax: 0.10.2.dev20260603
libtpu: 0.0.44.dev20260713+nightly
codegen_flags: <defaults>
</compile_context>

<pallas_src>
import functools

import jax
import jax.numpy as jnp
from jax import lax
from jax.experimental import pallas as pl
from jax.experimental.pallas import tpu as pltpu
from jax.experimental.pallas import tpu_sc as plsc

N = 10000
E = 320000
D = 128
NGRAPH = 128
NCLASS = 16

NC = 2
NS = 16
NW = NC * NS
CHUNK = 128
K = 79
KH = K // 2
E_PAD = NW * K * CHUNK
NBUF = 2
ACC_ROWS = N + 64
RPT = 624
LAST_ROWS = N - 15 * RPT
LAST_ZROWS = ACC_ROWS - 15 * RPT

ROW_BLK = 1000
GRID = N // ROW_BLK


def _sc_agg_body(h_hbm, z_hbm, src_hbm, dst_hbm, out_hbm,
                 acc, src_idx, dst_idx, rows, g0, g1):
    gsems = (g0, g1)
    cid = lax.axis_index("c")
    sid = lax.axis_index("s")
    wid = sid * NC + cid

    @pl.when(cid == 0)
    def _():
        @pl.when(sid < 15)
        def _():
            pltpu.sync_copy(h_hbm.at[pl.ds(sid * RPT, RPT)],
                            acc.at[pl.ds(sid * RPT, RPT)])

        @pl.when(sid == 15)
        def _():
            pltpu.sync_copy(h_hbm.at[pl.ds(15 * RPT, LAST_ROWS)],
                            acc.at[pl.ds(15 * RPT, LAST_ROWS)])
            pltpu.sync_copy(z_hbm.at[pl.ds(0, ACC_ROWS - N)],
                            acc.at[pl.ds(N, ACC_ROWS - N)])

    @pl.when(cid == 1)
    def _():
        @pl.when(sid < 15)
        def _():
            pltpu.sync_copy(z_hbm.at[pl.ds(sid * RPT, RPT)],
                            acc.at[pl.ds(sid * RPT, RPT)])

        @pl.when(sid == 15)
        def _():
            pltpu.sync_copy(z_hbm.at[pl.ds(15 * RPT, LAST_ZROWS)],
                            acc.at[pl.ds(15 * RPT, LAST_ZROWS)])

    plsc.subcore_barrier()

    def idx_load(j, b):
        base = (wid * K + j) * CHUNK
        pltpu.sync_copy(src_hbm.at[pl.ds(base, CHUNK)], src_idx.at[b])
        pltpu.sync_copy(dst_hbm.at[pl.ds(base, CHUNK)], dst_idx.at[b])

    def gather(b):
        pltpu.async_copy(h_hbm.at[src_idx.at[b]], rows.at[b], gsems[b])

    def gather_wait(b):
        pltpu.make_async_copy(h_hbm.at[src_idx.at[b]], rows.at[b],
                              gsems[b]).wait()

    idx_load(0, 0)
    gather(0)

    def pair(jj):
        for t in range(2):
            j = jj + t
            b = t
            idx_load(j + 1, 1 - b)
            gather(1 - b)
            gather_wait(b)
            pltpu.sync_copy(rows.at[b], acc.at[dst_idx.at[b]], add=True)

    pl.loop(0, K - 1, step=2)(pair)
    gather_wait(0)
    pltpu.sync_copy(rows.at[0], acc.at[dst_idx.at[0]], add=True)

    plsc.subcore_barrier()

    @pl.when(sid < 15)
    def _():
        pltpu.sync_copy(acc.at[pl.ds(sid * RPT, RPT)],
                        out_hbm.at[cid, pl.ds(sid * RPT, RPT)])

    @pl.when(sid == 15)
    def _():
        pltpu.sync_copy(acc.at[pl.ds(15 * RPT, LAST_ROWS)],
                        out_hbm.at[cid, pl.ds(15 * RPT, LAST_ROWS)])


_sc_agg = pl.kernel(
    _sc_agg_body,
    out_type=jax.ShapeDtypeStruct((NC, N, D), jnp.float32),
    mesh=plsc.VectorSubcoreMesh(core_axis_name="c", subcore_axis_name="s"),
    scratch_types=[
        pltpu.VMEM_SHARED((ACC_ROWS, D), jnp.float32),
        pltpu.VMEM((NBUF, CHUNK), jnp.int32),
        pltpu.VMEM((NBUF, CHUNK), jnp.int32),
        pltpu.VMEM((NBUF, CHUNK, D), jnp.float32),
        pltpu.SemaphoreType.DMA,
        pltpu.SemaphoreType.DMA,
    ],
)


def _pre_body(x_ref, w_ref, b_ref, o_ref):
    o_ref[...] = jnp.dot(x_ref[...], w_ref[...],
                         preferred_element_type=jnp.float32) + b_ref[...]


def _pre_matmul(x, w, b):
    return pl.pallas_call(
        _pre_body,
        grid=(GRID,),
        in_specs=[
            pl.BlockSpec((ROW_BLK, D), lambda i: (i, 0)),
            pl.BlockSpec((D, D), lambda i: (0, 0)),
            pl.BlockSpec((1, D), lambda i: (0, 0)),
        ],
        out_specs=pl.BlockSpec((ROW_BLK, D), lambda i: (i, 0)),
        out_shape=jax.ShapeDtypeStruct((N, D), jnp.float32),
    )(x, w, b.reshape(1, D))


def _mlp_body(p_ref, wa_ref, ba_ref, wb_ref, bb_ref, o_ref):
    t = p_ref[0] + p_ref[1]
    u = jnp.maximum(jnp.dot(t, wa_ref[...],
                            preferred_element_type=jnp.float32) + ba_ref[...],
                    0.0)
    v = jnp.dot(u, wb_ref[...], preferred_element_type=jnp.float32) + bb_ref[...]
    o_ref[...] = jnp.maximum(v, 0.0)


def _mlp(parts, wa, ba, wb, bb):
    return pl.pallas_call(
        _mlp_body,
        grid=(GRID,),
        in_specs=[
            pl.BlockSpec((NC, ROW_BLK, D), lambda i: (0, i, 0)),
            pl.BlockSpec((D, D), lambda i: (0, 0)),
            pl.BlockSpec((1, D), lambda i: (0, 0)),
            pl.BlockSpec((D, D), lambda i: (0, 0)),
            pl.BlockSpec((1, D), lambda i: (0, 0)),
        ],
        out_specs=pl.BlockSpec((ROW_BLK, D), lambda i: (i, 0)),
        out_shape=jax.ShapeDtypeStruct((N, D), jnp.float32),
    )(parts, wa, ba.reshape(1, D), wb, bb.reshape(1, D))


def _pool_head_body(h_ref, seg_ref, wp_ref, bp_ref, wr_ref, br_ref,
                    o_ref, pool_ref):
    i = pl.program_id(0)

    @pl.when(i == 0)
    def _():
        pool_ref[...] = jnp.zeros_like(pool_ref)

    seg = seg_ref[0, 0, :]
    gids = lax.broadcasted_iota(jnp.int32, (NGRAPH, ROW_BLK), 0)
    onehot = (gids == seg[None, :]).astype(jnp.float32)
    pool_ref[...] += jnp.dot(onehot, h_ref[...],
                             preferred_element_type=jnp.float32)

    @pl.when(i == GRID - 1)
    def _():
        hp = jnp.maximum(jnp.dot(pool_ref[...], wp_ref[...],
                                 preferred_element_type=jnp.float32)
                         + bp_ref[...], 0.0)
        logits = jnp.dot(hp, wr_ref[...],
                         preferred_element_type=jnp.float32) + br_ref[...]
        m = jnp.max(logits, axis=1, keepdims=True)
        lse = m + jnp.log(jnp.sum(jnp.exp(logits - m), axis=1, keepdims=True))
        o_ref[...] = logits - lse


def _pool_head(h, seg3, wp, bp, wr, br):
    return pl.pallas_call(
        _pool_head_body,
        grid=(GRID,),
        in_specs=[
            pl.BlockSpec((ROW_BLK, D), lambda i: (i, 0)),
            pl.BlockSpec((1, 1, ROW_BLK), lambda i: (i, 0, 0)),
            pl.BlockSpec((D, D), lambda i: (0, 0)),
            pl.BlockSpec((1, D), lambda i: (0, 0)),
            pl.BlockSpec((D, NCLASS), lambda i: (0, 0)),
            pl.BlockSpec((1, NCLASS), lambda i: (0, 0)),
        ],
        out_specs=pl.BlockSpec((NGRAPH, NCLASS), lambda i: (0, 0)),
        out_shape=jax.ShapeDtypeStruct((NGRAPH, NCLASS), jnp.float32),
        scratch_shapes=[pltpu.VMEM((NGRAPH, D), jnp.float32)],
    )(h, seg3, wp, bp.reshape(1, D), wr, br.reshape(1, NCLASS))


def kernel(x, edge_index, batch, W_pre, b_pre, W0a, b0a, W0b, b0b,
           W1a, b1a, W1b, b1b, W2a, b2a, W2b, b2b,
           W_post, b_post, W_read, b_read):
    src = edge_index[0].astype(jnp.int32)
    dst = edge_index[1].astype(jnp.int32)
    pad = E_PAD - E
    src_p = jnp.concatenate(
        [src, jnp.arange(pad, dtype=jnp.int32) % N])
    dst_p = jnp.concatenate(
        [dst, N + (jnp.arange(pad, dtype=jnp.int32) % 64)])
    zeros = jnp.zeros((ACC_ROWS, D), jnp.float32)
    seg3 = batch.astype(jnp.int32).reshape(GRID, 1, ROW_BLK)

    h = _pre_matmul(x, W_pre, b_pre)
    for (wa, ba, wb, bb) in ((W0a, b0a, W0b, b0b),
                             (W1a, b1a, W1b, b1b),
                             (W2a, b2a, W2b, b2b)):
        parts = _sc_agg(h, zeros, src_p, dst_p)
        h = _mlp(parts, wa, ba, wb, bb)
    return _pool_head(h, seg3, W_post, b_post, W_read, b_read)

# --- scband reference (transcript-rebuilt; emitter-appended) ---
"""Pipeline reference for scband-gin-7997229105403 (READ-ONLY COPY).

The authoritative reference and input builder live on the scoring server;
editing this copy changes nothing except your own understanding.
"""

import jax, jax.numpy as jnp
import numpy as np

N = 10000
E = 320000
NFEAT = 128
NHID = 128
NCLASS = 16
NGRAPH = 128


def setup_inputs(seed: int = 0) -> dict:
    key = jax.random.key(seed)
    ks = jax.random.split(key, 32)
    inp = {}
    inp['x'] = jax.random.normal(ks[0], (N, NFEAT), dtype=jnp.float32)
    inp['edge_index'] = jax.random.randint(ks[1], (2, E), 0, N, dtype=jnp.int64)
    inp['batch'] = jnp.sort(jax.random.randint(ks[2], (N,), 0, NGRAPH, dtype=jnp.int64))
    s = 1.0 / np.sqrt(NHID)
    inp['W_pre'] = jax.random.uniform(ks[3], (NFEAT, NHID), minval=-s, maxval=s, dtype=jnp.float32)
    inp['b_pre'] = jax.random.uniform(ks[4], (NHID,), minval=-s, maxval=s, dtype=jnp.float32)
    for l in range(3):
        inp[f'W{l}a'] = jax.random.uniform(ks[5 + 4 * l], (NHID, NHID), minval=-s, maxval=s, dtype=jnp.float32)
        inp[f'b{l}a'] = jax.random.uniform(ks[6 + 4 * l], (NHID,), minval=-s, maxval=s, dtype=jnp.float32)
        inp[f'W{l}b'] = jax.random.uniform(ks[7 + 4 * l], (NHID, NHID), minval=-s, maxval=s, dtype=jnp.float32)
        inp[f'b{l}b'] = jax.random.uniform(ks[8 + 4 * l], (NHID,), minval=-s, maxval=s, dtype=jnp.float32)
    inp['W_post'] = jax.random.uniform(ks[20], (NHID, NHID), minval=-s, maxval=s, dtype=jnp.float32)
    inp['b_post'] = jax.random.uniform(ks[21], (NHID,), minval=-s, maxval=s, dtype=jnp.float32)
    inp['W_read'] = jax.random.uniform(ks[22], (NHID, NCLASS), minval=-s, maxval=s, dtype=jnp.float32)
    inp['b_read'] = jax.random.uniform(ks[23], (NCLASS,), minval=-s, maxval=s, dtype=jnp.float32)
    return inp


def _gin_conv(h, edge_index, Wa, ba, Wb, bb):
    src, dst = edge_index[0], edge_index[1]
    agg = jnp.zeros_like(h).at[dst].add(h[src])
    out = h + agg  # eps = 0 (PyG GINConv default, non-trainable)
    out = jnp.maximum(out @ Wa + ba, 0.0)
    out = out @ Wb + bb
    return out


def reference(x, edge_index, batch, W_pre, b_pre, W0a, b0a, W0b, b0b, W1a, b1a, W1b, b1b, W2a, b2a, W2b, b2b, W_post, b_post, W_read, b_read):
    h = x @ W_pre + b_pre
    for (Wa, ba, Wb, bb) in ((W0a, b0a, W0b, b0b), (W1a, b1a, W1b, b1b), (W2a, b2a, W2b, b2b)):
        h = _gin_conv(h, edge_index, Wa, ba, Wb, bb)
        h = jnp.maximum(h, 0.0)
        # dropout is identity in eval mode
    pooled = jax.ops.segment_sum(h, batch, num_segments=NGRAPH)
    h = jnp.maximum(pooled @ W_post + b_post, 0.0)
    logits = h @ W_read + b_read
    return jax.nn.log_softmax(logits, axis=1)

if __name__ == "__main__":
    import jax
    _d = setup_inputs()
    print(jax.jit(kernel)(*tuple(_d.values())))

</pallas_src>

<mosaic_0001>
#map = affine_map<(d0, d1) -> (0, 0)>
#map1 = affine_map<(d0, d1) -> (0)>
#map2 = affine_map<(d0, d1) -> (0, 0, 0)>
module attributes {stable_mosaic.version = 14 : i64} {
  func.func @_sc_agg_body(%arg0: i32, %arg1: i32, %arg2: memref<10000x128xf32, #tpu.memory_space<hbm>>, %arg3: memref<10064x128xf32, #tpu.memory_space<hbm>>, %arg4: memref<323584xi32, #tpu.memory_space<hbm>>, %arg5: memref<323584xi32, #tpu.memory_space<hbm>>, %arg6: memref<2x10000x128xf32, #tpu.memory_space<hbm>>, %arg7: memref<10064x128xf32, #tpu.memory_space<vmem_shared>>, %arg8: memref<2x128xi32, #tpu.memory_space<vmem>>, %arg9: memref<2x128xi32, #tpu.memory_space<vmem>>, %arg10: memref<2x128x128xf32, #tpu.memory_space<vmem>>, %arg11: memref<!tpu.dma_semaphore, #tpu.memory_space<semaphore_mem>>, %arg12: memref<!tpu.dma_semaphore, #tpu.memory_space<semaphore_mem>>) attributes {dimension_semantics = [#tpu.dimension_semantics<core_parallel>, #tpu.dimension_semantics<subcore_parallel>], iteration_bounds = array<i64: 2, 16>, scalar_prefetch = 0 : i64, scratch_operands = 6 : i64, tpu.core_type = #tpu.core_type<sc_vector_subcore>, window_params = [{transform_indices = #map}, {transform_indices = #map}, {transform_indices = #map1}, {transform_indices = #map1}, {transform_indices = #map2}]} {
    %mul3A = arith.constant 2 : i32
    %mul3A_0 = arith.muli %arg1, %mul3A : i32
    %add3A = arith.addi %mul3A_0, %arg0 : i32
    %eq3A = arith.constant 0 : i32
    %eq3A_1 = arith.cmpi eq, %arg0, %eq3A : i32
    %convert_element_type3A = arith.extui %eq3A_1 : i1 to i32
    %cond3A = arith.constant 0 : i32
    %cond3A_2 = arith.cmpi ne, %convert_element_type3A, %cond3A : i32
    scf.if %cond3A_2 {
      %lt3A_53 = arith.constant 15 : i32
      %lt3A_54 = arith.cmpi slt, %arg1, %lt3A_53 : i32
      %convert_element_type3A_55 = arith.extui %lt3A_54 : i1 to i32
      %cond3A_56 = arith.constant 0 : i32
      %cond3A_57 = arith.cmpi ne, %convert_element_type3A_55, %cond3A_56 : i32
      scf.if %cond3A_57 {
        %mul3A_63 = arith.constant 624 : i32
        %mul3A_64 = arith.muli %arg1, %mul3A_63 : i32
        %mul3A_65 = arith.constant 624 : i32
        %mul3A_66 = arith.muli %arg1, %mul3A_65 : i32
        "tpu.region"() ({
          %run_scoped3A_67 = tpu.sem_alloc : memref<!tpu.dma_semaphore, #tpu.memory_space<semaphore_mem>>
          %dma_start3A_68 = arith.constant 0 : i32
          %dma_start3A_69 = tpu.memref_slice %arg7[%mul3A_66, %dma_start3A_68] : memref<10064x128xf32, #tpu.memory_space<vmem_shared>> -> memref<624x128xf32, #tpu.memory_space<vmem_shared>>
          %dma_start3A_70 = arith.constant 0 : i32
          %dma_start3A_71 = tpu.memref_slice %arg2[%mul3A_64, %dma_start3A_70] : memref<10000x128xf32, #tpu.memory_space<hbm>> -> memref<624x128xf32, #tpu.memory_space<hbm>>
          tpu.enqueue_dma source(%dma_start3A_71 : memref<624x128xf32, #tpu.memory_space<hbm>>) target(%dma_start3A_69 : memref<624x128xf32, #tpu.memory_space<vmem_shared>>) target_semaphore(%run_scoped3A_67 : memref<!tpu.dma_semaphore, #tpu.memory_space<semaphore_mem>>)
          %dma_wait3A_72 = arith.constant 0 : i32
          %dma_wait3A_73 = tpu.memref_slice %arg7[%mul3A_66, %dma_wait3A_72] : memref<10064x128xf32, #tpu.memory_space<vmem_shared>> -> memref<624x128xf32, #tpu.memory_space<vmem_shared>>
          %dma_wait3A_74 = arith.constant 0 : i32
          %dma_wait3A_75 = tpu.memref_slice %arg2[%mul3A_64, %dma_wait3A_74] : memref<10000x128xf32, #tpu.memory_space<hbm>> -> memref<624x128xf32, #tpu.memory_space<hbm>>
          tpu.wait_dma2 semaphore(%run_scoped3A_67 : memref<!tpu.dma_semaphore, #tpu.memory_space<semaphore_mem>>) src(%dma_wait3A_75 : memref<624x128xf32, #tpu.memory_space<hbm>>) dst(%dma_wait3A_73 : memref<624x128xf32, #tpu.memory_space<vmem_shared>>)
          tpu.yield
        }) : () -> ()
      } else {
      }
      %eq3A_58 = arith.constant 15 : i32
      %eq3A_59 = arith.cmpi eq, %arg1, %eq3A_58 : i32
      %convert_element_type3A_60 = arith.extui %eq3A_59 : i1 to i32
      %cond3A_61 = arith.constant 0 : i32
      %cond3A_62 = arith.cmpi ne, %convert_element_type3A_60, %cond3A_61 : i32
      scf.if %cond3A_62 {
        "tpu.region"() ({
          %run_scoped3A_63 = tpu.sem_alloc : memref<!tpu.dma_semaphore, #tpu.memory_space<semaphore_mem>>
          %dma_start3A_64 = arith.constant 9360 : i32
          %dma_start3A_65 = arith.constant 0 : i32
          %dma_start3A_66 = tpu.memref_slice %arg7[%dma_start3A_64, %dma_start3A_65] : memref<10064x128xf32, #tpu.memory_space<vmem_shared>> -> memref<640x128xf32, #tpu.memory_space<vmem_shared>>
          %dma_start3A_67 = arith.constant 9360 : i32
          %dma_start3A_68 = arith.constant 0 : i32
          %dma_start3A_69 = tpu.memref_slice %arg2[%dma_start3A_67, %dma_start3A_68] : memref<10000x128xf32, #tpu.memory_space<hbm>> -> memref<640x128xf32, #tpu.memory_space<hbm>>
          tpu.enqueue_dma source(%dma_start3A_69 : memref<640x128xf32, #tpu.memory_space<hbm>>) target(%dma_start3A_66 : memref<640x128xf32, #tpu.memory_space<vmem_shared>>) target_semaphore(%run_scoped3A_63 : memref<!tpu.dma_semaphore, #tpu.memory_space<semaphore_mem>>)
          %dma_wait3A_70 = arith.constant 9360 : i32
          %dma_wait3A_71 = arith.constant 0 : i32
          %dma_wait3A_72 = tpu.memref_slice %arg7[%dma_wait3A_70, %dma_wait3A_71] : memref<10064x128xf32, #tpu.memory_space<vmem_shared>> -> memref<640x128xf32, #tpu.memory_space<vmem_shared>>
          %dma_wait3A_73 = arith.constant 9360 : i32
          %dma_wait3A_74 = arith.constant 0 : i32
          %dma_wait3A_75 = tpu.memref_slice %arg2[%dma_wait3A_73, %dma_wait3A_74] : memref<10000x128xf32, #tpu.memory_space<hbm>> -> memref<640x128xf32, #tpu.memory_space<hbm>>
          tpu.wait_dma2 semaphore(%run_scoped3A_63 : memref<!tpu.dma_semaphore, #tpu.memory_space<semaphore_mem>>) src(%dma_wait3A_75 : memref<640x128xf32, #tpu.memory_space<hbm>>) dst(%dma_wait3A_72 : memref<640x128xf32, #tpu.memory_space<vmem_shared>>)
          tpu.yield
        }) : () -> ()
        "tpu.region"() ({
          %run_scoped3A_63 = tpu.sem_alloc : memref<!tpu.dma_semaphore, #tpu.memory_space<semaphore_mem>>
          %dma_start3A_64 = arith.constant 10000 : i32
          %dma_start3A_65 = arith.constant 0 : i32
          %dma_start3A_66 = tpu.memref_slice %arg7[%dma_start3A_64, %dma_start3A_65] : memref<10064x128xf32, #tpu.memory_space<vmem_shared>> -> memref<64x128xf32, #tpu.memory_space<vmem_shared>>
          %dma_start3A_67 = arith.constant 0 : i32
          %dma_start3A_68 = arith.constant 0 : i32
          %dma_start3A_69 = tpu.memref_slice %arg3[%dma_start3A_67, %dma_start3A_68] : memref<10064x128xf32, #tpu.memory_space<hbm>> -> memref<64x128xf32, #tpu.memory_space<hbm>>
          tpu.enqueue_dma source(%dma_start3A_69 : memref<64x128xf32, #tpu.memory_space<hbm>>) target(%dma_start3A_66 : memref<64x128xf32, #tpu.memory_space<vmem_shared>>) target_semaphore(%run_scoped3A_63 : memref<!tpu.dma_semaphore, #tpu.memory_space<semaphore_mem>>)
          %dma_wait3A_70 = arith.constant 10000 : i32
          %dma_wait3A_71 = arith.constant 0 : i32
          %dma_wait3A_72 = tpu.memref_slice %arg7[%dma_wait3A_70, %dma_wait3A_71] : memref<10064x128xf32, #tpu.memory_space<vmem_shared>> -> memref<64x128xf32, #tpu.memory_space<vmem_shared>>
          %dma_wait3A_73 = arith.constant 0 : i32
          %dma_wait3A_74 = arith.constant 0 : i32
          %dma_wait3A_75 = tpu.memref_slice %arg3[%dma_wait3A_73, %dma_wait3A_74] : memref<10064x128xf32, #tpu.memory_space<hbm>> -> memref<64x128xf32, #tpu.memory_space<hbm>>
          tpu.wait_dma2 semaphore(%run_scoped3A_63 : memref<!tpu.dma_semaphore, #tpu.memory_space<semaphore_mem>>) src(%dma_wait3A_75 : memref<64x128xf32, #tpu.memory_space<hbm>>) dst(%dma_wait3A_72 : memref<64x128xf32, #tpu.memory_space<vmem_shared>>)
          tpu.yield
        }) : () -> ()
      } else {
      }
    } else {
    }
    %eq3A_3 = arith.constant 1 : i32
    %eq3A_4 = arith.cmpi eq, %arg0, %eq3A_3 : i32
    %convert_element_type3A_5 = arith.extui %eq3A_4 : i1 to i32
    %cond3A_6 = arith.constant 0 : i32
    %cond3A_7 = arith.cmpi ne, %convert_element_type3A_5, %cond3A_6 : i32
    scf.if %cond3A_7 {
      %lt3A_53 = arith.constant 15 : i32
      %lt3A_54 = arith.cmpi slt, %arg1, %lt3A_53 : i32
      %convert_element_type3A_55 = arith.extui %lt3A_54 : i1 to i32
      %cond3A_56 = arith.constant 0 : i32
      %cond3A_57 = arith.cmpi ne, %convert_element_type3A_55, %cond3A_56 : i32
      scf.if %cond3A_57 {
        %mul3A_63 = arith.constant 624 : i32
        %mul3A_64 = arith.muli %arg1, %mul3A_63 : i32
        %mul3A_65 = arith.constant 624 : i32
        %mul3A_66 = arith.muli %arg1, %mul3A_65 : i32
        "tpu.region"() ({
          %run_scoped3A_67 = tpu.sem_alloc : memref<!tpu.dma_semaphore, #tpu.memory_space<semaphore_mem>>
          %dma_start3A_68 = arith.constant 0 : i32
          %dma_start3A_69 = tpu.memref_slice %arg7[%mul3A_66, %dma_start3A_68] : memref<10064x128xf32, #tpu.memory_space<vmem_shared>> -> memref<624x128xf32, #tpu.memory_space<vmem_shared>>
          %dma_start3A_70 = arith.constant 0 : i32
          %dma_start3A_71 = tpu.memref_slice %arg3[%mul3A_64, %dma_start3A_70] : memref<10064x128xf32, #tpu.memory_space<hbm>> -> memref<624x128xf32, #tpu.memory_space<hbm>>
          tpu.enqueue_dma source(%dma_start3A_71 : memref<624x128xf32, #tpu.memory_space<hbm>>) target(%dma_start3A_69 : memref<624x128xf32, #tpu.memory_space<vmem_shared>>) target_semaphore(%run_scoped3A_67 : memref<!tpu.dma_semaphore, #tpu.memory_space<semaphore_mem>>)
          %dma_wait3A_72 = arith.constant 0 : i32
          %dma_wait3A_73 = tpu.memref_slice %arg7[%mul3A_66, %dma_wait3A_72] : memref<10064x128xf32, #tpu.memory_space<vmem_shared>> -> memref<624x128xf32, #tpu.memory_space<vmem_shared>>
          %dma_wait3A_74 = arith.constant 0 : i32
          %dma_wait3A_75 = tpu.memref_slice %arg3[%mul3A_64, %dma_wait3A_74] : memref<10064x128xf32, #tpu.memory_space<hbm>> -> memref<624x128xf32, #tpu.memory_space<hbm>>
          tpu.wait_dma2 semaphore(%run_scoped3A_67 : memref<!tpu.dma_semaphore, #tpu.memory_space<semaphore_mem>>) src(%dma_wait3A_75 : memref<624x128xf32, #tpu.memory_space<hbm>>) dst(%dma_wait3A_73 : memref<624x128xf32, #tpu.memory_space<vmem_shared>>)
          tpu.yield
        }) : () -> ()
      } else {
      }
      %eq3A_58 = arith.constant 15 : i32
      %eq3A_59 = arith.cmpi eq, %arg1, %eq3A_58 : i32
      %convert_element_type3A_60 = arith.extui %eq3A_59 : i1 to i32
      %cond3A_61 = arith.constant 0 : i32
      %cond3A_62 = arith.cmpi ne, %convert_element_type3A_60, %cond3A_61 : i32
      scf.if %cond3A_62 {
        "tpu.region"() ({
          %run_scoped3A_63 = tpu.sem_alloc : memref<!tpu.dma_semaphore, #tpu.memory_space<semaphore_mem>>
          %dma_start3A_64 = arith.constant 9360 : i32
          %dma_start3A_65 = arith.constant 0 : i32
          %dma_start3A_66 = tpu.memref_slice %arg7[%dma_start3A_64, %dma_start3A_65] : memref<10064x128xf32, #tpu.memory_space<vmem_shared>> -> memref<704x128xf32, #tpu.memory_space<vmem_shared>>
          %dma_start3A_67 = arith.constant 9360 : i32
          %dma_start3A_68 = arith.constant 0 : i32
          %dma_start3A_69 = tpu.memref_slice %arg3[%dma_start3A_67, %dma_start3A_68] : memref<10064x128xf32, #tpu.memory_space<hbm>> -> memref<704x128xf32, #tpu.memory_space<hbm>>
          tpu.enqueue_dma source(%dma_start3A_69 : memref<704x128xf32, #tpu.memory_space<hbm>>) target(%dma_start3A_66 : memref<704x128xf32, #tpu.memory_space<vmem_shared>>) target_semaphore(%run_scoped3A_63 : memref<!tpu.dma_semaphore, #tpu.memory_space<semaphore_mem>>)
          %dma_wait3A_70 = arith.constant 9360 : i32
          %dma_wait3A_71 = arith.constant 0 : i32
          %dma_wait3A_72 = tpu.memref_slice %arg7[%dma_wait3A_70, %dma_wait3A_71] : memref<10064x128xf32, #tpu.memory_space<vmem_shared>> -> memref<704x128xf32, #tpu.memory_space<vmem_shared>>
          %dma_wait3A_73 = arith.constant 9360 : i32
          %dma_wait3A_74 = arith.constant 0 : i32
          %dma_wait3A_75 = tpu.memref_slice %arg3[%dma_wait3A_73, %dma_wait3A_74] : memref<10064x128xf32, #tpu.memory_space<hbm>> -> memref<704x128xf32, #tpu.memory_space<hbm>>
          tpu.wait_dma2 semaphore(%run_scoped3A_63 : memref<!tpu.dma_semaphore, #tpu.memory_space<semaphore_mem>>) src(%dma_wait3A_75 : memref<704x128xf32, #tpu.memory_space<hbm>>) dst(%dma_wait3A_72 : memref<704x128xf32, #tpu.memory_space<vmem_shared>>)
          tpu.yield
        }) : () -> ()
      } else {
      }
    } else {
    }
    %barrier3A = arith.constant 0 : index
    tpu.barrier barrier_id(%barrier3A)
    %mul3A_8 = arith.constant 79 : i32
    %mul3A_9 = arith.muli %add3A, %mul3A_8 : i32
    %add3A_10 = arith.constant 0 : i32
    %add3A_11 = arith.addi %mul3A_9, %add3A_10 : i32
    %mul3A_12 = arith.constant 128 : i32
    %mul3A_13 = arith.muli %add3A_11, %mul3A_12 : i32
    %run_scoped3A = arith.constant 0 : i32
    "tpu.region"() ({
      %run_scoped3A_53 = tpu.sem_alloc : memref<!tpu.dma_semaphore, #tpu.memory_space<semaphore_mem>>
      %dma_start3A_54 = arith.constant 0 : i32
      %dma_start3A_55 = tpu.memref_slice %arg8[%run_scoped3A, %dma_start3A_54] : memref<2x128xi32, #tpu.memory_space<vmem>> -> memref<1x128xi32, #tpu.memory_space<vmem>>
      %dma_start3A_56 = tpu.memref_squeeze %dma_start3A_55 : memref<1x128xi32, #tpu.memory_space<vmem>> -> memref<128xi32, #tpu.memory_space<vmem>>
      %dma_start3A_57 = tpu.memref_slice %arg4[%mul3A_13] : memref<323584xi32, #tpu.memory_space<hbm>> -> memref<128xi32, #tpu.memory_space<hbm>>
      %dma_start3A_58 = arith.constant 0 : i32
      %dma_start3A_59 = tpu.memref_slice %arg8[%run_scoped3A, %dma_start3A_58] : memref<2x128xi32, #tpu.memory_space<vmem>> -> memref<1x128xi32, #tpu.memory_space<vmem>>
      %dma_start3A_60 = tpu.memref_squeeze %dma_start3A_59 : memref<1x128xi32, #tpu.memory_space<vmem>> -> memref<128xi32, #tpu.memory_space<vmem>>
      %dma_start3A_61 = tpu.memref_slice %arg4[%mul3A_13] : memref<323584xi32, #tpu.memory_space<hbm>> -> memref<128xi32, #tpu.memory_space<hbm>>
      tpu.enqueue_dma source(%dma_start3A_61 : memref<128xi32, #tpu.memory_space<hbm>>) target(%dma_start3A_60 : memref<128xi32, #tpu.memory_space<vmem>>) target_semaphore(%run_scoped3A_53 : memref<!tpu.dma_semaphore, #tpu.memory_space<semaphore_mem>>)
      %dma_wait3A_62 = arith.constant 0 : i32
      %dma_wait3A_63 = tpu.memref_slice %arg8[%run_scoped3A, %dma_wait3A_62] : memref<2x128xi32, #tpu.memory_space<vmem>> -> memref<1x128xi32, #tpu.memory_space<vmem>>
      %dma_wait3A_64 = tpu.memref_squeeze %dma_wait3A_63 : memref<1x128xi32, #tpu.memory_space<vmem>> -> memref<128xi32, #tpu.memory_space<vmem>>
      %dma_wait3A_65 = tpu.memref_slice %arg4[%mul3A_13] : memref<323584xi32, #tpu.memory_space<hbm>> -> memref<128xi32, #tpu.memory_space<hbm>>
      %dma_wait3A_66 = arith.constant 0 : i32
      %dma_wait3A_67 = tpu.memref_slice %arg8[%run_scoped3A, %dma_wait3A_66] : memref<2x128xi32, #tpu.memory_space<vmem>> -> memref<1x128xi32, #tpu.memory_space<vmem>>
      %dma_wait3A_68 = tpu.memref_squeeze %dma_wait3A_67 : memref<1x128xi32, #tpu.memory_space<vmem>> -> memref<128xi32, #tpu.memory_space<vmem>>
      %dma_wait3A_69 = tpu.memref_slice %arg4[%mul3A_13] : memref<323584xi32, #tpu.memory_space<hbm>> -> memref<128xi32, #tpu.memory_space<hbm>>
      tpu.wait_dma2 semaphore(%run_scoped3A_53 : memref<!tpu.dma_semaphore, #tpu.memory_space<semaphore_mem>>) src(%dma_wait3A_69 : memref<128xi32, #tpu.memory_space<hbm>>) dst(%dma_wait3A_68 : memref<128xi32, #tpu.memory_space<vmem>>)
      tpu.yield
    }) : () -> ()
    %run_scoped3A_14 = arith.constant 0 : i32
    "tpu.region"() ({
      %run_scoped3A_53 = tpu.sem_alloc : memref<!tpu.dma_semaphore, #tpu.memory_space<semaphore_mem>>
      %dma_start3A_54 = arith.constant 0 : i32
      %dma_start3A_55 = tpu.memref_slice %arg9[%run_scoped3A_14, %dma_start3A_54] : memref<2x128xi32, #tpu.memory_space<vmem>> -> memref<1x128xi32, #tpu.memory_space<vmem>>
      %dma_start3A_56 = tpu.memref_squeeze %dma_start3A_55 : memref<1x128xi32, #tpu.memory_space<vmem>> -> memref<128xi32, #tpu.memory_space<vmem>>
      %dma_start3A_57 = tpu.memref_slice %arg5[%mul3A_13] : memref<323584xi32, #tpu.memory_space<hbm>> -> memref<128xi32, #tpu.memory_space<hbm>>
      %dma_start3A_58 = arith.constant 0 : i32
      %dma_start3A_59 = tpu.memref_slice %arg9[%run_scoped3A_14, %dma_start3A_58] : memref<2x128xi32, #tpu.memory_space<vmem>> -> memref<1x128xi32, #tpu.memory_space<vmem>>
      %dma_start3A_60 = tpu.memref_squeeze %dma_start3A_59 : memref<1x128xi32, #tpu.memory_space<vmem>> -> memref<128xi32, #tpu.memory_space<vmem>>
      %dma_start3A_61 = tpu.memref_slice %arg5[%mul3A_13] : memref<323584xi32, #tpu.memory_space<hbm>> -> memref<128xi32, #tpu.memory_space<hbm>>
      tpu.enqueue_dma source(%dma_start3A_61 : memref<128xi32, #tpu.memory_space<hbm>>) target(%dma_start3A_60 : memref<128xi32, #tpu.memory_space<vmem>>) target_semaphore(%run_scoped3A_53 : memref<!tpu.dma_semaphore, #tpu.memory_space<semaphore_mem>>)
      %dma_wait3A_62 = arith.constant 0 : i32
      %dma_wait3A_63 = tpu.memref_slice %arg9[%run_scoped3A_14, %dma_wait3A_62] : memref<2x128xi32, #tpu.memory_space<vmem>> -> memref<1x128xi32, #tpu.memory_space<vmem>>
      %dma_wait3A_64 = tpu.memref_squeeze %dma_wait3A_63 : memref<1x128xi32, #tpu.memory_space<vmem>> -> memref<128xi32, #tpu.memory_space<vmem>>
      %dma_wait3A_65 = tpu.memref_slice %arg5[%mul3A_13] : memref<323584xi32, #tpu.memory_space<hbm>> -> memref<128xi32, #tpu.memory_space<hbm>>
      %dma_wait3A_66 = arith.constant 0 : i32
      %dma_wait3A_67 = tpu.memref_slice %arg9[%run_scoped3A_14, %dma_wait3A_66] : memref<2x128xi32, #tpu.memory_space<vmem>> -> memref<1x128xi32, #tpu.memory_space<vmem>>
      %dma_wait3A_68 = tpu.memref_squeeze %dma_wait3A_67 : memref<1x128xi32, #tpu.memory_space<vmem>> -> memref<128xi32, #tpu.memory_space<vmem>>
      %dma_wait3A_69 = tpu.memref_slice %arg5[%mul3A_13] : memref<323584xi32, #tpu.memory_space<hbm>> -> memref<128xi32, #tpu.memory_space<hbm>>
      tpu.wait_dma2 semaphore(%run_scoped3A_53 : memref<!tpu.dma_semaphore, #tpu.memory_space<semaphore_mem>>) src(%dma_wait3A_69 : memref<128xi32, #tpu.memory_space<hbm>>) dst(%dma_wait3A_68 : memref<128xi32, #tpu.memory_space<vmem>>)
      tpu.yield
    }) : () -> ()
    %dma_start3A = arith.constant 0 : i32
    %dma_start3A_15 = arith.constant 0 : i32
    %dma_start3A_16 = arith.constant 0 : i32
    %dma_start3A_17 = arith.constant 0 : i32
    %dma_start3A_18 = tpu.memref_slice %arg10[%dma_start3A_15, %dma_start3A_16, %dma_start3A_17] : memref<2x128x128xf32, #tpu.memory_space<vmem>> -> memref<1x128x128xf32, #tpu.memory_space<vmem>>
    %dma_start3A_19 = tpu.memref_squeeze %dma_start3A_18 : memref<1x128x128xf32, #tpu.memory_space<vmem>> -> memref<128x128xf32, #tpu.memory_space<vmem>>
    %dma_start3A_20 = arith.constant 0 : i32
    %dma_start3A_21 = tpu.memref_slice %arg8[%dma_start3A, %dma_start3A_20] : memref<2x128xi32, #tpu.memory_space<vmem>> -> memref<1x128xi32, #tpu.memory_space<vmem>>
    %dma_start3A_22 = tpu.memref_squeeze %dma_start3A_21 : memref<1x128xi32, #tpu.memory_space<vmem>> -> memref<128xi32, #tpu.memory_space<vmem>>
    %dma_start3A_23 = arith.constant 0 : i32
    %dma_start3A_24 = arith.constant 0 : i32
    %dma_start3A_25 = tpu.memref_slice %arg2[%dma_start3A_23, %dma_start3A_24] : memref<10000x128xf32, #tpu.memory_space<hbm>> -> memref<10000x128xf32, #tpu.memory_space<hbm>>
    tpu.enqueue_indirect_dma source(%dma_start3A_25 : memref<10000x128xf32, #tpu.memory_space<hbm>>) target(%dma_start3A_19 : memref<128x128xf32, #tpu.memory_space<vmem>>) offsets(%dma_start3A_22 : memref<128xi32, #tpu.memory_space<vmem>>) semaphore(%arg11 : memref<!tpu.dma_semaphore, #tpu.memory_space<semaphore_mem>>)
    %scan3A = arith.constant 0 : i32
    %scan3A_26 = arith.constant 39 : i32
    %scan3A_27 = arith.addi %scan3A, %scan3A_26 : i32
    %scan3A_28 = arith.constant 1 : i32
    scf.for %scan3A_53 = %scan3A to %scan3A_27 step %scan3A_28  : i32 {
      %mul3A_54 = arith.constant 2 : i32
      %mul3A_55 = arith.muli %scan3A_53, %mul3A_54 : i32
      %add3A_56 = arith.constant 0 : i32
      %add3A_57 = arith.addi %add3A_56, %mul3A_55 : i32
      %add3A_58 = arith.constant 0 : i32
      %add3A_59 = arith.addi %add3A_57, %add3A_58 : i32
      %add3A_60 = arith.constant 1 : i32
      %add3A_61 = arith.addi %add3A_59, %add3A_60 : i32
      %mul3A_62 = arith.constant 79 : i32
      %mul3A_63 = arith.muli %add3A, %mul3A_62 : i32
      %add3A_64 = arith.addi %mul3A_63, %add3A_61 : i32
      %mul3A_65 = arith.constant 128 : i32
      %mul3A_66 = arith.muli %add3A_64, %mul3A_65 : i32
      %run_scoped3A_67 = arith.constant 1 : i32
      "tpu.region"() ({
        %run_scoped3A_132 = tpu.sem_alloc : memref<!tpu.dma_semaphore, #tpu.memory_space<semaphore_mem>>
        %dma_start3A_133 = arith.constant 0 : i32
        %dma_start3A_134 = tpu.memref_slice %arg8[%run_scoped3A_67, %dma_start3A_133] : memref<2x128xi32, #tpu.memory_space<vmem>> -> memref<1x128xi32, #tpu.memory_space<vmem>>
        %dma_start3A_135 = tpu.memref_squeeze %dma_start3A_134 : memref<1x128xi32, #tpu.memory_space<vmem>> -> memref<128xi32, #tpu.memory_space<vmem>>
        %dma_start3A_136 = tpu.memref_slice %arg4[%mul3A_66] : memref<323584xi32, #tpu.memory_space<hbm>> -> memref<128xi32, #tpu.memory_space<hbm>>
        %dma_start3A_137 = arith.constant 0 : i32
        %dma_start3A_138 = tpu.memref_slice %arg8[%run_scoped3A_67, %dma_start3A_137] : memref<2x128xi32, #tpu.memory_space<vmem>> -> memref<1x128xi32, #tpu.memory_space<vmem>>
        %dma_start3A_139 = tpu.memref_squeeze %dma_start3A_138 : memref<1x128xi32, #tpu.memory_space<vmem>> -> memref<128xi32, #tpu.memory_space<vmem>>
        %dma_start3A_140 = tpu.memref_slice %arg4[%mul3A_66] : memref<323584xi32, #tpu.memory_space<hbm>> -> memref<128xi32, #tpu.memory_space<hbm>>
        tpu.enqueue_dma source(%dma_start3A_140 : memref<128xi32, #tpu.memory_space<hbm>>) target(%dma_start3A_139 : memref<128xi32, #tpu.memory_space<vmem>>) target_semaphore(%run_scoped3A_132 : memref<!tpu.dma_semaphore, #tpu.memory_space<semaphore_mem>>)
        %dma_wait3A_141 = arith.constant 0 : i32
        %dma_wait3A_142 = tpu.memref_slice %arg8[%run_scoped3A_67, %dma_wait3A_141] : memref<2x128xi32, #tpu.memory_space<vmem>> -> memref<1x128xi32, #tpu.memory_space<vmem>>
        %dma_wait3A_143 = tpu.memref_squeeze %dma_wait3A_142 : memref<1x128xi32, #tpu.memory_space<vmem>> -> memref<128xi32, #tpu.memory_space<vmem>>
        %dma_wait3A_144 = tpu.memref_slice %arg4[%mul3A_66] : memref<323584xi32, #tpu.memory_space<hbm>> -> memref<128xi32, #tpu.memory_space<hbm>>
        %dma_wait3A_145 = arith.constant 0 : i32
        %dma_wait3A_146 = tpu.memref_slice %arg8[%run_scoped3A_67, %dma_wait3A_145] : memref<2x128xi32, #tpu.memory_space<vmem>> -> memref<1x128xi32, #tpu.memory_space<vmem>>
        %dma_wait3A_147 = tpu.memref_squeeze %dma_wait3A_146 : memref<1x128xi32, #tpu.memory_space<vmem>> -> memref<128xi32, #tpu.memory_space<vmem>>
        %dma_wait3A_148 = tpu.memref_slice %arg4[%mul3A_66] : memref<323584xi32, #tpu.memory_space<hbm>> -> memref<128xi32, #tpu.memory_space<hbm>>
        tpu.wait_dma2 semaphore(%run_scoped3A_132 : memref<!tpu.dma_semaphore, #tpu.memory_space<semaphore_mem>>) src(%dma_wait3A_148 : memref<128xi32, #tpu.memory_space<hbm>>) dst(%dma_wait3A_147 : memref<128xi32, #tpu.memory_space<vmem>>)
        tpu.yield
      }) : () -> ()
      %run_scoped3A_68 = arith.constant 1 : i32
      "tpu.region"() ({
        %run_scoped3A_132 = tpu.sem_alloc : memref<!tpu.dma_semaphore, #tpu.memory_space<semaphore_mem>>
        %dma_start3A_133 = arith.constant 0 : i32
        %dma_start3A_134 = tpu.memref_slice %arg9[%run_scoped3A_68, %dma_start3A_133] : memref<2x128xi32, #tpu.memory_space<vmem>> -> memref<1x128xi32, #tpu.memory_space<vmem>>
        %dma_start3A_135 = tpu.memref_squeeze %dma_start3A_134 : memref<1x128xi32, #tpu.memory_space<vmem>> -> memref<128xi32, #tpu.memory_space<vmem>>
        %dma_start3A_136 = tpu.memref_slice %arg5[%mul3A_66] : memref<323584xi32, #tpu.memory_space<hbm>> -> memref<128xi32, #tpu.memory_space<hbm>>
        %dma_start3A_137 = arith.constant 0 : i32
        %dma_start3A_138 = tpu.memref_slice %arg9[%run_scoped3A_68, %dma_start3A_137] : memref<2x128xi32, #tpu.memory_space<vmem>> -> memref<1x128xi32, #tpu.memory_space<vmem>>
        %dma_start3A_139 = tpu.memref_squeeze %dma_start3A_138 : memref<1x128xi32, #tpu.memory_space<vmem>> -> memref<128xi32, #tpu.memory_space<vmem>>
        %dma_start3A_140 = tpu.memref_slice %arg5[%mul3A_66] : memref<323584xi32, #tpu.memory_space<hbm>> -> memref<128xi32, #tpu.memory_space<hbm>>
        tpu.enqueue_dma source(%dma_start3A_140 : memref<128xi32, #tpu.memory_space<hbm>>) target(%dma_start3A_139 : memref<128xi32, #tpu.memory_space<vmem>>) target_semaphore(%run_scoped3A_132 : memref<!tpu.dma_semaphore, #tpu.memory_space<semaphore_mem>>)
        %dma_wait3A_141 = arith.constant 0 : i32
        %dma_wait3A_142 = tpu.memref_slice %arg9[%run_scoped3A_68, %dma_wait3A_141] : memref<2x128xi32, #tpu.memory_space<vmem>> -> memref<1x128xi32, #tpu.memory_space<vmem>>
        %dma_wait3A_143 = tpu.memref_squeeze %dma_wait3A_142 : memref<1x128xi32, #tpu.memory_space<vmem>> -> memref<128xi32, #tpu.memory_space<vmem>>
        %dma_wait3A_144 = tpu.memref_slice %arg5[%mul3A_66] : memref<323584xi32, #tpu.memory_space<hbm>> -> memref<128xi32, #tpu.memory_space<hbm>>
        %dma_wait3A_145 = arith.constant 0 : i32
        %dma_wait3A_146 = tpu.memref_slice %arg9[%run_scoped3A_68, %dma_wait3A_145] : memref<2x128xi32, #tpu.memory_space<vmem>> -> memref<1x128xi32, #tpu.memory_space<vmem>>
        %dma_wait3A_147 = tpu.memref_squeeze %dma_wait3A_146 : memref<1x128xi32, #tpu.memory_space<vmem>> -> memref<128xi32, #tpu.memory_space<vmem>>
        %dma_wait3A_148 = tpu.memref_slice %arg5[%mul3A_66] : memref<323584xi32, #tpu.memory_space<hbm>> -> memref<128xi32, #tpu.memory_space<hbm>>
        tpu.wait_dma2 semaphore(%run_scoped3A_132 : memref<!tpu.dma_semaphore, #tpu.memory_space<semaphore_mem>>) src(%dma_wait3A_148 : memref<128xi32, #tpu.memory_space<hbm>>) dst(%dma_wait3A_147 : memref<128xi32, #tpu.memory_space<vmem>>)
        tpu.yield
      }) : () -> ()
      %dma_start3A_69 = arith.constant 1 : i32
      %dma_start3A_70 = arith.constant 1 : i32
      %dma_start3A_71 = arith.constant 0 : i32
      %dma_start3A_72 = arith.constant 0 : i32
      %dma_start3A_73 = tpu.memref_slice %arg10[%dma_start3A_70, %dma_start3A_71, %dma_start3A_72] : memref<2x128x128xf32, #tpu.memory_space<vmem>> -> memref<1x128x128xf32, #tpu.memory_space<vmem>>
      %dma_start3A_74 = tpu.memref_squeeze %dma_start3A_73 : memref<1x128x128xf32, #tpu.memory_space<vmem>> -> memref<128x128xf32, #tpu.memory_space<vmem>>
      %dma_start3A_75 = arith.constant 0 : i32
      %dma_start3A_76 = tpu.memref_slice %arg8[%dma_start3A_69, %dma_start3A_75] : memref<2x128xi32, #tpu.memory_space<vmem>> -> memref<1x128xi32, #tpu.memory_space<vmem>>
      %dma_start3A_77 = tpu.memref_squeeze %dma_start3A_76 : memref<1x128xi32, #tpu.memory_space<vmem>> -> memref<128xi32, #tpu.memory_space<vmem>>
      %dma_start3A_78 = arith.constant 0 : i32
      %dma_start3A_79 = arith.constant 0 : i32
      %dma_start3A_80 = tpu.memref_slice %arg2[%dma_start3A_78, %dma_start3A_79] : memref<10000x128xf32, #tpu.memory_space<hbm>> -> memref<10000x128xf32, #tpu.memory_space<hbm>>
      tpu.enqueue_indirect_dma source(%dma_start3A_80 : memref<10000x128xf32, #tpu.memory_space<hbm>>) target(%dma_start3A_74 : memref<128x128xf32, #tpu.memory_space<vmem>>) offsets(%dma_start3A_77 : memref<128xi32, #tpu.memory_space<vmem>>) semaphore(%arg12 : memref<!tpu.dma_semaphore, #tpu.memory_space<semaphore_mem>>)
      %dma_wait3A_81 = arith.constant 0 : i32
      %dma_wait3A_82 = arith.constant 0 : i32
      %dma_wait3A_83 = arith.constant 0 : i32
      %dma_wait3A_84 = arith.constant 0 : i32
      %dma_wait3A_85 = tpu.memref_slice %arg10[%dma_wait3A_82, %dma_wait3A_83, %dma_wait3A_84] : memref<2x128x128xf32, #tpu.memory_space<vmem>> -> memref<1x128x128xf32, #tpu.memory_space<vmem>>
      %dma_wait3A_86 = tpu.memref_squeeze %dma_wait3A_85 : memref<1x128x128xf32, #tpu.memory_space<vmem>> -> memref<128x128xf32, #tpu.memory_space<vmem>>
      %dma_wait3A_87 = arith.constant 0 : i32
      %dma_wait3A_88 = tpu.memref_slice %arg8[%dma_wait3A_81, %dma_wait3A_87] : memref<2x128xi32, #tpu.memory_space<vmem>> -> memref<1x128xi32, #tpu.memory_space<vmem>>
      %dma_wait3A_89 = tpu.memref_squeeze %dma_wait3A_88 : memref<1x128xi32, #tpu.memory_space<vmem>> -> memref<128xi32, #tpu.memory_space<vmem>>
      %dma_wait3A_90 = arith.constant 0 : i32
      %dma_wait3A_91 = arith.constant 0 : i32
      %dma_wait3A_92 = tpu.memref_slice %arg2[%dma_wait3A_90, %dma_wait3A_91] : memref<10000x128xf32, #tpu.memory_space<hbm>> -> memref<10000x128xf32, #tpu.memory_space<hbm>>
      tpu.wait_indirect_dma semaphore(%arg11 : memref<!tpu.dma_semaphore, #tpu.memory_space<semaphore_mem>>) src(%dma_wait3A_92 : memref<10000x128xf32, #tpu.memory_space<hbm>>) dst(%dma_wait3A_86 : memref<128x128xf32, #tpu.memory_space<vmem>>)
      %run_scoped3A_93 = arith.constant 0 : i32
      %run_scoped3A_94 = arith.constant 0 : i32
      "tpu.region"() ({
        %run_scoped3A_132 = tpu.sem_alloc : memref<!tpu.dma_semaphore, #tpu.memory_space<semaphore_mem>>
        %dma_start3A_133 = arith.constant 0 : i32
        %dma_start3A_134 = arith.constant 0 : i32
        %dma_start3A_135 = tpu.memref_slice %arg10[%run_scoped3A_93, %dma_start3A_133, %dma_start3A_134] : memref<2x128x128xf32, #tpu.memory_space<vmem>> -> memref<1x128x128xf32, #tpu.memory_space<vmem>>
        %dma_start3A_136 = tpu.memref_squeeze %dma_start3A_135 : memref<1x128x128xf32, #tpu.memory_space<vmem>> -> memref<128x128xf32, #tpu.memory_space<vmem>>
        %dma_start3A_137 = arith.constant 0 : i32
        %dma_start3A_138 = tpu.memref_slice %arg9[%run_scoped3A_94, %dma_start3A_137] : memref<2x128xi32, #tpu.memory_space<vmem>> -> memref<1x128xi32, #tpu.memory_space<vmem>>
        %dma_start3A_139 = tpu.memref_squeeze %dma_start3A_138 : memref<1x128xi32, #tpu.memory_space<vmem>> -> memref<128xi32, #tpu.memory_space<vmem>>
        %dma_start3A_140 = arith.constant 0 : i32
        %dma_start3A_141 = arith.constant 0 : i32
        %dma_start3A_142 = tpu.memref_slice %arg7[%dma_start3A_140, %dma_start3A_141] : memref<10064x128xf32, #tpu.memory_space<vmem_shared>> -> memref<10064x128xf32, #tpu.memory_space<vmem_shared>>
        tpu.enqueue_indirect_dma source(%dma_start3A_136 : memref<128x128xf32, #tpu.memory_space<vmem>>) target(%dma_start3A_142 : memref<10064x128xf32, #tpu.memory_space<vmem_shared>>) offsets(%dma_start3A_139 : memref<128xi32, #tpu.memory_space<vmem>>) semaphore(%run_scoped3A_132 : memref<!tpu.dma_semaphore, #tpu.memory_space<semaphore_mem>>) {add = true}
        %dma_wait3A_143 = arith.constant 0 : i32
        %dma_wait3A_144 = arith.constant 0 : i32
        %dma_wait3A_145 = tpu.memref_slice %arg10[%run_scoped3A_93, %dma_wait3A_143, %dma_wait3A_144] : memref<2x128x128xf32, #tpu.memory_space<vmem>> -> memref<1x128x128xf32, #tpu.memory_space<vmem>>
        %dma_wait3A_146 = tpu.memref_squeeze %dma_wait3A_145 : memref<1x128x128xf32, #tpu.memory_space<vmem>> -> memref<128x128xf32, #tpu.memory_space<vmem>>
        %dma_wait3A_147 = arith.constant 0 : i32
        %dma_wait3A_148 = tpu.memref_slice %arg9[%run_scoped3A_94, %dma_wait3A_147] : memref<2x128xi32, #tpu.memory_space<vmem>> -> memref<1x128xi32, #tpu.memory_space<vmem>>
        %dma_wait3A_149 = tpu.memref_squeeze %dma_wait3A_148 : memref<1x128xi32, #tpu.memory_space<vmem>> -> memref<128xi32, #tpu.memory_space<vmem>>
        %dma_wait3A_150 = arith.constant 0 : i32
        %dma_wait3A_151 = arith.constant 0 : i32
        %dma_wait3A_152 = tpu.memref_slice %arg7[%dma_wait3A_150, %dma_wait3A_151] : memref<10064x128xf32, #tpu.memory_space<vmem_shared>> -> memref<10064x128xf32, #tpu.memory_space<vmem_shared>>
        tpu.wait_indirect_dma semaphore(%run_scoped3A_132 : memref<!tpu.dma_semaphore, #tpu.memory_space<semaphore_mem>>) src(%dma_wait3A_146 : memref<128x128xf32, #tpu.memory_space<vmem>>) dst(%dma_wait3A_152 : memref<10064x128xf32, #tpu.memory_space<vmem_shared>>)
        tpu.yield
      }) : () -> ()
      %add3A_95 = arith.constant 1 : i32
      %add3A_96 = arith.addi %add3A_57, %add3A_95 : i32
      %add3A_97 = arith.constant 1 : i32
      %add3A_98 = arith.addi %add3A_96, %add3A_97 : i32
      %mul3A_99 = arith.constant 79 : i32
      %mul3A_100 = arith.muli %add3A, %mul3A_99 : i32
      %add3A_101 = arith.addi %mul3A_100, %add3A_98 : i32
      %mul3A_102 = arith.constant 128 : i32
      %mul3A_103 = arith.muli %add3A_101, %mul3A_102 : i32
      %run_scoped3A_104 = arith.constant 0 : i32
      "tpu.region"() ({
        %run_scoped3A_132 = tpu.sem_alloc : memref<!tpu.dma_semaphore, #tpu.memory_space<semaphore_mem>>
        %dma_start3A_133 = arith.constant 0 : i32
        %dma_start3A_134 = tpu.memref_slice %arg8[%run_scoped3A_104, %dma_start3A_133] : memref<2x128xi32, #tpu.memory_space<vmem>> -> memref<1x128xi32, #tpu.memory_space<vmem>>
        %dma_start3A_135 = tpu.memref_squeeze %dma_start3A_134 : memref<1x128xi32, #tpu.memory_space<vmem>> -> memref<128xi32, #tpu.memory_space<vmem>>
        %dma_start3A_136 = tpu.memref_slice %arg4[%mul3A_103] : memref<323584xi32, #tpu.memory_space<hbm>> -> memref<128xi32, #tpu.memory_space<hbm>>
        %dma_start3A_137 = arith.constant 0 : i32
        %dma_start3A_138 = tpu.memref_slice %arg8[%run_scoped3A_104, %dma_start3A_137] : memref<2x128xi32, #tpu.memory_space<vmem>> -> memref<1x128xi32, #tpu.memory_space<vmem>>
        %dma_start3A_139 = tpu.memref_squeeze %dma_start3A_138 : memref<1x128xi32, #tpu.memory_space<vmem>> -> memref<128xi32, #tpu.memory_space<vmem>>
        %dma_start3A_140 = tpu.memref_slice %arg4[%mul3A_103] : memref<323584xi32, #tpu.memory_space<hbm>> -> memref<128xi32, #tpu.memory_space<hbm>>
        tpu.enqueue_dma source(%dma_start3A_140 : memref<128xi32, #tpu.memory_space<hbm>>) target(%dma_start3A_139 : memref<128xi32, #tpu.memory_space<vmem>>) target_semaphore(%run_scoped3A_132 : memref<!tpu.dma_semaphore, #tpu.memory_space<semaphore_mem>>)
        %dma_wait3A_141 = arith.constant 0 : i32
        %dma_wait3A_142 = tpu.memref_slice %arg8[%run_scoped3A_104, %dma_wait3A_141] : memref<2x128xi32, #tpu.memory_space<vmem>> -> memref<1x128xi32, #tpu.memory_space<vmem>>
        %dma_wait3A_143 = tpu.memref_squeeze %dma_wait3A_142 : memref<1x128xi32, #tpu.memory_space<vmem>> -> memref<128xi32, #tpu.memory_space<vmem>>
        %dma_wait3A_144 = tpu.memref_slice %arg4[%mul3A_103] : memref<323584xi32, #tpu.memory_space<hbm>> -> memref<128xi32, #tpu.memory_space<hbm>>
        %dma_wait3A_145 = arith.constant 0 : i32
        %dma_wait3A_146 = tpu.memref_slice %arg8[%run_scoped3A_104, %dma_wait3A_145] : memref<2x128xi32, #tpu.memory_space<vmem>> -> memref<1x128xi32, #tpu.memory_space<vmem>>
        %dma_wait3A_147 = tpu.memref_squeeze %dma_wait3A_146 : memref<1x128xi32, #tpu.memory_space<vmem>> -> memref<128xi32, #tpu.memory_space<vmem>>
        %dma_wait3A_148 = tpu.memref_slice %arg4[%mul3A_103] : memref<323584xi32, #tpu.memory_space<hbm>> -> memref<128xi32, #tpu.memory_space<hbm>>
        tpu.wait_dma2 semaphore(%run_scoped3A_132 : memref<!tpu.dma_semaphore, #tpu.memory_space<semaphore_mem>>) src(%dma_wait3A_148 : memref<128xi32, #tpu.memory_space<hbm>>) dst(%dma_wait3A_147 : memref<128xi32, #tpu.memory_space<vmem>>)
        tpu.yield
      }) : () -> ()
      %run_scoped3A_105 = arith.constant 0 : i32
      "tpu.region"() ({
        %run_scoped3A_132 = tpu.sem_alloc : memref<!tpu.dma_semaphore, #tpu.memory_space<semaphore_mem>>
        %dma_start3A_133 = arith.constant 0 : i32
        %dma_start3A_134 = tpu.memref_slice %arg9[%run_scoped3A_105, %dma_start3A_133] : memref<2x128xi32, #tpu.memory_space<vmem>> -> memref<1x128xi32, #tpu.memory_space<vmem>>
        %dma_start3A_135 = tpu.memref_squeeze %dma_start3A_134 : memref<1x128xi32, #tpu.memory_space<vmem>> -> memref<128xi32, #tpu.memory_space<vmem>>
        %dma_start3A_136 = tpu.memref_slice %arg5[%mul3A_103] : memref<323584xi32, #tpu.memory_space<hbm>> -> memref<128xi32, #tpu.memory_space<hbm>>
        %dma_start3A_137 = arith.constant 0 : i32
        %dma_start3A_138 = tpu.memref_slice %arg9[%run_scoped3A_105, %dma_start3A_137] : memref<2x128xi32, #tpu.memory_space<vmem>> -> memref<1x128xi32, #tpu.memory_space<vmem>>
        %dma_start3A_139 = tpu.memref_squeeze %dma_start3A_138 : memref<1x128xi32, #tpu.memory_space<vmem>> -> memref<128xi32, #tpu.memory_space<vmem>>
        %dma_start3A_140 = tpu.memref_slice %arg5[%mul3A_103] : memref<323584xi32, #tpu.memory_space<hbm>> -> memref<128xi32, #tpu.memory_space<hbm>>
        tpu.enqueue_dma source(%dma_start3A_140 : memref<128xi32, #tpu.memory_space<hbm>>) target(%dma_start3A_139 : memref<128xi32, #tpu.memory_space<vmem>>) target_semaphore(%run_scoped3A_132 : memref<!tpu.dma_semaphore, #tpu.memory_space<semaphore_mem>>)
        %dma_wait3A_141 = arith.constant 0 : i32
        %dma_wait3A_142 = tpu.memref_slice %arg9[%run_scoped3A_105, %dma_wait3A_141] : memref<2x128xi32, #tpu.memory_space<vmem>> -> memref<1x128xi32, #tpu.memory_space<vmem>>
        %dma_wait3A_143 = tpu.memref_squeeze %dma_wait3A_142 : memref<1x128xi32, #tpu.memory_space<vmem>> -> memref<128xi32, #tpu.memory_space<vmem>>
        %dma_wait3A_144 = tpu.memref_slice %arg5[%mul3A_103] : memref<323584xi32, #tpu.memory_space<hbm>> -> memref<128xi32, #tpu.memory_space<hbm>>
        %dma_wait3A_145 = arith.constant 0 : i32
        %dma_wait3A_146 = tpu.memref_slice %arg9[%run_scoped3A_105, %dma_wait3A_145] : memref<2x128xi32, #tpu.memory_space<vmem>> -> memref<1x128xi32, #tpu.memory_space<vmem>>
        %dma_wait3A_147 = tpu.memref_squeeze %dma_wait3A_146 : memref<1x128xi32, #tpu.memory_space<vmem>> -> memref<128xi32, #tpu.memory_space<vmem>>
        %dma_wait3A_148 = tpu.memref_slice %arg5[%mul3A_103] : memref<323584xi32, #tpu.memory_space<hbm>> -> memref<128xi32, #tpu.memory_space<hbm>>
        tpu.wait_dma2 semaphore(%run_scoped3A_132 : memref<!tpu.dma_semaphore, #tpu.memory_space<semaphore_mem>>) src(%dma_wait3A_148 : memref<128xi32, #tpu.memory_space<hbm>>) dst(%dma_wait3A_147 : memref<128xi32, #tpu.memory_space<vmem>>)
        tpu.yield
      }) : () -> ()
      %dma_start3A_106 = arith.constant 0 : i32
      %dma_start3A_107 = arith.constant 0 : i32
      %dma_start3A_108 = arith.constant 0 : i32
      %dma_start3A_109 = arith.constant 0 : i32
      %dma_start3A_110 = tpu.memref_slice %arg10[%dma_start3A_107, %dma_start3A_108, %dma_start3A_109] : memref<2x128x128xf32, #tpu.memory_space<vmem>> -> memref<1x128x128xf32, #tpu.memory_space<vmem>>
      %dma_start3A_111 = tpu.memref_squeeze %dma_start3A_110 : memref<1x128x128xf32, #tpu.memory_space<vmem>> -> memref<128x128xf32, #tpu.memory_space<vmem>>
      %dma_start3A_112 = arith.constant 0 : i32
      %dma_start3A_113 = tpu.memref_slice %arg8[%dma_start3A_106, %dma_start3A_112] : memref<2x128xi32, #tpu.memory_space<vmem>> -> memref<1x128xi32, #tpu.memory_space<vmem>>
      %dma_start3A_114 = tpu.memref_squeeze %dma_start3A_113 : memref<1x128xi32, #tpu.memory_space<vmem>> -> memref<128xi32, #tpu.memory_space<vmem>>
      %dma_start3A_115 = arith.constant 0 : i32
      %dma_start3A_116 = arith.constant 0 : i32
      %dma_start3A_117 = tpu.memref_slice %arg2[%dma_start3A_115, %dma_start3A_116] : memref<10000x128xf32, #tpu.memory_space<hbm>> -> memref<10000x128xf32, #tpu.memory_space<hbm>>
      tpu.enqueue_indirect_dma source(%dma_start3A_117 : memref<10000x128xf32, #tpu.memory_space<hbm>>) target(%dma_start3A_111 : memref<128x128xf32, #tpu.memory_space<vmem>>) offsets(%dma_start3A_114 : memref<128xi32, #tpu.memory_space<vmem>>) semaphore(%arg11 : memref<!tpu.dma_semaphore, #tpu.memory_space<semaphore_mem>>)
      %dma_wait3A_118 = arith.constant 1 : i32
      %dma_wait3A_119 = arith.constant 1 : i32
      %dma_wait3A_120 = arith.constant 0 : i32
      %dma_wait3A_121 = arith.constant 0 : i32
      %dma_wait3A_122 = tpu.memref_slice %arg10[%dma_wait3A_119, %dma_wait3A_120, %dma_wait3A_121] : memref<2x128x128xf32, #tpu.memory_space<vmem>> -> memref<1x128x128xf32, #tpu.memory_space<vmem>>
      %dma_wait3A_123 = tpu.memref_squeeze %dma_wait3A_122 : memref<1x128x128xf32, #tpu.memory_space<vmem>> -> memref<128x128xf32, #tpu.memory_space<vmem>>
      %dma_wait3A_124 = arith.constant 0 : i32
      %dma_wait3A_125 = tpu.memref_slice %arg8[%dma_wait3A_118, %dma_wait3A_124] : memref<2x128xi32, #tpu.memory_space<vmem>> -> memref<1x128xi32, #tpu.memory_space<vmem>>
      %dma_wait3A_126 = tpu.memref_squeeze %dma_wait3A_125 : memref<1x128xi32, #tpu.memory_space<vmem>> -> memref<128xi32, #tpu.memory_space<vmem>>
      %dma_wait3A_127 = arith.constant 0 : i32
      %dma_wait3A_128 = arith.constant 0 : i32
      %dma_wait3A_129 = tpu.memref_slice %arg2[%dma_wait3A_127, %dma_wait3A_128] : memref<10000x128xf32, #tpu.memory_space<hbm>> -> memref<10000x128xf32, #tpu.memory_space<hbm>>
      tpu.wait_indirect_dma semaphore(%arg12 : memref<!tpu.dma_semaphore, #tpu.memory_space<semaphore_mem>>) src(%dma_wait3A_129 : memref<10000x128xf32, #tpu.memory_space<hbm>>) dst(%dma_wait3A_123 : memref<128x128xf32, #tpu.memory_space<vmem>>)
      %run_scoped3A_130 = arith.constant 1 : i32
      %run_scoped3A_131 = arith.constant 1 : i32
      "tpu.region"() ({
        %run_scoped3A_132 = tpu.sem_alloc : memref<!tpu.dma_semaphore, #tpu.memory_space<semaphore_mem>>
        %dma_start3A_133 = arith.constant 0 : i32
        %dma_start3A_134 = arith.constant 0 : i32
        %dma_start3A_135 = tpu.memref_slice %arg10[%run_scoped3A_130, %dma_start3A_133, %dma_start3A_134] : memref<2x128x128xf32, #tpu.memory_space<vmem>> -> memref<1x128x128xf32, #tpu.memory_space<vmem>>
        %dma_start3A_136 = tpu.memref_squeeze %dma_start3A_135 : memref<1x128x128xf32, #tpu.memory_space<vmem>> -> memref<128x128xf32, #tpu.memory_space<vmem>>
        %dma_start3A_137 = arith.constant 0 : i32
        %dma_start3A_138 = tpu.memref_slice %arg9[%run_scoped3A_131, %dma_start3A_137] : memref<2x128xi32, #tpu.memory_space<vmem>> -> memref<1x128xi32, #tpu.memory_space<vmem>>
        %dma_start3A_139 = tpu.memref_squeeze %dma_start3A_138 : memref<1x128xi32, #tpu.memory_space<vmem>> -> memref<128xi32, #tpu.memory_space<vmem>>
        %dma_start3A_140 = arith.constant 0 : i32
        %dma_start3A_141 = arith.constant 0 : i32
        %dma_start3A_142 = tpu.memref_slice %arg7[%dma_start3A_140, %dma_start3A_141] : memref<10064x128xf32, #tpu.memory_space<vmem_shared>> -> memref<10064x128xf32, #tpu.memory_space<vmem_shared>>
        tpu.enqueue_indirect_dma source(%dma_start3A_136 : memref<128x128xf32, #tpu.memory_space<vmem>>) target(%dma_start3A_142 : memref<10064x128xf32, #tpu.memory_space<vmem_shared>>) offsets(%dma_start3A_139 : memref<128xi32, #tpu.memory_space<vmem>>) semaphore(%run_scoped3A_132 : memref<!tpu.dma_semaphore, #tpu.memory_space<semaphore_mem>>) {add = true}
        %dma_wait3A_143 = arith.constant 0 : i32
        %dma_wait3A_144 = arith.constant 0 : i32
        %dma_wait3A_145 = tpu.memref_slice %arg10[%run_scoped3A_130, %dma_wait3A_143, %dma_wait3A_144] : memref<2x128x128xf32, #tpu.memory_space<vmem>> -> memref<1x128x128xf32, #tpu.memory_space<vmem>>
        %dma_wait3A_146 = tpu.memref_squeeze %dma_wait3A_145 : memref<1x128x128xf32, #tpu.memory_space<vmem>> -> memref<128x128xf32, #tpu.memory_space<vmem>>
        %dma_wait3A_147 = arith.constant 0 : i32
        %dma_wait3A_148 = tpu.memref_slice %arg9[%run_scoped3A_131, %dma_wait3A_147] : memref<2x128xi32, #tpu.memory_space<vmem>> -> memref<1x128xi32, #tpu.memory_space<vmem>>
        %dma_wait3A_149 = tpu.memref_squeeze %dma_wait3A_148 : memref<1x128xi32, #tpu.memory_space<vmem>> -> memref<128xi32, #tpu.memory_space<vmem>>
        %dma_wait3A_150 = arith.constant 0 : i32
        %dma_wait3A_151 = arith.constant 0 : i32
        %dma_wait3A_152 = tpu.memref_slice %arg7[%dma_wait3A_150, %dma_wait3A_151] : memref<10064x128xf32, #tpu.memory_space<vmem_shared>> -> memref<10064x128xf32, #tpu.memory_space<vmem_shared>>
        tpu.wait_indirect_dma semaphore(%run_scoped3A_132 : memref<!tpu.dma_semaphore, #tpu.memory_space<semaphore_mem>>) src(%dma_wait3A_146 : memref<128x128xf32, #tpu.memory_space<vmem>>) dst(%dma_wait3A_152 : memref<10064x128xf32, #tpu.memory_space<vmem_shared>>)
        tpu.yield
      }) : () -> ()
    }
    %scan3A_29 = arith.constant 39 : i32
    %dma_wait3A = arith.constant 0 : i32
    %dma_wait3A_30 = arith.constant 0 : i32
    %dma_wait3A_31 = arith.constant 0 : i32
    %dma_wait3A_32 = arith.constant 0 : i32
    %dma_wait3A_33 = tpu.memref_slice %arg10[%dma_wait3A_30, %dma_wait3A_31, %dma_wait3A_32] : memref<2x128x128xf32, #tpu.memory_space<vmem>> -> memref<1x128x128xf32, #tpu.memory_space<vmem>>
    %dma_wait3A_34 = tpu.memref_squeeze %dma_wait3A_33 : memref<1x128x128xf32, #tpu.memory_space<vmem>> -> memref<128x128xf32, #tpu.memory_space<vmem>>
    %dma_wait3A_35 = arith.constant 0 : i32
    %dma_wait3A_36 = tpu.memref_slice %arg8[%dma_wait3A, %dma_wait3A_35] : memref<2x128xi32, #tpu.memory_space<vmem>> -> memref<1x128xi32, #tpu.memory_space<vmem>>
    %dma_wait3A_37 = tpu.memref_squeeze %dma_wait3A_36 : memref<1x128xi32, #tpu.memory_space<vmem>> -> memref<128xi32, #tpu.memory_space<vmem>>
    %dma_wait3A_38 = arith.constant 0 : i32
    %dma_wait3A_39 = arith.constant 0 : i32
    %dma_wait3A_40 = tpu.memref_slice %arg2[%dma_wait3A_38, %dma_wait3A_39] : memref<10000x128xf32, #tpu.memory_space<hbm>> -> memref<10000x128xf32, #tpu.memory_space<hbm>>
    tpu.wait_indirect_dma semaphore(%arg11 : memref<!tpu.dma_semaphore, #tpu.memory_space<semaphore_mem>>) src(%dma_wait3A_40 : memref<10000x128xf32, #tpu.memory_space<hbm>>) dst(%dma_wait3A_34 : memref<128x128xf32, #tpu.memory_space<vmem>>)
    %run_scoped3A_41 = arith.constant 0 : i32
    %run_scoped3A_42 = arith.constant 0 : i32
    "tpu.region"() ({
      %run_scoped3A_53 = tpu.sem_alloc : memref<!tpu.dma_semaphore, #tpu.memory_space<semaphore_mem>>
      %dma_start3A_54 = arith.constant 0 : i32
      %dma_start3A_55 = arith.constant 0 : i32
      %dma_start3A_56 = tpu.memref_slice %arg10[%run_scoped3A_41, %dma_start3A_54, %dma_start3A_55] : memref<2x128x128xf32, #tpu.memory_space<vmem>> -> memref<1x128x128xf32, #tpu.memory_space<vmem>>
      %dma_start3A_57 = tpu.memref_squeeze %dma_start3A_56 : memref<1x128x128xf32, #tpu.memory_space<vmem>> -> memref<128x128xf32, #tpu.memory_space<vmem>>
      %dma_start3A_58 = arith.constant 0 : i32
      %dma_start3A_59 = tpu.memref_slice %arg9[%run_scoped3A_42, %dma_start3A_58] : memref<2x128xi32, #tpu.memory_space<vmem>> -> memref<1x128xi32, #tpu.memory_space<vmem>>
      %dma_start3A_60 = tpu.memref_squeeze %dma_start3A_59 : memref<1x128xi32, #tpu.memory_space<vmem>> -> memref<128xi32, #tpu.memory_space<vmem>>
      %dma_start3A_61 = arith.constant 0 : i32
      %dma_start3A_62 = arith.constant 0 : i32
      %dma_start3A_63 = tpu.memref_slice %arg7[%dma_start3A_61, %dma_start3A_62] : memref<10064x128xf32, #tpu.memory_space<vmem_shared>> -> memref<10064x128xf32, #tpu.memory_space<vmem_shared>>
      tpu.enqueue_indirect_dma source(%dma_start3A_57 : memref<128x128xf32, #tpu.memory_space<vmem>>) target(%dma_start3A_63 : memref<10064x128xf32, #tpu.memory_space<vmem_shared>>) offsets(%dma_start3A_60 : memref<128xi32, #tpu.memory_space<vmem>>) semaphore(%run_scoped3A_53 : memref<!tpu.dma_semaphore, #tpu.memory_space<semaphore_mem>>) {add = true}
      %dma_wait3A_64 = arith.constant 0 : i32
      %dma_wait3A_65 = arith.constant 0 : i32
      %dma_wait3A_66 = tpu.memref_slice %arg10[%run_scoped3A_41, %dma_wait3A_64, %dma_wait3A_65] : memref<2x128x128xf32, #tpu.memory_space<vmem>> -> memref<1x128x128xf32, #tpu.memory_space<vmem>>
      %dma_wait3A_67 = tpu.memref_squeeze %dma_wait3A_66 : memref<1x128x128xf32, #tpu.memory_space<vmem>> -> memref<128x128xf32, #tpu.memory_space<vmem>>
      %dma_wait3A_68 = arith.constant 0 : i32
      %dma_wait3A_69 = tpu.memref_slice %arg9[%run_scoped3A_42, %dma_wait3A_68] : memref<2x128xi32, #tpu.memory_space<vmem>> -> memref<1x128xi32, #tpu.memory_space<vmem>>
      %dma_wait3A_70 = tpu.memref_squeeze %dma_wait3A_69 : memref<1x128xi32, #tpu.memory_space<vmem>> -> memref<128xi32, #tpu.memory_space<vmem>>
      %dma_wait3A_71 = arith.constant 0 : i32
      %dma_wait3A_72 = arith.constant 0 : i32
      %dma_wait3A_73 = tpu.memref_slice %arg7[%dma_wait3A_71, %dma_wait3A_72] : memref<10064x128xf32, #tpu.memory_space<vmem_shared>> -> memref<10064x128xf32, #tpu.memory_space<vmem_shared>>
      tpu.wait_indirect_dma semaphore(%run_scoped3A_53 : memref<!tpu.dma_semaphore, #tpu.memory_space<semaphore_mem>>) src(%dma_wait3A_67 : memref<128x128xf32, #tpu.memory_space<vmem>>) dst(%dma_wait3A_73 : memref<10064x128xf32, #tpu.memory_space<vmem_shared>>)
      tpu.yield
    }) : () -> ()
    %barrier3A_43 = arith.constant 0 : index
    tpu.barrier barrier_id(%barrier3A_43)
    %lt3A = arith.constant 15 : i32
    %lt3A_44 = arith.cmpi slt, %arg1, %lt3A : i32
    %convert_element_type3A_45 = arith.extui %lt3A_44 : i1 to i32
    %cond3A_46 = arith.constant 0 : i32
    %cond3A_47 = arith.cmpi ne, %convert_element_type3A_45, %cond3A_46 : i32
    scf.if %cond3A_47 {
      %mul3A_53 = arith.constant 624 : i32
      %mul3A_54 = arith.muli %arg1, %mul3A_53 : i32
      %mul3A_55 = arith.constant 624 : i32
      %mul3A_56 = arith.muli %arg1, %mul3A_55 : i32
      "tpu.region"() ({
        %run_scoped3A_57 = tpu.sem_alloc : memref<!tpu.dma_semaphore, #tpu.memory_space<semaphore_mem>>
        %dma_start3A_58 = arith.constant 0 : i32
        %dma_start3A_59 = tpu.memref_slice %arg6[%arg0, %mul3A_56, %dma_start3A_58] : memref<2x10000x128xf32, #tpu.memory_space<hbm>> -> memref<1x624x128xf32, #tpu.memory_space<hbm>>
        %dma_start3A_60 = tpu.memref_squeeze %dma_start3A_59 : memref<1x624x128xf32, #tpu.memory_space<hbm>> -> memref<624x128xf32, #tpu.memory_space<hbm>>
        %dma_start3A_61 = arith.constant 0 : i32
        %dma_start3A_62 = tpu.memref_slice %arg7[%mul3A_54, %dma_start3A_61] : memref<10064x128xf32, #tpu.memory_space<vmem_shared>> -> memref<624x128xf32, #tpu.memory_space<vmem_shared>>
        tpu.enqueue_dma source(%dma_start3A_62 : memref<624x128xf32, #tpu.memory_space<vmem_shared>>) target(%dma_start3A_60 : memref<624x128xf32, #tpu.memory_space<hbm>>) target_semaphore(%run_scoped3A_57 : memref<!tpu.dma_semaphore, #tpu.memory_space<semaphore_mem>>)
        %dma_wait3A_63 = arith.constant 0 : i32
        %dma_wait3A_64 = tpu.memref_slice %arg6[%arg0, %mul3A_56, %dma_wait3A_63] : memref<2x10000x128xf32, #tpu.memory_space<hbm>> -> memref<1x624x128xf32, #tpu.memory_space<hbm>>
        %dma_wait3A_65 = tpu.memref_squeeze %dma_wait3A_64 : memref<1x624x128xf32, #tpu.memory_space<hbm>> -> memref<624x128xf32, #tpu.memory_space<hbm>>
        %dma_wait3A_66 = arith.constant 0 : i32
        %dma_wait3A_67 = tpu.memref_slice %arg7[%mul3A_54, %dma_wait3A_66] : memref<10064x128xf32, #tpu.memory_space<vmem_shared>> -> memref<624x128xf32, #tpu.memory_space<vmem_shared>>
        tpu.wait_dma2 semaphore(%run_scoped3A_57 : memref<!tpu.dma_semaphore, #tpu.memory_space<semaphore_mem>>) src(%dma_wait3A_67 : memref<624x128xf32, #tpu.memory_space<vmem_shared>>) dst(%dma_wait3A_65 : memref<624x128xf32, #tpu.memory_space<hbm>>)
        tpu.yield
      }) : () -> ()
    } else {
    }
    %eq3A_48 = arith.constant 15 : i32
    %eq3A_49 = arith.cmpi eq, %arg1, %eq3A_48 : i32
    %convert_element_type3A_50 = arith.extui %eq3A_49 : i1 to i32
    %cond3A_51 = arith.constant 0 : i32
    %cond3A_52 = arith.cmpi ne, %convert_element_type3A_50, %cond3A_51 : i32
    scf.if %cond3A_52 {
      "tpu.region"() ({
        %run_scoped3A_53 = tpu.sem_alloc : memref<!tpu.dma_semaphore, #tpu.memory_space<semaphore_mem>>
        %dma_start3A_54 = arith.constant 9360 : i32
        %dma_start3A_55 = arith.constant 0 : i32
        %dma_start3A_56 = tpu.memref_slice %arg6[%arg0, %dma_start3A_54, %dma_start3A_55] : memref<2x10000x128xf32, #tpu.memory_space<hbm>> -> memref<1x640x128xf32, #tpu.memory_space<hbm>>
        %dma_start3A_57 = tpu.memref_squeeze %dma_start3A_56 : memref<1x640x128xf32, #tpu.memory_space<hbm>> -> memref<640x128xf32, #tpu.memory_space<hbm>>
        %dma_start3A_58 = arith.constant 9360 : i32
        %dma_start3A_59 = arith.constant 0 : i32
        %dma_start3A_60 = tpu.memref_slice %arg7[%dma_start3A_58, %dma_start3A_59] : memref<10064x128xf32, #tpu.memory_space<vmem_shared>> -> memref<640x128xf32, #tpu.memory_space<vmem_shared>>
        tpu.enqueue_dma source(%dma_start3A_60 : memref<640x128xf32, #tpu.memory_space<vmem_shared>>) target(%dma_start3A_57 : memref<640x128xf32, #tpu.memory_space<hbm>>) target_semaphore(%run_scoped3A_53 : memref<!tpu.dma_semaphore, #tpu.memory_space<semaphore_mem>>)
        %dma_wait3A_61 = arith.constant 9360 : i32
        %dma_wait3A_62 = arith.constant 0 : i32
        %dma_wait3A_63 = tpu.memref_slice %arg6[%arg0, %dma_wait3A_61, %dma_wait3A_62] : memref<2x10000x128xf32, #tpu.memory_space<hbm>> -> memref<1x640x128xf32, #tpu.memory_space<hbm>>
        %dma_wait3A_64 = tpu.memref_squeeze %dma_wait3A_63 : memref<1x640x128xf32, #tpu.memory_space<hbm>> -> memref<640x128xf32, #tpu.memory_space<hbm>>
        %dma_wait3A_65 = arith.constant 9360 : i32
        %dma_wait3A_66 = arith.constant 0 : i32
        %dma_wait3A_67 = tpu.memref_slice %arg7[%dma_wait3A_65, %dma_wait3A_66] : memref<10064x128xf32, #tpu.memory_space<vmem_shared>> -> memref<640x128xf32, #tpu.memory_space<vmem_shared>>
        tpu.wait_dma2 semaphore(%run_scoped3A_53 : memref<!tpu.dma_semaphore, #tpu.memory_space<semaphore_mem>>) src(%dma_wait3A_67 : memref<640x128xf32, #tpu.memory_space<vmem_shared>>) dst(%dma_wait3A_64 : memref<640x128xf32, #tpu.memory_space<hbm>>)
        tpu.yield
      }) : () -> ()
    } else {
    }
    return
  }
}

#map = affine_map<(d0, d1) -> (0, 0)>
#map1 = affine_map<(d0, d1) -> (0)>
#map2 = affine_map<(d0, d1) -> (0, 0, 0)>
module attributes {stable_mosaic.version = 14 : i64} {
  func.func @_sc_agg_body(%arg0: i32, %arg1: i32, %arg2: memref<10000x128xf32, #tpu.memory_space<hbm>>, %arg3: memref<10064x128xf32, #tpu.memory_space<hbm>>, %arg4: memref<323584xi32, #tpu.memory_space<hbm>>, %arg5: memref<323584xi32, #tpu.memory_space<hbm>>, %arg6: memref<2x10000x128xf32, #tpu.memory_space<hbm>>, %arg7: memref<10064x128xf32, #tpu.memory_space<vmem_shared>>, %arg8: memref<2x128xi32, #tpu.memory_space<vmem>>, %arg9: memref<2x128xi32, #tpu.memory_space<vmem>>, %arg10: memref<2x128x128xf32, #tpu.memory_space<vmem>>, %arg11: memref<!tpu.dma_semaphore, #tpu.memory_space<semaphore_mem>>, %arg12: memref<!tpu.dma_semaphore, #tpu.memory_space<semaphore_mem>>) attributes {dimension_semantics = [#tpu.dimension_semantics<core_parallel>, #tpu.dimension_semantics<subcore_parallel>], iteration_bounds = array<i64: 2, 16>, scalar_prefetch = 0 : i64, scratch_operands = 6 : i64, tpu.core_type = #tpu.core_type<sc_vector_subcore>, window_params = [{transform_indices = #map}, {transform_indices = #map}, {transform_indices = #map1}, {transform_indices = #map1}, {transform_indices = #map2}]} {
    %mul3A = arith.constant 2 : i32
    %mul3A_0 = arith.muli %arg1, %mul3A : i32
    %add3A = arith.addi %mul3A_0, %arg0 : i32
    %eq3A = arith.constant 0 : i32
    %eq3A_1 = arith.cmpi eq, %arg0, %eq3A : i32
    %convert_element_type3A = arith.extui %eq3A_1 : i1 to i32
    %cond3A = arith.constant 0 : i32
    %cond3A_2 = arith.cmpi ne, %convert_element_type3A, %cond3A : i32
    scf.if %cond3A_2 {
      %lt3A_53 = arith.constant 15 : i32
      %lt3A_54 = arith.cmpi slt, %arg1, %lt3A_53 : i32
      %convert_element_type3A_55 = arith.extui %lt3A_54 : i1 to i32
      %cond3A_56 = arith.constant 0 : i32
      %cond3A_57 = arith.cmpi ne, %convert_element_type3A_55, %cond3A_56 : i32
      scf.if %cond3A_57 {
        %mul3A_63 = arith.constant 624 : i32
        %mul3A_64 = arith.muli %arg1, %mul3A_63 : i32
        %mul3A_65 = arith.constant 624 : i32
        %mul3A_66 = arith.muli %arg1, %mul3A_65 : i32
        "tpu.region"() ({
          %run_scoped3A_67 = tpu.sem_alloc : memref<!tpu.dma_semaphore, #tpu.memory_space<semaphore_mem>>
          %dma_start3A_68 = arith.constant 0 : i32
          %dma_start3A_69 = tpu.memref_slice %arg7[%mul3A_66, %dma_start3A_68] : memref<10064x128xf32, #tpu.memory_space<vmem_shared>> -> memref<624x128xf32, #tpu.memory_space<vmem_shared>>
          %dma_start3A_70 = arith.constant 0 : i32
          %dma_start3A_71 = tpu.memref_slice %arg2[%mul3A_64, %dma_start3A_70] : memref<10000x128xf32, #tpu.memory_space<hbm>> -> memref<624x128xf32, #tpu.memory_space<hbm>>
          tpu.enqueue_dma source(%dma_start3A_71 : memref<624x128xf32, #tpu.memory_space<hbm>>) target(%dma_start3A_69 : memref<624x128xf32, #tpu.memory_space<vmem_shared>>) target_semaphore(%run_scoped3A_67 : memref<!tpu.dma_semaphore, #tpu.memory_space<semaphore_mem>>)
          %dma_wait3A_72 = arith.constant 0 : i32
          %dma_wait3A_73 = tpu.memref_slice %arg7[%mul3A_66, %dma_wait3A_72] : memref<10064x128xf32, #tpu.memory_space<vmem_shared>> -> memref<624x128xf32, #tpu.memory_space<vmem_shared>>
          %dma_wait3A_74 = arith.constant 0 : i32
          %dma_wait3A_75 = tpu.memref_slice %arg2[%mul3A_64, %dma_wait3A_74] : memref<10000x128xf32, #tpu.memory_space<hbm>> -> memref<624x128xf32, #tpu.memory_space<hbm>>
          tpu.wait_dma2 semaphore(%run_scoped3A_67 : memref<!tpu.dma_semaphore, #tpu.memory_space<semaphore_mem>>) src(%dma_wait3A_75 : memref<624x128xf32, #tpu.memory_space<hbm>>) dst(%dma_wait3A_73 : memref<624x128xf32, #tpu.memory_space<vmem_shared>>)
          tpu.yield
        }) : () -> ()
      } else {
      }
      %eq3A_58 = arith.constant 15 : i32
      %eq3A_59 = arith.cmpi eq, %arg1, %eq3A_58 : i32
      %convert_element_type3A_60 = arith.extui %eq3A_59 : i1 to i32
      %cond3A_61 = arith.constant 0 : i32
      %cond3A_62 = arith.cmpi ne, %convert_element_type3A_60, %cond3A_61 : i32
      scf.if %cond3A_62 {
        "tpu.region"() ({
          %run_scoped3A_63 = tpu.sem_alloc : memref<!tpu.dma_semaphore, #tpu.memory_space<semaphore_mem>>
          %dma_start3A_64 = arith.constant 9360 : i32
          %dma_start3A_65 = arith.constant 0 : i32
          %dma_start3A_66 = tpu.memref_slice %arg7[%dma_start3A_64, %dma_start3A_65] : memref<10064x128xf32, #tpu.memory_space<vmem_shared>> -> memref<640x128xf32, #tpu.memory_space<vmem_shared>>
          %dma_start3A_67 = arith.constant 9360 : i32
          %dma_start3A_68 = arith.constant 0 : i32
          %dma_start3A_69 = tpu.memref_slice %arg2[%dma_start3A_67, %dma_start3A_68] : memref<10000x128xf32, #tpu.memory_space<hbm>> -> memref<640x128xf32, #tpu.memory_space<hbm>>
          tpu.enqueue_dma source(%dma_start3A_69 : memref<640x128xf32, #tpu.memory_space<hbm>>) target(%dma_start3A_66 : memref<640x128xf32, #tpu.memory_space<vmem_shared>>) target_semaphore(%run_scoped3A_63 : memref<!tpu.dma_semaphore, #tpu.memory_space<semaphore_mem>>)
          %dma_wait3A_70 = arith.constant 9360 : i32
          %dma_wait3A_71 = arith.constant 0 : i32
          %dma_wait3A_72 = tpu.memref_slice %arg7[%dma_wait3A_70, %dma_wait3A_71] : memref<10064x128xf32, #tpu.memory_space<vmem_shared>> -> memref<640x128xf32, #tpu.memory_space<vmem_shared>>
          %dma_wait3A_73 = arith.constant 9360 : i32
          %dma_wait3A_74 = arith.constant 0 : i32
          %dma_wait3A_75 = tpu.memref_slice %arg2[%dma_wait3A_73, %dma_wait3A_74] : memref<10000x128xf32, #tpu.memory_space<hbm>> -> memref<640x128xf32, #tpu.memory_space<hbm>>
          tpu.wait_dma2 semaphore(%run_scoped3A_63 : memref<!tpu.dma_semaphore, #tpu.memory_space<semaphore_mem>>) src(%dma_wait3A_75 : memref<640x128xf32, #tpu.memory_space<hbm>>) dst(%dma_wait3A_72 : memref<640x128xf32, #tpu.memory_space<vmem_shared>>)
          tpu.yield
        }) : () -> ()
        "tpu.region"() ({
          %run_scoped3A_63 = tpu.sem_alloc : memref<!tpu.dma_semaphore, #tpu.memory_space<semaphore_mem>>
          %dma_start3A_64 = arith.constant 10000 : i32
          %dma_start3A_65 = arith.constant 0 : i32
          %dma_start3A_66 = tpu.memref_slice %arg7[%dma_start3A_64, %dma_start3A_65] : memref<10064x128xf32, #tpu.memory_space<vmem_shared>> -> memref<64x128xf32, #tpu.memory_space<vmem_shared>>
          %dma_start3A_67 = arith.constant 0 : i32
          %dma_start3A_68 = arith.constant 0 : i32
          %dma_start3A_69 = tpu.memref_slice %arg3[%dma_start3A_67, %dma_start3A_68] : memref<10064x128xf32, #tpu.memory_space<hbm>> -> memref<64x128xf32, #tpu.memory_space<hbm>>
          tpu.enqueue_dma source(%dma_start3A_69 : memref<64x128xf32, #tpu.memory_space<hbm>>) target(%dma_start3A_66 : memref<64x128xf32, #tpu.memory_space<vmem_shared>>) target_semaphore(%run_scoped3A_63 : memref<!tpu.dma_semaphore, #tpu.memory_space<semaphore_mem>>)
          %dma_wait3A_70 = arith.constant 10000 : i32
          %dma_wait3A_71 = arith.constant 0 : i32
          %dma_wait3A_72 = tpu.memref_slice %arg7[%dma_wait3A_70, %dma_wait3A_71] : memref<10064x128xf32, #tpu.memory_space<vmem_shared>> -> memref<64x128xf32, #tpu.memory_space<vmem_shared>>
          %dma_wait3A_73 = arith.constant 0 : i32
          %dma_wait3A_74 = arith.constant 0 : i32
          %dma_wait3A_75 = tpu.memref_slice %arg3[%dma_wait3A_73, %dma_wait3A_74] : memref<10064x128xf32, #tpu.memory_space<hbm>> -> memref<64x128xf32, #tpu.memory_space<hbm>>
          tpu.wait_dma2 semaphore(%run_scoped3A_63 : memref<!tpu.dma_semaphore, #tpu.memory_space<semaphore_mem>>) src(%dma_wait3A_75 : memref<64x128xf32, #tpu.memory_space<hbm>>) dst(%dma_wait3A_72 : memref<64x128xf32, #tpu.memory_space<vmem_shared>>)
          tpu.yield
        }) : () -> ()
      } else {
      }
    } else {
    }
    %eq3A_3 = arith.constant 1 : i32
    %eq3A_4 = arith.cmpi eq, %arg0, %eq3A_3 : i32
    %convert_element_type3A_5 = arith.extui %eq3A_4 : i1 to i32
    %cond3A_6 = arith.constant 0 : i32
    %cond3A_7 = arith.cmpi ne, %convert_element_type3A_5, %cond3A_6 : i32
    scf.if %cond3A_7 {
      %lt3A_53 = arith.constant 15 : i32
      %lt3A_54 = arith.cmpi slt, %arg1, %lt3A_53 : i32
      %convert_element_type3A_55 = arith.extui %lt3A_54 : i1 to i32
      %cond3A_56 = arith.constant 0 : i32
      %cond3A_57 = arith.cmpi ne, %convert_element_type3A_55, %cond3A_56 : i32
      scf.if %cond3A_57 {
        %mul3A_63 = arith.constant 624 : i32
        %mul3A_64 = arith.muli %arg1, %mul3A_63 : i32
        %mul3A_65 = arith.constant 624 : i32
        %mul3A_66 = arith.muli %arg1, %mul3A_65 : i32
        "tpu.region"() ({
          %run_scoped3A_67 = tpu.sem_alloc : memref<!tpu.dma_semaphore, #tpu.memory_space<semaphore_mem>>
          %dma_start3A_68 = arith.constant 0 : i32
          %dma_start3A_69 = tpu.memref_slice %arg7[%mul3A_66, %dma_start3A_68] : memref<10064x128xf32, #tpu.memory_space<vmem_shared>> -> memref<624x128xf32, #tpu.memory_space<vmem_shared>>
          %dma_start3A_70 = arith.constant 0 : i32
          %dma_start3A_71 = tpu.memref_slice %arg3[%mul3A_64, %dma_start3A_70] : memref<10064x128xf32, #tpu.memory_space<hbm>> -> memref<624x128xf32, #tpu.memory_space<hbm>>
          tpu.enqueue_dma source(%dma_start3A_71 : memref<624x128xf32, #tpu.memory_space<hbm>>) target(%dma_start3A_69 : memref<624x128xf32, #tpu.memory_space<vmem_shared>>) target_semaphore(%run_scoped3A_67 : memref<!tpu.dma_semaphore, #tpu.memory_space<semaphore_mem>>)
          %dma_wait3A_72 = arith.constant 0 : i32
          %dma_wait3A_73 = tpu.memref_slice %arg7[%mul3A_66, %dma_wait3A_72] : memref<10064x128xf32, #tpu.memory_space<vmem_shared>> -> memref<624x128xf32, #tpu.memory_space<vmem_shared>>
          %dma_wait3A_74 = arith.constant 0 : i32
          %dma_wait3A_75 = tpu.memref_slice %arg3[%mul3A_64, %dma_wait3A_74] : memref<10064x128xf32, #tpu.memory_space<hbm>> -> memref<624x128xf32, #tpu.memory_space<hbm>>
          tpu.wait_dma2 semaphore(%run_scoped3A_67 : memref<!tpu.dma_semaphore, #tpu.memory_space<semaphore_mem>>) src(%dma_wait3A_75 : memref<624x128xf32, #tpu.memory_space<hbm>>) dst(%dma_wait3A_73 : memref<624x128xf32, #tpu.memory_space<vmem_shared>>)
          tpu.yield
        }) : () -> ()
      } else {
      }
      %eq3A_58 = arith.constant 15 : i32
      %eq3A_59 = arith.cmpi eq, %arg1, %eq3A_58 : i32
      %convert_element_type3A_60 = arith.extui %eq3A_59 : i1 to i32
      %cond3A_61 = arith.constant 0 : i32
      %cond3A_62 = arith.cmpi ne, %convert_element_type3A_60, %cond3A_61 : i32
      scf.if %cond3A_62 {
        "tpu.region"() ({
          %run_scoped3A_63 = tpu.sem_alloc : memref<!tpu.dma_semaphore, #tpu.memory_space<semaphore_mem>>
          %dma_start3A_64 = arith.constant 9360 : i32
          %dma_start3A_65 = arith.constant 0 : i32
          %dma_start3A_66 = tpu.memref_slice %arg7[%dma_start3A_64, %dma_start3A_65] : memref<10064x128xf32, #tpu.memory_space<vmem_shared>> -> memref<704x128xf32, #tpu.memory_space<vmem_shared>>
          %dma_start3A_67 = arith.constant 9360 : i32
          %dma_start3A_68 = arith.constant 0 : i32
          %dma_start3A_69 = tpu.memref_slice %arg3[%dma_start3A_67, %dma_start3A_68] : memref<10064x128xf32, #tpu.memory_space<hbm>> -> memref<704x128xf32, #tpu.memory_space<hbm>>
          tpu.enqueue_dma source(%dma_start3A_69 : memref<704x128xf32, #tpu.memory_space<hbm>>) target(%dma_start3A_66 : memref<704x128xf32, #tpu.memory_space<vmem_shared>>) target_semaphore(%run_scoped3A_63 : memref<!tpu.dma_semaphore, #tpu.memory_space<semaphore_mem>>)
          %dma_wait3A_70 = arith.constant 9360 : i32
          %dma_wait3A_71 = arith.constant 0 : i32
          %dma_wait3A_72 = tpu.memref_slice %arg7[%dma_wait3A_70, %dma_wait3A_71] : memref<10064x128xf32, #tpu.memory_space<vmem_shared>> -> memref<704x128xf32, #tpu.memory_space<vmem_shared>>
          %dma_wait3A_73 = arith.constant 9360 : i32
          %dma_wait3A_74 = arith.constant 0 : i32
          %dma_wait3A_75 = tpu.memref_slice %arg3[%dma_wait3A_73, %dma_wait3A_74] : memref<10064x128xf32, #tpu.memory_space<hbm>> -> memref<704x128xf32, #tpu.memory_space<hbm>>
          tpu.wait_dma2 semaphore(%run_scoped3A_63 : memref<!tpu.dma_semaphore, #tpu.memory_space<semaphore_mem>>) src(%dma_wait3A_75 : memref<704x128xf32, #tpu.memory_space<hbm>>) dst(%dma_wait3A_72 : memref<704x128xf32, #tpu.memory_space<vmem_shared>>)
          tpu.yield
        }) : () -> ()
      } else {
      }
    } else {
    }
    %barrier3A = arith.constant 0 : index
    tpu.barrier barrier_id(%barrier3A)
    %mul3A_8 = arith.constant 79 : i32
    %mul3A_9 = arith.muli %add3A, %mul3A_8 : i32
    %add3A_10 = arith.constant 0 : i32
    %add3A_11 = arith.addi %mul3A_9, %add3A_10 : i32
    %mul3A_12 = arith.constant 128 : i32
    %mul3A_13 = arith.muli %add3A_11, %mul3A_12 : i32
    %run_scoped3A = arith.constant 0 : i32
    "tpu.region"() ({
      %run_scoped3A_53 = tpu.sem_alloc : memref<!tpu.dma_semaphore, #tpu.memory_space<semaphore_mem>>
      %dma_start3A_54 = arith.constant 0 : i32
      %dma_start3A_55 = tpu.memref_slice %arg8[%run_scoped3A, %dma_start3A_54] : memref<2x128xi32, #tpu.memory_space<vmem>> -> memref<1x128xi32, #tpu.memory_space<vmem>>
      %dma_start3A_56 = tpu.memref_squeeze %dma_start3A_55 : memref<1x128xi32, #tpu.memory_space<vmem>> -> memref<128xi32, #tpu.memory_space<vmem>>
      %dma_start3A_57 = tpu.memref_slice %arg4[%mul3A_13] : memref<323584xi32, #tpu.memory_space<hbm>> -> memref<128xi32, #tpu.memory_space<hbm>>
      %dma_start3A_58 = arith.constant 0 : i32
      %dma_start3A_59 = tpu.memref_slice %arg8[%run_scoped3A, %dma_start3A_58] : memref<2x128xi32, #tpu.memory_space<vmem>> -> memref<1x128xi32, #tpu.memory_space<vmem>>
      %dma_start3A_60 = tpu.memref_squeeze %dma_start3A_59 : memref<1x128xi32, #tpu.memory_space<vmem>> -> memref<128xi32, #tpu.memory_space<vmem>>
      %dma_start3A_61 = tpu.memref_slice %arg4[%mul3A_13] : memref<323584xi32, #tpu.memory_space<hbm>> -> memref<128xi32, #tpu.memory_space<hbm>>
      tpu.enqueue_dma source(%dma_start3A_61 : memref<128xi32, #tpu.memory_space<hbm>>) target(%dma_start3A_60 : memref<128xi32, #tpu.memory_space<vmem>>) target_semaphore(%run_scoped3A_53 : memref<!tpu.dma_semaphore, #tpu.memory_space<semaphore_mem>>)
      %dma_wait3A_62 = arith.constant 0 : i32
      %dma_wait3A_63 = tpu.memref_slice %arg8[%run_scoped3A, %dma_wait3A_62] : memref<2x128xi32, #tpu.memory_space<vmem>> -> memref<1x128xi32, #tpu.memory_space<vmem>>
      %dma_wait3A_64 = tpu.memref_squeeze %dma_wait3A_63 : memref<1x128xi32, #tpu.memory_space<vmem>> -> memref<128xi32, #tpu.memory_space<vmem>>
      %dma_wait3A_65 = tpu.memref_slice %arg4[%mul3A_13] : memref<323584xi32, #tpu.memory_space<hbm>> -> memref<128xi32, #tpu.memory_space<hbm>>
      %dma_wait3A_66 = arith.constant 0 : i32
      %dma_wait3A_67 = tpu.memref_slice %arg8[%run_scoped3A, %dma_wait3A_66] : memref<2x128xi32, #tpu.memory_space<vmem>> -> memref<1x128xi32, #tpu.memory_space<vmem>>
      %dma_wait3A_68 = tpu.memref_squeeze %dma_wait3A_67 : memref<1x128xi32, #tpu.memory_space<vmem>> -> memref<128xi32, #tpu.memory_space<vmem>>
      %dma_wait3A_69 = tpu.memref_slice %arg4[%mul3A_13] : memref<323584xi32, #tpu.memory_space<hbm>> -> memref<128xi32, #tpu.memory_space<hbm>>
      tpu.wait_dma2 semaphore(%run_scoped3A_53 : memref<!tpu.dma_semaphore, #tpu.memory_space<semaphore_mem>>) src(%dma_wait3A_69 : memref<128xi32, #tpu.memory_space<hbm>>) dst(%dma_wait3A_68 : memref<128xi32, #tpu.memory_space<vmem>>)
      tpu.yield
    }) : () -> ()
    %run_scoped3A_14 = arith.constant 0 : i32
    "tpu.region"() ({
      %run_scoped3A_53 = tpu.sem_alloc : memref<!tpu.dma_semaphore, #tpu.memory_space<semaphore_mem>>
      %dma_start3A_54 = arith.constant 0 : i32
      %dma_start3A_55 = tpu.memref_slice %arg9[%run_scoped3A_14, %dma_start3A_54] : memref<2x128xi32, #tpu.memory_space<vmem>> -> memref<1x128xi32, #tpu.memory_space<vmem>>
      %dma_start3A_56 = tpu.memref_squeeze %dma_start3A_55 : memref<1x128xi32, #tpu.memory_space<vmem>> -> memref<128xi32, #tpu.memory_space<vmem>>
      %dma_start3A_57 = tpu.memref_slice %arg5[%mul3A_13] : memref<323584xi32, #tpu.memory_space<hbm>> -> memref<128xi32, #tpu.memory_space<hbm>>
      %dma_start3A_58 = arith.constant 0 : i32
      %dma_start3A_59 = tpu.memref_slice %arg9[%run_scoped3A_14, %dma_start3A_58] : memref<2x128xi32, #tpu.memory_space<vmem>> -> memref<1x128xi32, #tpu.memory_space<vmem>>
      %dma_start3A_60 = tpu.memref_squeeze %dma_start3A_59 : memref<1x128xi32, #tpu.memory_space<vmem>> -> memref<128xi32, #tpu.memory_space<vmem>>
      %dma_start3A_61 = tpu.memref_slice %arg5[%mul3A_13] : memref<323584xi32, #tpu.memory_space<hbm>> -> memref<128xi32, #tpu.memory_space<hbm>>
      tpu.enqueue_dma source(%dma_start3A_61 : memref<128xi32, #tpu.memory_space<hbm>>) target(%dma_start3A_60 : memref<128xi32, #tpu.memory_space<vmem>>) target_semaphore(%run_scoped3A_53 : memref<!tpu.dma_semaphore, #tpu.memory_space<semaphore_mem>>)
      %dma_wait3A_62 = arith.constant 0 : i32
      %dma_wait3A_63 = tpu.memref_slice %arg9[%run_scoped3A_14, %dma_wait3A_62] : memref<2x128xi32, #tpu.memory_space<vmem>> -> memref<1x128xi32, #tpu.memory_space<vmem>>
      %dma_wait3A_64 = tpu.memref_squeeze %dma_wait3A_63 : memref<1x128xi32, #tpu.memory_space<vmem>> -> memref<128xi32, #tpu.memory_space<vmem>>
      %dma_wait3A_65 = tpu.memref_slice %arg5[%mul3A_13] : memref<323584xi32, #tpu.memory_space<hbm>> -> memref<128xi32, #tpu.memory_space<hbm>>
      %dma_wait3A_66 = arith.constant 0 : i32
      %dma_wait3A_67 = tpu.memref_slice %arg9[%run_scoped3A_14, %dma_wait3A_66] : memref<2x128xi32, #tpu.memory_space<vmem>> -> memref<1x128xi32, #tpu.memory_space<vmem>>
      %dma_wait3A_68 = tpu.memref_squeeze %dma_wait3A_67 : memref<1x128xi32, #tpu.memory_space<vmem>> -> memref<128xi32, #tpu.memory_space<vmem>>
      %dma_wait3A_69 = tpu.memref_slice %arg5[%mul3A_13] : memref<323584xi32, #tpu.memory_space<hbm>> -> memref<128xi32, #tpu.memory_space<hbm>>
      tpu.wait_dma2 semaphore(%run_scoped3A_53 : memref<!tpu.dma_semaphore, #tpu.memory_space<semaphore_mem>>) src(%dma_wait3A_69 : memref<128xi32, #tpu.memory_space<hbm>>) dst(%dma_wait3A_68 : memref<128xi32, #tpu.memory_space<vmem>>)
      tpu.yield
    }) : () -> ()
    %dma_start3A = arith.constant 0 : i32
    %dma_start3A_15 = arith.constant 0 : i32
    %dma_start3A_16 = arith.constant 0 : i32
    %dma_start3A_17 = arith.constant 0 : i32
    %dma_start3A_18 = tpu.memref_slice %arg10[%dma_start3A_15, %dma_start3A_16, %dma_start3A_17] : memref<2x128x128xf32, #tpu.memory_space<vmem>> -> memref<1x128x128xf32, #tpu.memory_space<vmem>>
    %dma_start3A_19 = tpu.memref_squeeze %dma_start3A_18 : memref<1x128x128xf32, #tpu.memory_space<vmem>> -> memref<128x128xf32, #tpu.memory_space<vmem>>
    %dma_start3A_20 = arith.constant 0 : i32
    %dma_start3A_21 = tpu.memref_slice %arg8[%dma_start3A, %dma_start3A_20] : memref<2x128xi32, #tpu.memory_space<vmem>> -> memref<1x128xi32, #tpu.memory_space<vmem>>
    %dma_start3A_22 = tpu.memref_squeeze %dma_start3A_21 : memref<1x128xi32, #tpu.memory_space<vmem>> -> memref<128xi32, #tpu.memory_space<vmem>>
    %dma_start3A_23 = arith.constant 0 : i32
    %dma_start3A_24 = arith.constant 0 : i32
    %dma_start3A_25 = tpu.memref_slice %arg2[%dma_start3A_23, %dma_start3A_24] : memref<10000x128xf32, #tpu.memory_space<hbm>> -> memref<10000x128xf32, #tpu.memory_space<hbm>>
    tpu.enqueue_indirect_dma source(%dma_start3A_25 : memref<10000x128xf32, #tpu.memory_space<hbm>>) target(%dma_start3A_19 : memref<128x128xf32, #tpu.memory_space<vmem>>) offsets(%dma_start3A_22 : memref<128xi32, #tpu.memory_space<vmem>>) semaphore(%arg11 : memref<!tpu.dma_semaphore, #tpu.memory_space<semaphore_mem>>)
    %scan3A = arith.constant 0 : i32
    %scan3A_26 = arith.constant 39 : i32
    %scan3A_27 = arith.addi %scan3A, %scan3A_26 : i32
    %scan3A_28 = arith.constant 1 : i32
    scf.for %scan3A_53 = %scan3A to %scan3A_27 step %scan3A_28  : i32 {
      %mul3A_54 = arith.constant 2 : i32
      %mul3A_55 = arith.muli %scan3A_53, %mul3A_54 : i32
      %add3A_56 = arith.constant 0 : i32
      %add3A_57 = arith.addi %add3A_56, %mul3A_55 : i32
      %add3A_58 = arith.constant 0 : i32
      %add3A_59 = arith.addi %add3A_57, %add3A_58 : i32
      %add3A_60 = arith.constant 1 : i32
      %add3A_61 = arith.addi %add3A_59, %add3A_60 : i32
      %mul3A_62 = arith.constant 79 : i32
      %mul3A_63 = arith.muli %add3A, %mul3A_62 : i32
      %add3A_64 = arith.addi %mul3A_63, %add3A_61 : i32
      %mul3A_65 = arith.constant 128 : i32
      %mul3A_66 = arith.muli %add3A_64, %mul3A_65 : i32
      %run_scoped3A_67 = arith.constant 1 : i32
      "tpu.region"() ({
        %run_scoped3A_132 = tpu.sem_alloc : memref<!tpu.dma_semaphore, #tpu.memory_space<semaphore_mem>>
        %dma_start3A_133 = arith.constant 0 : i32
        %dma_start3A_134 = tpu.memref_slice %arg8[%run_scoped3A_67, %dma_start3A_133] : memref<2x128xi32, #tpu.memory_space<vmem>> -> memref<1x128xi32, #tpu.memory_space<vmem>>
        %dma_start3A_135 = tpu.memref_squeeze %dma_start3A_134 : memref<1x128xi32, #tpu.memory_space<vmem>> -> memref<128xi32, #tpu.memory_space<vmem>>
        %dma_start3A_136 = tpu.memref_slice %arg4[%mul3A_66] : memref<323584xi32, #tpu.memory_space<hbm>> -> memref<128xi32, #tpu.memory_space<hbm>>
        %dma_start3A_137 = arith.constant 0 : i32
        %dma_start3A_138 = tpu.memref_slice %arg8[%run_scoped3A_67, %dma_start3A_137] : memref<2x128xi32, #tpu.memory_space<vmem>> -> memref<1x128xi32, #tpu.memory_space<vmem>>
        %dma_start3A_139 = tpu.memref_squeeze %dma_start3A_138 : memref<1x128xi32, #tpu.memory_space<vmem>> -> memref<128xi32, #tpu.memory_space<vmem>>
        %dma_start3A_140 = tpu.memref_slice %arg4[%mul3A_66] : memref<323584xi32, #tpu.memory_space<hbm>> -> memref<128xi32, #tpu.memory_space<hbm>>
        tpu.enqueue_dma source(%dma_start3A_140 : memref<128xi32, #tpu.memory_space<hbm>>) target(%dma_start3A_139 : memref<128xi32, #tpu.memory_space<vmem>>) target_semaphore(%run_scoped3A_132 : memref<!tpu.dma_semaphore, #tpu.memory_space<semaphore_mem>>)
        %dma_wait3A_141 = arith.constant 0 : i32
        %dma_wait3A_142 = tpu.memref_slice %arg8[%run_scoped3A_67, %dma_wait3A_141] : memref<2x128xi32, #tpu.memory_space<vmem>> -> memref<1x128xi32, #tpu.memory_space<vmem>>
        %dma_wait3A_143 = tpu.memref_squeeze %dma_wait3A_142 : memref<1x128xi32, #tpu.memory_space<vmem>> -> memref<128xi32, #tpu.memory_space<vmem>>
        %dma_wait3A_144 = tpu.memref_slice %arg4[%mul3A_66] : memref<323584xi32, #tpu.memory_space<hbm>> -> memref<128xi32, #tpu.memory_space<hbm>>
        %dma_wait3A_145 = arith.constant 0 : i32
        %dma_wait3A_146 = tpu.memref_slice %arg8[%run_scoped3A_67, %dma_wait3A_145] : memref<2x128xi32, #tpu.memory_space<vmem>> -> memref<1x128xi32, #tpu.memory_space<vmem>>
        %dma_wait3A_147 = tpu.memref_squeeze %dma_wait3A_146 : memref<1x128xi32, #tpu.memory_space<vmem>> -> memref<128xi32, #tpu.memory_space<vmem>>
        %dma_wait3A_148 = tpu.memref_slice %arg4[%mul3A_66] : memref<323584xi32, #tpu.memory_space<hbm>> -> memref<128xi32, #tpu.memory_space<hbm>>
        tpu.wait_dma2 semaphore(%run_scoped3A_132 : memref<!tpu.dma_semaphore, #tpu.memory_space<semaphore_mem>>) src(%dma_wait3A_148 : memref<128xi32, #tpu.memory_space<hbm>>) dst(%dma_wait3A_147 : memref<128xi32, #tpu.memory_space<vmem>>)
        tpu.yield
      }) : () -> ()
      %run_scoped3A_68 = arith.constant 1 : i32
      "tpu.region"() ({
        %run_scoped3A_132 = tpu.sem_alloc : memref<!tpu.dma_semaphore, #tpu.memory_space<semaphore_mem>>
        %dma_start3A_133 = arith.constant 0 : i32
        %dma_start3A_134 = tpu.memref_slice %arg9[%run_scoped3A_68, %dma_start3A_133] : memref<2x128xi32, #tpu.memory_space<vmem>> -> memref<1x128xi32, #tpu.memory_space<vmem>>
        %dma_start3A_135 = tpu.memref_squeeze %dma_start3A_134 : memref<1x128xi32, #tpu.memory_space<vmem>> -> memref<128xi32, #tpu.memory_space<vmem>>
        %dma_start3A_136 = tpu.memref_slice %arg5[%mul3A_66] : memref<323584xi32, #tpu.memory_space<hbm>> -> memref<128xi32, #tpu.memory_space<hbm>>
        %dma_start3A_137 = arith.constant 0 : i32
        %dma_start3A_138 = tpu.memref_slice %arg9[%run_scoped3A_68, %dma_start3A_137] : memref<2x128xi32, #tpu.memory_space<vmem>> -> memref<1x128xi32, #tpu.memory_space<vmem>>
        %dma_start3A_139 = tpu.memref_squeeze %dma_start3A_138 : memref<1x128xi32, #tpu.memory_space<vmem>> -> memref<128xi32, #tpu.memory_space<vmem>>
        %dma_start3A_140 = tpu.memref_slice %arg5[%mul3A_66] : memref<323584xi32, #tpu.memory_space<hbm>> -> memref<128xi32, #tpu.memory_space<hbm>>
        tpu.enqueue_dma source(%dma_start3A_140 : memref<128xi32, #tpu.memory_space<hbm>>) target(%dma_start3A_139 : memref<128xi32, #tpu.memory_space<vmem>>) target_semaphore(%run_scoped3A_132 : memref<!tpu.dma_semaphore, #tpu.memory_space<semaphore_mem>>)
        %dma_wait3A_141 = arith.constant 0 : i32
        %dma_wait3A_142 = tpu.memref_slice %arg9[%run_scoped3A_68, %dma_wait3A_141] : memref<2x128xi32, #tpu.memory_space<vmem>> -> memref<1x128xi32, #tpu.memory_space<vmem>>
        %dma_wait3A_143 = tpu.memref_squeeze %dma_wait3A_142 : memref<1x128xi32, #tpu.memory_space<vmem>> -> memref<128xi32, #tpu.memory_space<vmem>>
        %dma_wait3A_144 = tpu.memref_slice %arg5[%mul3A_66] : memref<323584xi32, #tpu.memory_space<hbm>> -> memref<128xi32, #tpu.memory_space<hbm>>
        %dma_wait3A_145 = arith.constant 0 : i32
        %dma_wait3A_146 = tpu.memref_slice %arg9[%run_scoped3A_68, %dma_wait3A_145] : memref<2x128xi32, #tpu.memory_space<vmem>> -> memref<1x128xi32, #tpu.memory_space<vmem>>
        %dma_wait3A_147 = tpu.memref_squeeze %dma_wait3A_146 : memref<1x128xi32, #tpu.memory_space<vmem>> -> memref<128xi32, #tpu.memory_space<vmem>>
        %dma_wait3A_148 = tpu.memref_slice %arg5[%mul3A_66] : memref<323584xi32, #tpu.memory_space<hbm>> -> memref<128xi32, #tpu.memory_space<hbm>>
        tpu.wait_dma2 semaphore(%run_scoped3A_132 : memref<!tpu.dma_semaphore, #tpu.memory_space<semaphore_mem>>) src(%dma_wait3A_148 : memref<128xi32, #tpu.memory_space<hbm>>) dst(%dma_wait3A_147 : memref<128xi32, #tpu.memory_space<vmem>>)
        tpu.yield
      }) : () -> ()
      %dma_start3A_69 = arith.constant 1 : i32
      %dma_start3A_70 = arith.constant 1 : i32
      %dma_start3A_71 = arith.constant 0 : i32
      %dma_start3A_72 = arith.constant 0 : i32
      %dma_start3A_73 = tpu.memref_slice %arg10[%dma_start3A_70, %dma_start3A_71, %dma_start3A_72] : memref<2x128x128xf32, #tpu.memory_space<vmem>> -> memref<1x128x128xf32, #tpu.memory_space<vmem>>
      %dma_start3A_74 = tpu.memref_squeeze %dma_start3A_73 : memref<1x128x128xf32, #tpu.memory_space<vmem>> -> memref<128x128xf32, #tpu.memory_space<vmem>>
      %dma_start3A_75 = arith.constant 0 : i32
      %dma_start3A_76 = tpu.memref_slice %arg8[%dma_start3A_69, %dma_start3A_75] : memref<2x128xi32, #tpu.memory_space<vmem>> -> memref<1x128xi32, #tpu.memory_space<vmem>>
      %dma_start3A_77 = tpu.memref_squeeze %dma_start3A_76 : memref<1x128xi32, #tpu.memory_space<vmem>> -> memref<128xi32, #tpu.memory_space<vmem>>
      %dma_start3A_78 = arith.constant 0 : i32
      %dma_start3A_79 = arith.constant 0 : i32
      %dma_start3A_80 = tpu.memref_slice %arg2[%dma_start3A_78, %dma_start3A_79] : memref<10000x128xf32, #tpu.memory_space<hbm>> -> memref<10000x128xf32, #tpu.memory_space<hbm>>
      tpu.enqueue_indirect_dma source(%dma_start3A_80 : memref<10000x128xf32, #tpu.memory_space<hbm>>) target(%dma_start3A_74 : memref<128x128xf32, #tpu.memory_space<vmem>>) offsets(%dma_start3A_77 : memref<128xi32, #tpu.memory_space<vmem>>) semaphore(%arg12 : memref<!tpu.dma_semaphore, #tpu.memory_space<semaphore_mem>>)
      %dma_wait3A_81 = arith.constant 0 : i32
      %dma_wait3A_82 = arith.constant 0 : i32
      %dma_wait3A_83 = arith.constant 0 : i32
      %dma_wait3A_84 = arith.constant 0 : i32
      %dma_wait3A_85 = tpu.memref_slice %arg10[%dma_wait3A_82, %dma_wait3A_83, %dma_wait3A_84] : memref<2x128x128xf32, #tpu.memory_space<vmem>> -> memref<1x128x128xf32, #tpu.memory_space<vmem>>
      %dma_wait3A_86 = tpu.memref_squeeze %dma_wait3A_85 : memref<1x128x128xf32, #tpu.memory_space<vmem>> -> memref<128x128xf32, #tpu.memory_space<vmem>>
      %dma_wait3A_87 = arith.constant 0 : i32
      %dma_wait3A_88 = tpu.memref_slice %arg8[%dma_wait3A_81, %dma_wait3A_87] : memref<2x128xi32, #tpu.memory_space<vmem>> -> memref<1x128xi32, #tpu.memory_space<vmem>>
      %dma_wait3A_89 = tpu.memref_squeeze %dma_wait3A_88 : memref<1x128xi32, #tpu.memory_space<vmem>> -> memref<128xi32, #tpu.memory_space<vmem>>
      %dma_wait3A_90 = arith.constant 0 : i32
      %dma_wait3A_91 = arith.constant 0 : i32
      %dma_wait3A_92 = tpu.memref_slice %arg2[%dma_wait3A_90, %dma_wait3A_91] : memref<10000x128xf32, #tpu.memory_space<hbm>> -> memref<10000x128xf32, #tpu.memory_space<hbm>>
      tpu.wait_indirect_dma semaphore(%arg11 : memref<!tpu.dma_semaphore, #tpu.memory_space<semaphore_mem>>) src(%dma_wait3A_92 : memref<10000x128xf32, #tpu.memory_space<hbm>>) dst(%dma_wait3A_86 : memref<128x128xf32, #tpu.memory_space<vmem>>)
      %run_scoped3A_93 = arith.constant 0 : i32
      %run_scoped3A_94 = arith.constant 0 : i32
      "tpu.region"() ({
        %run_scoped3A_132 = tpu.sem_alloc : memref<!tpu.dma_semaphore, #tpu.memory_space<semaphore_mem>>
        %dma_start3A_133 = arith.constant 0 : i32
        %dma_start3A_134 = arith.constant 0 : i32
        %dma_start3A_135 = tpu.memref_slice %arg10[%run_scoped3A_93, %dma_start3A_133, %dma_start3A_134] : memref<2x128x128xf32, #tpu.memory_space<vmem>> -> memref<1x128x128xf32, #tpu.memory_space<vmem>>
        %dma_start3A_136 = tpu.memref_squeeze %dma_start3A_135 : memref<1x128x128xf32, #tpu.memory_space<vmem>> -> memref<128x128xf32, #tpu.memory_space<vmem>>
        %dma_start3A_137 = arith.constant 0 : i32
        %dma_start3A_138 = tpu.memref_slice %arg9[%run_scoped3A_94, %dma_start3A_137] : memref<2x128xi32, #tpu.memory_space<vmem>> -> memref<1x128xi32, #tpu.memory_space<vmem>>
        %dma_start3A_139 = tpu.memref_squeeze %dma_start3A_138 : memref<1x128xi32, #tpu.memory_space<vmem>> -> memref<128xi32, #tpu.memory_space<vmem>>
        %dma_start3A_140 = arith.constant 0 : i32
        %dma_start3A_141 = arith.constant 0 : i32
        %dma_start3A_142 = tpu.memref_slice %arg7[%dma_start3A_140, %dma_start3A_141] : memref<10064x128xf32, #tpu.memory_space<vmem_shared>> -> memref<10064x128xf32, #tpu.memory_space<vmem_shared>>
        tpu.enqueue_indirect_dma source(%dma_start3A_136 : memref<128x128xf32, #tpu.memory_space<vmem>>) target(%dma_start3A_142 : memref<10064x128xf32, #tpu.memory_space<vmem_shared>>) offsets(%dma_start3A_139 : memref<128xi32, #tpu.memory_space<vmem>>) semaphore(%run_scoped3A_132 : memref<!tpu.dma_semaphore, #tpu.memory_space<semaphore_mem>>) {add = true}
        %dma_wait3A_143 = arith.constant 0 : i32
        %dma_wait3A_144 = arith.constant 0 : i32
        %dma_wait3A_145 = tpu.memref_slice %arg10[%run_scoped3A_93, %dma_wait3A_143, %dma_wait3A_144] : memref<2x128x128xf32, #tpu.memory_space<vmem>> -> memref<1x128x128xf32, #tpu.memory_space<vmem>>
        %dma_wait3A_146 = tpu.memref_squeeze %dma_wait3A_145 : memref<1x128x128xf32, #tpu.memory_space<vmem>> -> memref<128x128xf32, #tpu.memory_space<vmem>>
        %dma_wait3A_147 = arith.constant 0 : i32
        %dma_wait3A_148 = tpu.memref_slice %arg9[%run_scoped3A_94, %dma_wait3A_147] : memref<2x128xi32, #tpu.memory_space<vmem>> -> memref<1x128xi32, #tpu.memory_space<vmem>>
        %dma_wait3A_149 = tpu.memref_squeeze %dma_wait3A_148 : memref<1x128xi32, #tpu.memory_space<vmem>> -> memref<128xi32, #tpu.memory_space<vmem>>
        %dma_wait3A_150 = arith.constant 0 : i32
        %dma_wait3A_151 = arith.constant 0 : i32
        %dma_wait3A_152 = tpu.memref_slice %arg7[%dma_wait3A_150, %dma_wait3A_151] : memref<10064x128xf32, #tpu.memory_space<vmem_shared>> -> memref<10064x128xf32, #tpu.memory_space<vmem_shared>>
        tpu.wait_indirect_dma semaphore(%run_scoped3A_132 : memref<!tpu.dma_semaphore, #tpu.memory_space<semaphore_mem>>) src(%dma_wait3A_146 : memref<128x128xf32, #tpu.memory_space<vmem>>) dst(%dma_wait3A_152 : memref<10064x128xf32, #tpu.memory_space<vmem_shared>>)
        tpu.yield
      }) : () -> ()
      %add3A_95 = arith.constant 1 : i32
      %add3A_96 = arith.addi %add3A_57, %add3A_95 : i32
      %add3A_97 = arith.constant 1 : i32
      %add3A_98 = arith.addi %add3A_96, %add3A_97 : i32
      %mul3A_99 = arith.constant 79 : i32
      %mul3A_100 = arith.muli %add3A, %mul3A_99 : i32
      %add3A_101 = arith.addi %mul3A_100, %add3A_98 : i32
      %mul3A_102 = arith.constant 128 : i32
      %mul3A_103 = arith.muli %add3A_101, %mul3A_102 : i32
      %run_scoped3A_104 = arith.constant 0 : i32
      "tpu.region"() ({
        %run_scoped3A_132 = tpu.sem_alloc : memref<!tpu.dma_semaphore, #tpu.memory_space<semaphore_mem>>
        %dma_start3A_133 = arith.constant 0 : i32
        %dma_start3A_134 = tpu.memref_slice %arg8[%run_scoped3A_104, %dma_start3A_133] : memref<2x128xi32, #tpu.memory_space<vmem>> -> memref<1x128xi32, #tpu.memory_space<vmem>>
        %dma_start3A_135 = tpu.memref_squeeze %dma_start3A_134 : memref<1x128xi32, #tpu.memory_space<vmem>> -> memref<128xi32, #tpu.memory_space<vmem>>
        %dma_start3A_136 = tpu.memref_slice %arg4[%mul3A_103] : memref<323584xi32, #tpu.memory_space<hbm>> -> memref<128xi32, #tpu.memory_space<hbm>>
        %dma_start3A_137 = arith.constant 0 : i32
        %dma_start3A_138 = tpu.memref_slice %arg8[%run_scoped3A_104, %dma_start3A_137] : memref<2x128xi32, #tpu.memory_space<vmem>> -> memref<1x128xi32, #tpu.memory_space<vmem>>
        %dma_start3A_139 = tpu.memref_squeeze %dma_start3A_138 : memref<1x128xi32, #tpu.memory_space<vmem>> -> memref<128xi32, #tpu.memory_space<vmem>>
        %dma_start3A_140 = tpu.memref_slice %arg4[%mul3A_103] : memref<323584xi32, #tpu.memory_space<hbm>> -> memref<128xi32, #tpu.memory_space<hbm>>
        tpu.enqueue_dma source(%dma_start3A_140 : memref<128xi32, #tpu.memory_space<hbm>>) target(%dma_start3A_139 : memref<128xi32, #tpu.memory_space<vmem>>) target_semaphore(%run_scoped3A_132 : memref<!tpu.dma_semaphore, #tpu.memory_space<semaphore_mem>>)
        %dma_wait3A_141 = arith.constant 0 : i32
        %dma_wait3A_142 = tpu.memref_slice %arg8[%run_scoped3A_104, %dma_wait3A_141] : memref<2x128xi32, #tpu.memory_space<vmem>> -> memref<1x128xi32, #tpu.memory_space<vmem>>
        %dma_wait3A_143 = tpu.memref_squeeze %dma_wait3A_142 : memref<1x128xi32, #tpu.memory_space<vmem>> -> memref<128xi32, #tpu.memory_space<vmem>>
        %dma_wait3A_144 = tpu.memref_slice %arg4[%mul3A_103] : memref<323584xi32, #tpu.memory_space<hbm>> -> memref<128xi32, #tpu.memory_space<hbm>>
        %dma_wait3A_145 = arith.constant 0 : i32
        %dma_wait3A_146 = tpu.memref_slice %arg8[%run_scoped3A_104, %dma_wait3A_145] : memref<2x128xi32, #tpu.memory_space<vmem>> -> memref<1x128xi32, #tpu.memory_space<vmem>>
        %dma_wait3A_147 = tpu.memref_squeeze %dma_wait3A_146 : memref<1x128xi32, #tpu.memory_space<vmem>> -> memref<128xi32, #tpu.memory_space<vmem>>
        %dma_wait3A_148 = tpu.memref_slice %arg4[%mul3A_103] : memref<323584xi32, #tpu.memory_space<hbm>> -> memref<128xi32, #tpu.memory_space<hbm>>
        tpu.wait_dma2 semaphore(%run_scoped3A_132 : memref<!tpu.dma_semaphore, #tpu.memory_space<semaphore_mem>>) src(%dma_wait3A_148 : memref<128xi32, #tpu.memory_space<hbm>>) dst(%dma_wait3A_147 : memref<128xi32, #tpu.memory_space<vmem>>)
        tpu.yield
      }) : () -> ()
      %run_scoped3A_105 = arith.constant 0 : i32
      "tpu.region"() ({
        %run_scoped3A_132 = tpu.sem_alloc : memref<!tpu.dma_semaphore, #tpu.memory_space<semaphore_mem>>
        %dma_start3A_133 = arith.constant 0 : i32
        %dma_start3A_134 = tpu.memref_slice %arg9[%run_scoped3A_105, %dma_start3A_133] : memref<2x128xi32, #tpu.memory_space<vmem>> -> memref<1x128xi32, #tpu.memory_space<vmem>>
        %dma_start3A_135 = tpu.memref_squeeze %dma_start3A_134 : memref<1x128xi32, #tpu.memory_space<vmem>> -> memref<128xi32, #tpu.memory_space<vmem>>
        %dma_start3A_136 = tpu.memref_slice %arg5[%mul3A_103] : memref<323584xi32, #tpu.memory_space<hbm>> -> memref<128xi32, #tpu.memory_space<hbm>>
        %dma_start3A_137 = arith.constant 0 : i32
        %dma_start3A_138 = tpu.memref_slice %arg9[%run_scoped3A_105, %dma_start3A_137] : memref<2x128xi32, #tpu.memory_space<vmem>> -> memref<1x128xi32, #tpu.memory_space<vmem>>
        %dma_start3A_139 = tpu.memref_squeeze %dma_start3A_138 : memref<1x128xi32, #tpu.memory_space<vmem>> -> memref<128xi32, #tpu.memory_space<vmem>>
        %dma_start3A_140 = tpu.memref_slice %arg5[%mul3A_103] : memref<323584xi32, #tpu.memory_space<hbm>> -> memref<128xi32, #tpu.memory_space<hbm>>
        tpu.enqueue_dma source(%dma_start3A_140 : memref<128xi32, #tpu.memory_space<hbm>>) target(%dma_start3A_139 : memref<128xi32, #tpu.memory_space<vmem>>) target_semaphore(%run_scoped3A_132 : memref<!tpu.dma_semaphore, #tpu.memory_space<semaphore_mem>>)
        %dma_wait3A_141 = arith.constant 0 : i32
        %dma_wait3A_142 = tpu.memref_slice %arg9[%run_scoped3A_105, %dma_wait3A_141] : memref<2x128xi32, #tpu.memory_space<vmem>> -> memref<1x128xi32, #tpu.memory_space<vmem>>
        %dma_wait3A_143 = tpu.memref_squeeze %dma_wait3A_142 : memref<1x128xi32, #tpu.memory_space<vmem>> -> memref<128xi32, #tpu.memory_space<vmem>>
        %dma_wait3A_144 = tpu.memref_slice %arg5[%mul3A_103] : memref<323584xi32, #tpu.memory_space<hbm>> -> memref<128xi32, #tpu.memory_space<hbm>>
        %dma_wait3A_145 = arith.constant 0 : i32
        %dma_wait3A_146 = tpu.memref_slice %arg9[%run_scoped3A_105, %dma_wait3A_145] : memref<2x128xi32, #tpu.memory_space<vmem>> -> memref<1x128xi32, #tpu.memory_space<vmem>>
        %dma_wait3A_147 = tpu.memref_squeeze %dma_wait3A_146 : memref<1x128xi32, #tpu.memory_space<vmem>> -> memref<128xi32, #tpu.memory_space<vmem>>
        %dma_wait3A_148 = tpu.memref_slice %arg5[%mul3A_103] : memref<323584xi32, #tpu.memory_space<hbm>> -> memref<128xi32, #tpu.memory_space<hbm>>
        tpu.wait_dma2 semaphore(%run_scoped3A_132 : memref<!tpu.dma_semaphore, #tpu.memory_space<semaphore_mem>>) src(%dma_wait3A_148 : memref<128xi32, #tpu.memory_space<hbm>>) dst(%dma_wait3A_147 : memref<128xi32, #tpu.memory_space<vmem>>)
        tpu.yield
      }) : () -> ()
      %dma_start3A_106 = arith.constant 0 : i32
      %dma_start3A_107 = arith.constant 0 : i32
      %dma_start3A_108 = arith.constant 0 : i32
      %dma_start3A_109 = arith.constant 0 : i32
      %dma_start3A_110 = tpu.memref_slice %arg10[%dma_start3A_107, %dma_start3A_108, %dma_start3A_109] : memref<2x128x128xf32, #tpu.memory_space<vmem>> -> memref<1x128x128xf32, #tpu.memory_space<vmem>>
      %dma_start3A_111 = tpu.memref_squeeze %dma_start3A_110 : memref<1x128x128xf32, #tpu.memory_space<vmem>> -> memref<128x128xf32, #tpu.memory_space<vmem>>
      %dma_start3A_112 = arith.constant 0 : i32
      %dma_start3A_113 = tpu.memref_slice %arg8[%dma_start3A_106, %dma_start3A_112] : memref<2x128xi32, #tpu.memory_space<vmem>> -> memref<1x128xi32, #tpu.memory_space<vmem>>
      %dma_start3A_114 = tpu.memref_squeeze %dma_start3A_113 : memref<1x128xi32, #tpu.memory_space<vmem>> -> memref<128xi32, #tpu.memory_space<vmem>>
      %dma_start3A_115 = arith.constant 0 : i32
      %dma_start3A_116 = arith.constant 0 : i32
      %dma_start3A_117 = tpu.memref_slice %arg2[%dma_start3A_115, %dma_start3A_116] : memref<10000x128xf32, #tpu.memory_space<hbm>> -> memref<10000x128xf32, #tpu.memory_space<hbm>>
      tpu.enqueue_indirect_dma source(%dma_start3A_117 : memref<10000x128xf32, #tpu.memory_space<hbm>>) target(%dma_start3A_111 : memref<128x128xf32, #tpu.memory_space<vmem>>) offsets(%dma_start3A_114 : memref<128xi32, #tpu.memory_space<vmem>>) semaphore(%arg11 : memref<!tpu.dma_semaphore, #tpu.memory_space<semaphore_mem>>)
      %dma_wait3A_118 = arith.constant 1 : i32
      %dma_wait3A_119 = arith.constant 1 : i32
      %dma_wait3A_120 = arith.constant 0 : i32
      %dma_wait3A_121 = arith.constant 0 : i32
      %dma_wait3A_122 = tpu.memref_slice %arg10[%dma_wait3A_119, %dma_wait3A_120, %dma_wait3A_121] : memref<2x128x128xf32, #tpu.memory_space<vmem>> -> memref<1x128x128xf32, #tpu.memory_space<vmem>>
      %dma_wait3A_123 = tpu.memref_squeeze %dma_wait3A_122 : memref<1x128x128xf32, #tpu.memory_space<vmem>> -> memref<128x128xf32, #tpu.memory_space<vmem>>
      %dma_wait3A_124 = arith.constant 0 : i32
      %dma_wait3A_125 = tpu.memref_slice %arg8[%dma_wait3A_118, %dma_wait3A_124] : memref<2x128xi32, #tpu.memory_space<vmem>> -> memref<1x128xi32, #tpu.memory_space<vmem>>
      %dma_wait3A_126 = tpu.memref_squeeze %dma_wait3A_125 : memref<1x128xi32, #tpu.memory_space<vmem>> -> memref<128xi32, #tpu.memory_space<vmem>>
      %dma_wait3A_127 = arith.constant 0 : i32
      %dma_wait3A_128 = arith.constant 0 : i32
      %dma_wait3A_129 = tpu.memref_slice %arg2[%dma_wait3A_127, %dma_wait3A_128] : memref<10000x128xf32, #tpu.memory_space<hbm>> -> memref<10000x128xf32, #tpu.memory_space<hbm>>
      tpu.wait_indirect_dma semaphore(%arg12 : memref<!tpu.dma_semaphore, #tpu.memory_space<semaphore_mem>>) src(%dma_wait3A_129 : memref<10000x128xf32, #tpu.memory_space<hbm>>) dst(%dma_wait3A_123 : memref<128x128xf32, #tpu.memory_space<vmem>>)
      %run_scoped3A_130 = arith.constant 1 : i32
      %run_scoped3A_131 = arith.constant 1 : i32
      "tpu.region"() ({
        %run_scoped3A_132 = tpu.sem_alloc : memref<!tpu.dma_semaphore, #tpu.memory_space<semaphore_mem>>
        %dma_start3A_133 = arith.constant 0 : i32
        %dma_start3A_134 = arith.constant 0 : i32
        %dma_start3A_135 = tpu.memref_slice %arg10[%run_scoped3A_130, %dma_start3A_133, %dma_start3A_134] : memref<2x128x128xf32, #tpu.memory_space<vmem>> -> memref<1x128x128xf32, #tpu.memory_space<vmem>>
        %dma_start3A_136 = tpu.memref_squeeze %dma_start3A_135 : memref<1x128x128xf32, #tpu.memory_space<vmem>> -> memref<128x128xf32, #tpu.memory_space<vmem>>
        %dma_start3A_137 = arith.constant 0 : i32
        %dma_start3A_138 = tpu.memref_slice %arg9[%run_scoped3A_131, %dma_start3A_137] : memref<2x128xi32, #tpu.memory_space<vmem>> -> memref<1x128xi32, #tpu.memory_space<vmem>>
        %dma_start3A_139 = tpu.memref_squeeze %dma_start3A_138 : memref<1x128xi32, #tpu.memory_space<vmem>> -> memref<128xi32, #tpu.memory_space<vmem>>
        %dma_start3A_140 = arith.constant 0 : i32
        %dma_start3A_141 = arith.constant 0 : i32
        %dma_start3A_142 = tpu.memref_slice %arg7[%dma_start3A_140, %dma_start3A_141] : memref<10064x128xf32, #tpu.memory_space<vmem_shared>> -> memref<10064x128xf32, #tpu.memory_space<vmem_shared>>
        tpu.enqueue_indirect_dma source(%dma_start3A_136 : memref<128x128xf32, #tpu.memory_space<vmem>>) target(%dma_start3A_142 : memref<10064x128xf32, #tpu.memory_space<vmem_shared>>) offsets(%dma_start3A_139 : memref<128xi32, #tpu.memory_space<vmem>>) semaphore(%run_scoped3A_132 : memref<!tpu.dma_semaphore, #tpu.memory_space<semaphore_mem>>) {add = true}
        %dma_wait3A_143 = arith.constant 0 : i32
        %dma_wait3A_144 = arith.constant 0 : i32
        %dma_wait3A_145 = tpu.memref_slice %arg10[%run_scoped3A_130, %dma_wait3A_143, %dma_wait3A_144] : memref<2x128x128xf32, #tpu.memory_space<vmem>> -> memref<1x128x128xf32, #tpu.memory_space<vmem>>
        %dma_wait3A_146 = tpu.memref_squeeze %dma_wait3A_145 : memref<1x128x128xf32, #tpu.memory_space<vmem>> -> memref<128x128xf32, #tpu.memory_space<vmem>>
        %dma_wait3A_147 = arith.constant 0 : i32
        %dma_wait3A_148 = tpu.memref_slice %arg9[%run_scoped3A_131, %dma_wait3A_147] : memref<2x128xi32, #tpu.memory_space<vmem>> -> memref<1x128xi32, #tpu.memory_space<vmem>>
        %dma_wait3A_149 = tpu.memref_squeeze %dma_wait3A_148 : memref<1x128xi32, #tpu.memory_space<vmem>> -> memref<128xi32, #tpu.memory_space<vmem>>
        %dma_wait3A_150 = arith.constant 0 : i32
        %dma_wait3A_151 = arith.constant 0 : i32
        %dma_wait3A_152 = tpu.memref_slice %arg7[%dma_wait3A_150, %dma_wait3A_151] : memref<10064x128xf32, #tpu.memory_space<vmem_shared>> -> memref<10064x128xf32, #tpu.memory_space<vmem_shared>>
        tpu.wait_indirect_dma semaphore(%run_scoped3A_132 : memref<!tpu.dma_semaphore, #tpu.memory_space<semaphore_mem>>) src(%dma_wait3A_146 : memref<128x128xf32, #tpu.memory_space<vmem>>) dst(%dma_wait3A_152 : memref<10064x128xf32, #tpu.memory_space<vmem_shared>>)
        tpu.yield
      }) : () -> ()
    }
    %scan3A_29 = arith.constant 39 : i32
    %dma_wait3A = arith.constant 0 : i32
    %dma_wait3A_30 = arith.constant 0 : i32
    %dma_wait3A_31 = arith.constant 0 : i32
    %dma_wait3A_32 = arith.constant 0 : i32
    %dma_wait3A_33 = tpu.memref_slice %arg10[%dma_wait3A_30, %dma_wait3A_31, %dma_wait3A_32] : memref<2x128x128xf32, #tpu.memory_space<vmem>> -> memref<1x128x128xf32, #tpu.memory_space<vmem>>
    %dma_wait3A_34 = tpu.memref_squeeze %dma_wait3A_33 : memref<1x128x128xf32, #tpu.memory_space<vmem>> -> memref<128x128xf32, #tpu.memory_space<vmem>>
    %dma_wait3A_35 = arith.constant 0 : i32
    %dma_wait3A_36 = tpu.memref_slice %arg8[%dma_wait3A, %dma_wait3A_35] : memref<2x128xi32, #tpu.memory_space<vmem>> -> memref<1x128xi32, #tpu.memory_space<vmem>>
    %dma_wait3A_37 = tpu.memref_squeeze %dma_wait3A_36 : memref<1x128xi32, #tpu.memory_space<vmem>> -> memref<128xi32, #tpu.memory_space<vmem>>
    %dma_wait3A_38 = arith.constant 0 : i32
    %dma_wait3A_39 = arith.constant 0 : i32
    %dma_wait3A_40 = tpu.memref_slice %arg2[%dma_wait3A_38, %dma_wait3A_39] : memref<10000x128xf32, #tpu.memory_space<hbm>> -> memref<10000x128xf32, #tpu.memory_space<hbm>>
    tpu.wait_indirect_dma semaphore(%arg11 : memref<!tpu.dma_semaphore, #tpu.memory_space<semaphore_mem>>) src(%dma_wait3A_40 : memref<10000x128xf32, #tpu.memory_space<hbm>>) dst(%dma_wait3A_34 : memref<128x128xf32, #tpu.memory_space<vmem>>)
    %run_scoped3A_41 = arith.constant 0 : i32
    %run_scoped3A_42 = arith.constant 0 : i32
    "tpu.region"() ({
      %run_scoped3A_53 = tpu.sem_alloc : memref<!tpu.dma_semaphore, #tpu.memory_space<semaphore_mem>>
      %dma_start3A_54 = arith.constant 0 : i32
      %dma_start3A_55 = arith.constant 0 : i32
      %dma_start3A_56 = tpu.memref_slice %arg10[%run_scoped3A_41, %dma_start3A_54, %dma_start3A_55] : memref<2x128x128xf32, #tpu.memory_space<vmem>> -> memref<1x128x128xf32, #tpu.memory_space<vmem>>
      %dma_start3A_57 = tpu.memref_squeeze %dma_start3A_56 : memref<1x128x128xf32, #tpu.memory_space<vmem>> -> memref<128x128xf32, #tpu.memory_space<vmem>>
      %dma_start3A_58 = arith.constant 0 : i32
      %dma_start3A_59 = tpu.memref_slice %arg9[%run_scoped3A_42, %dma_start3A_58] : memref<2x128xi32, #tpu.memory_space<vmem>> -> memref<1x128xi32, #tpu.memory_space<vmem>>
      %dma_start3A_60 = tpu.memref_squeeze %dma_start3A_59 : memref<1x128xi32, #tpu.memory_space<vmem>> -> memref<128xi32, #tpu.memory_space<vmem>>
      %dma_start3A_61 = arith.constant 0 : i32
      %dma_start3A_62 = arith.constant 0 : i32
      %dma_start3A_63 = tpu.memref_slice %arg7[%dma_start3A_61, %dma_start3A_62] : memref<10064x128xf32, #tpu.memory_space<vmem_shared>> -> memref<10064x128xf32, #tpu.memory_space<vmem_shared>>
      tpu.enqueue_indirect_dma source(%dma_start3A_57 : memref<128x128xf32, #tpu.memory_space<vmem>>) target(%dma_start3A_63 : memref<10064x128xf32, #tpu.memory_space<vmem_shared>>) offsets(%dma_start3A_60 : memref<128xi32, #tpu.memory_space<vmem>>) semaphore(%run_scoped3A_53 : memref<!tpu.dma_semaphore, #tpu.memory_space<semaphore_mem>>) {add = true}
      %dma_wait3A_64 = arith.constant 0 : i32
      %dma_wait3A_65 = arith.constant 0 : i32
      %dma_wait3A_66 = tpu.memref_slice %arg10[%run_scoped3A_41, %dma_wait3A_64, %dma_wait3A_65] : memref<2x128x128xf32, #tpu.memory_space<vmem>> -> memref<1x128x128xf32, #tpu.memory_space<vmem>>
      %dma_wait3A_67 = tpu.memref_squeeze %dma_wait3A_66 : memref<1x128x128xf32, #tpu.memory_space<vmem>> -> memref<128x128xf32, #tpu.memory_space<vmem>>
      %dma_wait3A_68 = arith.constant 0 : i32
      %dma_wait3A_69 = tpu.memref_slice %arg9[%run_scoped3A_42, %dma_wait3A_68] : memref<2x128xi32, #tpu.memory_space<vmem>> -> memref<1x128xi32, #tpu.memory_space<vmem>>
      %dma_wait3A_70 = tpu.memref_squeeze %dma_wait3A_69 : memref<1x128xi32, #tpu.memory_space<vmem>> -> memref<128xi32, #tpu.memory_space<vmem>>
      %dma_wait3A_71 = arith.constant 0 : i32
      %dma_wait3A_72 = arith.constant 0 : i32
      %dma_wait3A_73 = tpu.memref_slice %arg7[%dma_wait3A_71, %dma_wait3A_72] : memref<10064x128xf32, #tpu.memory_space<vmem_shared>> -> memref<10064x128xf32, #tpu.memory_space<vmem_shared>>
      tpu.wait_indirect_dma semaphore(%run_scoped3A_53 : memref<!tpu.dma_semaphore, #tpu.memory_space<semaphore_mem>>) src(%dma_wait3A_67 : memref<128x128xf32, #tpu.memory_space<vmem>>) dst(%dma_wait3A_73 : memref<10064x128xf32, #tpu.memory_space<vmem_shared>>)
      tpu.yield
    }) : () -> ()
    %barrier3A_43 = arith.constant 0 : index
    tpu.barrier barrier_id(%barrier3A_43)
    %lt3A = arith.constant 15 : i32
    %lt3A_44 = arith.cmpi slt, %arg1, %lt3A : i32
    %convert_element_type3A_45 = arith.extui %lt3A_44 : i1 to i32
    %cond3A_46 = arith.constant 0 : i32
    %cond3A_47 = arith.cmpi ne, %convert_element_type3A_45, %cond3A_46 : i32
    scf.if %cond3A_47 {
      %mul3A_53 = arith.constant 624 : i32
      %mul3A_54 = arith.muli %arg1, %mul3A_53 : i32
      %mul3A_55 = arith.constant 624 : i32
      %mul3A_56 = arith.muli %arg1, %mul3A_55 : i32
      "tpu.region"() ({
        %run_scoped3A_57 = tpu.sem_alloc : memref<!tpu.dma_semaphore, #tpu.memory_space<semaphore_mem>>
        %dma_start3A_58 = arith.constant 0 : i32
        %dma_start3A_59 = tpu.memref_slice %arg6[%arg0, %mul3A_56, %dma_start3A_58] : memref<2x10000x128xf32, #tpu.memory_space<hbm>> -> memref<1x624x128xf32, #tpu.memory_space<hbm>>
        %dma_start3A_60 = tpu.memref_squeeze %dma_start3A_59 : memref<1x624x128xf32, #tpu.memory_space<hbm>> -> memref<624x128xf32, #tpu.memory_space<hbm>>
        %dma_start3A_61 = arith.constant 0 : i32
        %dma_start3A_62 = tpu.memref_slice %arg7[%mul3A_54, %dma_start3A_61] : memref<10064x128xf32, #tpu.memory_space<vmem_shared>> -> memref<624x128xf32, #tpu.memory_space<vmem_shared>>
        tpu.enqueue_dma source(%dma_start3A_62 : memref<624x128xf32, #tpu.memory_space<vmem_shared>>) target(%dma_start3A_60 : memref<624x128xf32, #tpu.memory_space<hbm>>) target_semaphore(%run_scoped3A_57 : memref<!tpu.dma_semaphore, #tpu.memory_space<semaphore_mem>>)
        %dma_wait3A_63 = arith.constant 0 : i32
        %dma_wait3A_64 = tpu.memref_slice %arg6[%arg0, %mul3A_56, %dma_wait3A_63] : memref<2x10000x128xf32, #tpu.memory_space<hbm>> -> memref<1x624x128xf32, #tpu.memory_space<hbm>>
        %dma_wait3A_65 = tpu.memref_squeeze %dma_wait3A_64 : memref<1x624x128xf32, #tpu.memory_space<hbm>> -> memref<624x128xf32, #tpu.memory_space<hbm>>
        %dma_wait3A_66 = arith.constant 0 : i32
        %dma_wait3A_67 = tpu.memref_slice %arg7[%mul3A_54, %dma_wait3A_66] : memref<10064x128xf32, #tpu.memory_space<vmem_shared>> -> memref<624x128xf32, #tpu.memory_space<vmem_shared>>
        tpu.wait_dma2 semaphore(%run_scoped3A_57 : memref<!tpu.dma_semaphore, #tpu.memory_space<semaphore_mem>>) src(%dma_wait3A_67 : memref<624x128xf32, #tpu.memory_space<vmem_shared>>) dst(%dma_wait3A_65 : memref<624x128xf32, #tpu.memory_space<hbm>>)
        tpu.yield
      }) : () -> ()
    } else {
    }
    %eq3A_48 = arith.constant 15 : i32
    %eq3A_49 = arith.cmpi eq, %arg1, %eq3A_48 : i32
    %convert_element_type3A_50 = arith.extui %eq3A_49 : i1 to i32
    %cond3A_51 = arith.constant 0 : i32
    %cond3A_52 = arith.cmpi ne, %convert_element_type3A_50, %cond3A_51 : i32
    scf.if %cond3A_52 {
      "tpu.region"() ({
        %run_scoped3A_53 = tpu.sem_alloc : memref<!tpu.dma_semaphore, #tpu.memory_space<semaphore_mem>>
        %dma_start3A_54 = arith.constant 9360 : i32
        %dma_start3A_55 = arith.constant 0 : i32
        %dma_start3A_56 = tpu.memref_slice %arg6[%arg0, %dma_start3A_54, %dma_start3A_55] : memref<2x10000x128xf32, #tpu.memory_space<hbm>> -> memref<1x640x128xf32, #tpu.memory_space<hbm>>
        %dma_start3A_57 = tpu.memref_squeeze %dma_start3A_56 : memref<1x640x128xf32, #tpu.memory_space<hbm>> -> memref<640x128xf32, #tpu.memory_space<hbm>>
        %dma_start3A_58 = arith.constant 9360 : i32
        %dma_start3A_59 = arith.constant 0 : i32
        %dma_start3A_60 = tpu.memref_slice %arg7[%dma_start3A_58, %dma_start3A_59] : memref<10064x128xf32, #tpu.memory_space<vmem_shared>> -> memref<640x128xf32, #tpu.memory_space<vmem_shared>>
        tpu.enqueue_dma source(%dma_start3A_60 : memref<640x128xf32, #tpu.memory_space<vmem_shared>>) target(%dma_start3A_57 : memref<640x128xf32, #tpu.memory_space<hbm>>) target_semaphore(%run_scoped3A_53 : memref<!tpu.dma_semaphore, #tpu.memory_space<semaphore_mem>>)
        %dma_wait3A_61 = arith.constant 9360 : i32
        %dma_wait3A_62 = arith.constant 0 : i32
        %dma_wait3A_63 = tpu.memref_slice %arg6[%arg0, %dma_wait3A_61, %dma_wait3A_62] : memref<2x10000x128xf32, #tpu.memory_space<hbm>> -> memref<1x640x128xf32, #tpu.memory_space<hbm>>
        %dma_wait3A_64 = tpu.memref_squeeze %dma_wait3A_63 : memref<1x640x128xf32, #tpu.memory_space<hbm>> -> memref<640x128xf32, #tpu.memory_space<hbm>>
        %dma_wait3A_65 = arith.constant 9360 : i32
        %dma_wait3A_66 = arith.constant 0 : i32
        %dma_wait3A_67 = tpu.memref_slice %arg7[%dma_wait3A_65, %dma_wait3A_66] : memref<10064x128xf32, #tpu.memory_space<vmem_shared>> -> memref<640x128xf32, #tpu.memory_space<vmem_shared>>
        tpu.wait_dma2 semaphore(%run_scoped3A_53 : memref<!tpu.dma_semaphore, #tpu.memory_space<semaphore_mem>>) src(%dma_wait3A_67 : memref<640x128xf32, #tpu.memory_space<vmem_shared>>) dst(%dma_wait3A_64 : memref<640x128xf32, #tpu.memory_space<hbm>>)
        tpu.yield
      }) : () -> ()
    } else {
    }
    return
  }
}

#map = affine_map<(d0, d1) -> (0, 0)>
#map1 = affine_map<(d0, d1) -> (0)>
#map2 = affine_map<(d0, d1) -> (0, 0, 0)>
module attributes {stable_mosaic.version = 14 : i64} {
  func.func @_sc_agg_body(%arg0: i32, %arg1: i32, %arg2: memref<10000x128xf32, #tpu.memory_space<hbm>>, %arg3: memref<10064x128xf32, #tpu.memory_space<hbm>>, %arg4: memref<323584xi32, #tpu.memory_space<hbm>>, %arg5: memref<323584xi32, #tpu.memory_space<hbm>>, %arg6: memref<2x10000x128xf32, #tpu.memory_space<hbm>>, %arg7: memref<10064x128xf32, #tpu.memory_space<vmem_shared>>, %arg8: memref<2x128xi32, #tpu.memory_space<vmem>>, %arg9: memref<2x128xi32, #tpu.memory_space<vmem>>, %arg10: memref<2x128x128xf32, #tpu.memory_space<vmem>>, %arg11: memref<!tpu.dma_semaphore, #tpu.memory_space<semaphore_mem>>, %arg12: memref<!tpu.dma_semaphore, #tpu.memory_space<semaphore_mem>>) attributes {dimension_semantics = [#tpu.dimension_semantics<core_parallel>, #tpu.dimension_semantics<subcore_parallel>], iteration_bounds = array<i64: 2, 16>, scalar_prefetch = 0 : i64, scratch_operands = 6 : i64, tpu.core_type = #tpu.core_type<sc_vector_subcore>, window_params = [{transform_indices = #map}, {transform_indices = #map}, {transform_indices = #map1}, {transform_indices = #map1}, {transform_indices = #map2}]} {
    %mul3A = arith.constant 2 : i32
    %mul3A_0 = arith.muli %arg1, %mul3A : i32
    %add3A = arith.addi %mul3A_0, %arg0 : i32
    %eq3A = arith.constant 0 : i32
    %eq3A_1 = arith.cmpi eq, %arg0, %eq3A : i32
    %convert_element_type3A = arith.extui %eq3A_1 : i1 to i32
    %cond3A = arith.constant 0 : i32
    %cond3A_2 = arith.cmpi ne, %convert_element_type3A, %cond3A : i32
    scf.if %cond3A_2 {
      %lt3A_53 = arith.constant 15 : i32
      %lt3A_54 = arith.cmpi slt, %arg1, %lt3A_53 : i32
      %convert_element_type3A_55 = arith.extui %lt3A_54 : i1 to i32
      %cond3A_56 = arith.constant 0 : i32
      %cond3A_57 = arith.cmpi ne, %convert_element_type3A_55, %cond3A_56 : i32
      scf.if %cond3A_57 {
        %mul3A_63 = arith.constant 624 : i32
        %mul3A_64 = arith.muli %arg1, %mul3A_63 : i32
        %mul3A_65 = arith.constant 624 : i32
        %mul3A_66 = arith.muli %arg1, %mul3A_65 : i32
        "tpu.region"() ({
          %run_scoped3A_67 = tpu.sem_alloc : memref<!tpu.dma_semaphore, #tpu.memory_space<semaphore_mem>>
          %dma_start3A_68 = arith.constant 0 : i32
          %dma_start3A_69 = tpu.memref_slice %arg7[%mul3A_66, %dma_start3A_68] : memref<10064x128xf32, #tpu.memory_space<vmem_shared>> -> memref<624x128xf32, #tpu.memory_space<vmem_shared>>
          %dma_start3A_70 = arith.constant 0 : i32
          %dma_start3A_71 = tpu.memref_slice %arg2[%mul3A_64, %dma_start3A_70] : memref<10000x128xf32, #tpu.memory_space<hbm>> -> memref<624x128xf32, #tpu.memory_space<hbm>>
          tpu.enqueue_dma source(%dma_start3A_71 : memref<624x128xf32, #tpu.memory_space<hbm>>) target(%dma_start3A_69 : memref<624x128xf32, #tpu.memory_space<vmem_shared>>) target_semaphore(%run_scoped3A_67 : memref<!tpu.dma_semaphore, #tpu.memory_space<semaphore_mem>>)
          %dma_wait3A_72 = arith.constant 0 : i32
          %dma_wait3A_73 = tpu.memref_slice %arg7[%mul3A_66, %dma_wait3A_72] : memref<10064x128xf32, #tpu.memory_space<vmem_shared>> -> memref<624x128xf32, #tpu.memory_space<vmem_shared>>
          %dma_wait3A_74 = arith.constant 0 : i32
          %dma_wait3A_75 = tpu.memref_slice %arg2[%mul3A_64, %dma_wait3A_74] : memref<10000x128xf32, #tpu.memory_space<hbm>> -> memref<624x128xf32, #tpu.memory_space<hbm>>
          tpu.wait_dma2 semaphore(%run_scoped3A_67 : memref<!tpu.dma_semaphore, #tpu.memory_space<semaphore_mem>>) src(%dma_wait3A_75 : memref<624x128xf32, #tpu.memory_space<hbm>>) dst(%dma_wait3A_73 : memref<624x128xf32, #tpu.memory_space<vmem_shared>>)
          tpu.yield
        }) : () -> ()
      } else {
      }
      %eq3A_58 = arith.constant 15 : i32
      %eq3A_59 = arith.cmpi eq, %arg1, %eq3A_58 : i32
      %convert_element_type3A_60 = arith.extui %eq3A_59 : i1 to i32
      %cond3A_61 = arith.constant 0 : i32
      %cond3A_62 = arith.cmpi ne, %convert_element_type3A_60, %cond3A_61 : i32
      scf.if %cond3A_62 {
        "tpu.region"() ({
          %run_scoped3A_63 = tpu.sem_alloc : memref<!tpu.dma_semaphore, #tpu.memory_space<semaphore_mem>>
          %dma_start3A_64 = arith.constant 9360 : i32
          %dma_start3A_65 = arith.constant 0 : i32
          %dma_start3A_66 = tpu.memref_slice %arg7[%dma_start3A_64, %dma_start3A_65] : memref<10064x128xf32, #tpu.memory_space<vmem_shared>> -> memref<640x128xf32, #tpu.memory_space<vmem_shared>>
          %dma_start3A_67 = arith.constant 9360 : i32
          %dma_start3A_68 = arith.constant 0 : i32
          %dma_start3A_69 = tpu.memref_slice %arg2[%dma_start3A_67, %dma_start3A_68] : memref<10000x128xf32, #tpu.memory_space<hbm>> -> memref<640x128xf32, #tpu.memory_space<hbm>>
          tpu.enqueue_dma source(%dma_start3A_69 : memref<640x128xf32, #tpu.memory_space<hbm>>) target(%dma_start3A_66 : memref<640x128xf32, #tpu.memory_space<vmem_shared>>) target_semaphore(%run_scoped3A_63 : memref<!tpu.dma_semaphore, #tpu.memory_space<semaphore_mem>>)
          %dma_wait3A_70 = arith.constant 9360 : i32
          %dma_wait3A_71 = arith.constant 0 : i32
          %dma_wait3A_72 = tpu.memref_slice %arg7[%dma_wait3A_70, %dma_wait3A_71] : memref<10064x128xf32, #tpu.memory_space<vmem_shared>> -> memref<640x128xf32, #tpu.memory_space<vmem_shared>>
          %dma_wait3A_73 = arith.constant 9360 : i32
          %dma_wait3A_74 = arith.constant 0 : i32
          %dma_wait3A_75 = tpu.memref_slice %arg2[%dma_wait3A_73, %dma_wait3A_74] : memref<10000x128xf32, #tpu.memory_space<hbm>> -> memref<640x128xf32, #tpu.memory_space<hbm>>
          tpu.wait_dma2 semaphore(%run_scoped3A_63 : memref<!tpu.dma_semaphore, #tpu.memory_space<semaphore_mem>>) src(%dma_wait3A_75 : memref<640x128xf32, #tpu.memory_space<hbm>>) dst(%dma_wait3A_72 : memref<640x128xf32, #tpu.memory_space<vmem_shared>>)
          tpu.yield
        }) : () -> ()
        "tpu.region"() ({
          %run_scoped3A_63 = tpu.sem_alloc : memref<!tpu.dma_semaphore, #tpu.memory_space<semaphore_mem>>
          %dma_start3A_64 = arith.constant 10000 : i32
          %dma_start3A_65 = arith.constant 0 : i32
          %dma_start3A_66 = tpu.memref_slice %arg7[%dma_start3A_64, %dma_start3A_65] : memref<10064x128xf32, #tpu.memory_space<vmem_shared>> -> memref<64x128xf32, #tpu.memory_space<vmem_shared>>
          %dma_start3A_67 = arith.constant 0 : i32
          %dma_start3A_68 = arith.constant 0 : i32
          %dma_start3A_69 = tpu.memref_slice %arg3[%dma_start3A_67, %dma_start3A_68] : memref<10064x128xf32, #tpu.memory_space<hbm>> -> memref<64x128xf32, #tpu.memory_space<hbm>>
          tpu.enqueue_dma source(%dma_start3A_69 : memref<64x128xf32, #tpu.memory_space<hbm>>) target(%dma_start3A_66 : memref<64x128xf32, #tpu.memory_space<vmem_shared>>) target_semaphore(%run_scoped3A_63 : memref<!tpu.dma_semaphore, #tpu.memory_space<semaphore_mem>>)
          %dma_wait3A_70 = arith.constant 10000 : i32
          %dma_wait3A_71 = arith.constant 0 : i32
          %dma_wait3A_72 = tpu.memref_slice %arg7[%dma_wait3A_70, %dma_wait3A_71] : memref<10064x128xf32, #tpu.memory_space<vmem_shared>> -> memref<64x128xf32, #tpu.memory_space<vmem_shared>>
          %dma_wait3A_73 = arith.constant 0 : i32
          %dma_wait3A_74 = arith.constant 0 : i32
          %dma_wait3A_75 = tpu.memref_slice %arg3[%dma_wait3A_73, %dma_wait3A_74] : memref<10064x128xf32, #tpu.memory_space<hbm>> -> memref<64x128xf32, #tpu.memory_space<hbm>>
          tpu.wait_dma2 semaphore(%run_scoped3A_63 : memref<!tpu.dma_semaphore, #tpu.memory_space<semaphore_mem>>) src(%dma_wait3A_75 : memref<64x128xf32, #tpu.memory_space<hbm>>) dst(%dma_wait3A_72 : memref<64x128xf32, #tpu.memory_space<vmem_shared>>)
          tpu.yield
        }) : () -> ()
      } else {
      }
    } else {
    }
    %eq3A_3 = arith.constant 1 : i32
    %eq3A_4 = arith.cmpi eq, %arg0, %eq3A_3 : i32
    %convert_element_type3A_5 = arith.extui %eq3A_4 : i1 to i32
    %cond3A_6 = arith.constant 0 : i32
    %cond3A_7 = arith.cmpi ne, %convert_element_type3A_5, %cond3A_6 : i32
    scf.if %cond3A_7 {
      %lt3A_53 = arith.constant 15 : i32
      %lt3A_54 = arith.cmpi slt, %arg1, %lt3A_53 : i32
      %convert_element_type3A_55 = arith.extui %lt3A_54 : i1 to i32
      %cond3A_56 = arith.constant 0 : i32
      %cond3A_57 = arith.cmpi ne, %convert_element_type3A_55, %cond3A_56 : i32
      scf.if %cond3A_57 {
        %mul3A_63 = arith.constant 624 : i32
        %mul3A_64 = arith.muli %arg1, %mul3A_63 : i32
        %mul3A_65 = arith.constant 624 : i32
        %mul3A_66 = arith.muli %arg1, %mul3A_65 : i32
        "tpu.region"() ({
          %run_scoped3A_67 = tpu.sem_alloc : memref<!tpu.dma_semaphore, #tpu.memory_space<semaphore_mem>>
          %dma_start3A_68 = arith.constant 0 : i32
          %dma_start3A_69 = tpu.memref_slice %arg7[%mul3A_66, %dma_start3A_68] : memref<10064x128xf32, #tpu.memory_space<vmem_shared>> -> memref<624x128xf32, #tpu.memory_space<vmem_shared>>
          %dma_start3A_70 = arith.constant 0 : i32
          %dma_start3A_71 = tpu.memref_slice %arg3[%mul3A_64, %dma_start3A_70] : memref<10064x128xf32, #tpu.memory_space<hbm>> -> memref<624x128xf32, #tpu.memory_space<hbm>>
          tpu.enqueue_dma source(%dma_start3A_71 : memref<624x128xf32, #tpu.memory_space<hbm>>) target(%dma_start3A_69 : memref<624x128xf32, #tpu.memory_space<vmem_shared>>) target_semaphore(%run_scoped3A_67 : memref<!tpu.dma_semaphore, #tpu.memory_space<semaphore_mem>>)
          %dma_wait3A_72 = arith.constant 0 : i32
          %dma_wait3A_73 = tpu.memref_slice %arg7[%mul3A_66, %dma_wait3A_72] : memref<10064x128xf32, #tpu.memory_space<vmem_shared>> -> memref<624x128xf32, #tpu.memory_space<vmem_shared>>
          %dma_wait3A_74 = arith.constant 0 : i32
          %dma_wait3A_75 = tpu.memref_slice %arg3[%mul3A_64, %dma_wait3A_74] : memref<10064x128xf32, #tpu.memory_space<hbm>> -> memref<624x128xf32, #tpu.memory_space<hbm>>
          tpu.wait_dma2 semaphore(%run_scoped3A_67 : memref<!tpu.dma_semaphore, #tpu.memory_space<semaphore_mem>>) src(%dma_wait3A_75 : memref<624x128xf32, #tpu.memory_space<hbm>>) dst(%dma_wait3A_73 : memref<624x128xf32, #tpu.memory_space<vmem_shared>>)
          tpu.yield
        }) : () -> ()
      } else {
      }
      %eq3A_58 = arith.constant 15 : i32
      %eq3A_59 = arith.cmpi eq, %arg1, %eq3A_58 : i32
      %convert_element_type3A_60 = arith.extui %eq3A_59 : i1 to i32
      %cond3A_61 = arith.constant 0 : i32
      %cond3A_62 = arith.cmpi ne, %convert_element_type3A_60, %cond3A_61 : i32
      scf.if %cond3A_62 {
        "tpu.region"() ({
          %run_scoped3A_63 = tpu.sem_alloc : memref<!tpu.dma_semaphore, #tpu.memory_space<semaphore_mem>>
          %dma_start3A_64 = arith.constant 9360 : i32
          %dma_start3A_65 = arith.constant 0 : i32
          %dma_start3A_66 = tpu.memref_slice %arg7[%dma_start3A_64, %dma_start3A_65] : memref<10064x128xf32, #tpu.memory_space<vmem_shared>> -> memref<704x128xf32, #tpu.memory_space<vmem_shared>>
          %dma_start3A_67 = arith.constant 9360 : i32
          %dma_start3A_68 = arith.constant 0 : i32
          %dma_start3A_69 = tpu.memref_slice %arg3[%dma_start3A_67, %dma_start3A_68] : memref<10064x128xf32, #tpu.memory_space<hbm>> -> memref<704x128xf32, #tpu.memory_space<hbm>>
          tpu.enqueue_dma source(%dma_start3A_69 : memref<704x128xf32, #tpu.memory_space<hbm>>) target(%dma_start3A_66 : memref<704x128xf32, #tpu.memory_space<vmem_shared>>) target_semaphore(%run_scoped3A_63 : memref<!tpu.dma_semaphore, #tpu.memory_space<semaphore_mem>>)
          %dma_wait3A_70 = arith.constant 9360 : i32
          %dma_wait3A_71 = arith.constant 0 : i32
          %dma_wait3A_72 = tpu.memref_slice %arg7[%dma_wait3A_70, %dma_wait3A_71] : memref<10064x128xf32, #tpu.memory_space<vmem_shared>> -> memref<704x128xf32, #tpu.memory_space<vmem_shared>>
          %dma_wait3A_73 = arith.constant 9360 : i32
          %dma_wait3A_74 = arith.constant 0 : i32
          %dma_wait3A_75 = tpu.memref_slice %arg3[%dma_wait3A_73, %dma_wait3A_74] : memref<10064x128xf32, #tpu.memory_space<hbm>> -> memref<704x128xf32, #tpu.memory_space<hbm>>
          tpu.wait_dma2 semaphore(%run_scoped3A_63 : memref<!tpu.dma_semaphore, #tpu.memory_space<semaphore_mem>>) src(%dma_wait3A_75 : memref<704x128xf32, #tpu.memory_space<hbm>>) dst(%dma_wait3A_72 : memref<704x128xf32, #tpu.memory_space<vmem_shared>>)
          tpu.yield
        }) : () -> ()
      } else {
      }
    } else {
    }
    %barrier3A = arith.constant 0 : index
    tpu.barrier barrier_id(%barrier3A)
    %mul3A_8 = arith.constant 79 : i32
    %mul3A_9 = arith.muli %add3A, %mul3A_8 : i32
    %add3A_10 = arith.constant 0 : i32
    %add3A_11 = arith.addi %mul3A_9, %add3A_10 : i32
    %mul3A_12 = arith.constant 128 : i32
    %mul3A_13 = arith.muli %add3A_11, %mul3A_12 : i32
    %run_scoped3A = arith.constant 0 : i32
    "tpu.region"() ({
      %run_scoped3A_53 = tpu.sem_alloc : memref<!tpu.dma_semaphore, #tpu.memory_space<semaphore_mem>>
      %dma_start3A_54 = arith.constant 0 : i32
      %dma_start3A_55 = tpu.memref_slice %arg8[%run_scoped3A, %dma_start3A_54] : memref<2x128xi32, #tpu.memory_space<vmem>> -> memref<1x128xi32, #tpu.memory_space<vmem>>
      %dma_start3A_56 = tpu.memref_squeeze %dma_start3A_55 : memref<1x128xi32, #tpu.memory_space<vmem>> -> memref<128xi32, #tpu.memory_space<vmem>>
      %dma_start3A_57 = tpu.memref_slice %arg4[%mul3A_13] : memref<323584xi32, #tpu.memory_space<hbm>> -> memref<128xi32, #tpu.memory_space<hbm>>
      %dma_start3A_58 = arith.constant 0 : i32
      %dma_start3A_59 = tpu.memref_slice %arg8[%run_scoped3A, %dma_start3A_58] : memref<2x128xi32, #tpu.memory_space<vmem>> -> memref<1x128xi32, #tpu.memory_space<vmem>>
      %dma_start3A_60 = tpu.memref_squeeze %dma_start3A_59 : memref<1x128xi32, #tpu.memory_space<vmem>> -> memref<128xi32, #tpu.memory_space<vmem>>
      %dma_start3A_61 = tpu.memref_slice %arg4[%mul3A_13] : memref<323584xi32, #tpu.memory_space<hbm>> -> memref<128xi32, #tpu.memory_space<hbm>>
      tpu.enqueue_dma source(%dma_start3A_61 : memref<128xi32, #tpu.memory_space<hbm>>) target(%dma_start3A_60 : memref<128xi32, #tpu.memory_space<vmem>>) target_semaphore(%run_scoped3A_53 : memref<!tpu.dma_semaphore, #tpu.memory_space<semaphore_mem>>)
      %dma_wait3A_62 = arith.constant 0 : i32
      %dma_wait3A_63 = tpu.memref_slice %arg8[%run_scoped3A, %dma_wait3A_62] : memref<2x128xi32, #tpu.memory_space<vmem>> -> memref<1x128xi32, #tpu.memory_space<vmem>>
      %dma_wait3A_64 = tpu.memref_squeeze %dma_wait3A_63 : memref<1x128xi32, #tpu.memory_space<vmem>> -> memref<128xi32, #tpu.memory_space<vmem>>
      %dma_wait3A_65 = tpu.memref_slice %arg4[%mul3A_13] : memref<323584xi32, #tpu.memory_space<hbm>> -> memref<128xi32, #tpu.memory_space<hbm>>
      %dma_wait3A_66 = arith.constant 0 : i32
      %dma_wait3A_67 = tpu.memref_slice %arg8[%run_scoped3A, %dma_wait3A_66] : memref<2x128xi32, #tpu.memory_space<vmem>> -> memref<1x128xi32, #tpu.memory_space<vmem>>
      %dma_wait3A_68 = tpu.memref_squeeze %dma_wait3A_67 : memref<1x128xi32, #tpu.memory_space<vmem>> -> memref<128xi32, #tpu.memory_space<vmem>>
      %dma_wait3A_69 = tpu.memref_slice %arg4[%mul3A_13] : memref<323584xi32, #tpu.memory_space<hbm>> -> memref<128xi32, #tpu.memory_space<hbm>>
      tpu.wait_dma2 semaphore(%run_scoped3A_53 : memref<!tpu.dma_semaphore, #tpu.memory_space<semaphore_mem>>) src(%dma_wait3A_69 : memref<128xi32, #tpu.memory_space<hbm>>) dst(%dma_wait3A_68 : memref<128xi32, #tpu.memory_space<vmem>>)
      tpu.yield
    }) : () -> ()
    %run_scoped3A_14 = arith.constant 0 : i32
    "tpu.region"() ({
      %run_scoped3A_53 = tpu.sem_alloc : memref<!tpu.dma_semaphore, #tpu.memory_space<semaphore_mem>>
      %dma_start3A_54 = arith.constant 0 : i32
      %dma_start3A_55 = tpu.memref_slice %arg9[%run_scoped3A_14, %dma_start3A_54] : memref<2x128xi32, #tpu.memory_space<vmem>> -> memref<1x128xi32, #tpu.memory_space<vmem>>
      %dma_start3A_56 = tpu.memref_squeeze %dma_start3A_55 : memref<1x128xi32, #tpu.memory_space<vmem>> -> memref<128xi32, #tpu.memory_space<vmem>>
      %dma_start3A_57 = tpu.memref_slice %arg5[%mul3A_13] : memref<323584xi32, #tpu.memory_space<hbm>> -> memref<128xi32, #tpu.memory_space<hbm>>
      %dma_start3A_58 = arith.constant 0 : i32
      %dma_start3A_59 = tpu.memref_slice %arg9[%run_scoped3A_14, %dma_start3A_58] : memref<2x128xi32, #tpu.memory_space<vmem>> -> memref<1x128xi32, #tpu.memory_space<vmem>>
      %dma_start3A_60 = tpu.memref_squeeze %dma_start3A_59 : memref<1x128xi32, #tpu.memory_space<vmem>> -> memref<128xi32, #tpu.memory_space<vmem>>
      %dma_start3A_61 = tpu.memref_slice %arg5[%mul3A_13] : memref<323584xi32, #tpu.memory_space<hbm>> -> memref<128xi32, #tpu.memory_space<hbm>>
      tpu.enqueue_dma source(%dma_start3A_61 : memref<128xi32, #tpu.memory_space<hbm>>) target(%dma_start3A_60 : memref<128xi32, #tpu.memory_space<vmem>>) target_semaphore(%run_scoped3A_53 : memref<!tpu.dma_semaphore, #tpu.memory_space<semaphore_mem>>)
      %dma_wait3A_62 = arith.constant 0 : i32
      %dma_wait3A_63 = tpu.memref_slice %arg9[%run_scoped3A_14, %dma_wait3A_62] : memref<2x128xi32, #tpu.memory_space<vmem>> -> memref<1x128xi32, #tpu.memory_space<vmem>>
      %dma_wait3A_64 = tpu.memref_squeeze %dma_wait3A_63 : memref<1x128xi32, #tpu.memory_space<vmem>> -> memref<128xi32, #tpu.memory_space<vmem>>
      %dma_wait3A_65 = tpu.memref_slice %arg5[%mul3A_13] : memref<323584xi32, #tpu.memory_space<hbm>> -> memref<128xi32, #tpu.memory_space<hbm>>
      %dma_wait3A_66 = arith.constant 0 : i32
      %dma_wait3A_67 = tpu.memref_slice %arg9[%run_scoped3A_14, %dma_wait3A_66] : memref<2x128xi32, #tpu.memory_space<vmem>> -> memref<1x128xi32, #tpu.memory_space<vmem>>
      %dma_wait3A_68 = tpu.memref_squeeze %dma_wait3A_67 : memref<1x128xi32, #tpu.memory_space<vmem>> -> memref<128xi32, #tpu.memory_space<vmem>>
      %dma_wait3A_69 = tpu.memref_slice %arg5[%mul3A_13] : memref<323584xi32, #tpu.memory_space<hbm>> -> memref<128xi32, #tpu.memory_space<hbm>>
      tpu.wait_dma2 semaphore(%run_scoped3A_53 : memref<!tpu.dma_semaphore, #tpu.memory_space<semaphore_mem>>) src(%dma_wait3A_69 : memref<128xi32, #tpu.memory_space<hbm>>) dst(%dma_wait3A_68 : memref<128xi32, #tpu.memory_space<vmem>>)
      tpu.yield
    }) : () -> ()
    %dma_start3A = arith.constant 0 : i32
    %dma_start3A_15 = arith.constant 0 : i32
    %dma_start3A_16 = arith.constant 0 : i32
    %dma_start3A_17 = arith.constant 0 : i32
    %dma_start3A_18 = tpu.memref_slice %arg10[%dma_start3A_15, %dma_start3A_16, %dma_start3A_17] : memref<2x128x128xf32, #tpu.memory_space<vmem>> -> memref<1x128x128xf32, #tpu.memory_space<vmem>>
    %dma_start3A_19 = tpu.memref_squeeze %dma_start3A_18 : memref<1x128x128xf32, #tpu.memory_space<vmem>> -> memref<128x128xf32, #tpu.memory_space<vmem>>
    %dma_start3A_20 = arith.constant 0 : i32
    %dma_start3A_21 = tpu.memref_slice %arg8[%dma_start3A, %dma_start3A_20] : memref<2x128xi32, #tpu.memory_space<vmem>> -> memref<1x128xi32, #tpu.memory_space<vmem>>
    %dma_start3A_22 = tpu.memref_squeeze %dma_start3A_21 : memref<1x128xi32, #tpu.memory_space<vmem>> -> memref<128xi32, #tpu.memory_space<vmem>>
    %dma_start3A_23 = arith.constant 0 : i32
    %dma_start3A_24 = arith.constant 0 : i32
    %dma_start3A_25 = tpu.memref_slice %arg2[%dma_start3A_23, %dma_start3A_24] : memref<10000x128xf32, #tpu.memory_space<hbm>> -> memref<10000x128xf32, #tpu.memory_space<hbm>>
    tpu.enqueue_indirect_dma source(%dma_start3A_25 : memref<10000x128xf32, #tpu.memory_space<hbm>>) target(%dma_start3A_19 : memref<128x128xf32, #tpu.memory_space<vmem>>) offsets(%dma_start3A_22 : memref<128xi32, #tpu.memory_space<vmem>>) semaphore(%arg11 : memref<!tpu.dma_semaphore, #tpu.memory_space<semaphore_mem>>)
    %scan3A = arith.constant 0 : i32
    %scan3A_26 = arith.constant 39 : i32
    %scan3A_27 = arith.addi %scan3A, %scan3A_26 : i32
    %scan3A_28 = arith.constant 1 : i32
    scf.for %scan3A_53 = %scan3A to %scan3A_27 step %scan3A_28  : i32 {
      %mul3A_54 = arith.constant 2 : i32
      %mul3A_55 = arith.muli %scan3A_53, %mul3A_54 : i32
      %add3A_56 = arith.constant 0 : i32
      %add3A_57 = arith.addi %add3A_56, %mul3A_55 : i32
      %add3A_58 = arith.constant 0 : i32
      %add3A_59 = arith.addi %add3A_57, %add3A_58 : i32
      %add3A_60 = arith.constant 1 : i32
      %add3A_61 = arith.addi %add3A_59, %add3A_60 : i32
      %mul3A_62 = arith.constant 79 : i32
      %mul3A_63 = arith.muli %add3A, %mul3A_62 : i32
      %add3A_64 = arith.addi %mul3A_63, %add3A_61 : i32
      %mul3A_65 = arith.constant 128 : i32
      %mul3A_66 = arith.muli %add3A_64, %mul3A_65 : i32
      %run_scoped3A_67 = arith.constant 1 : i32
      "tpu.region"() ({
        %run_scoped3A_132 = tpu.sem_alloc : memref<!tpu.dma_semaphore, #tpu.memory_space<semaphore_mem>>
        %dma_start3A_133 = arith.constant 0 : i32
        %dma_start3A_134 = tpu.memref_slice %arg8[%run_scoped3A_67, %dma_start3A_133] : memref<2x128xi32, #tpu.memory_space<vmem>> -> memref<1x128xi32, #tpu.memory_space<vmem>>
        %dma_start3A_135 = tpu.memref_squeeze %dma_start3A_134 : memref<1x128xi32, #tpu.memory_space<vmem>> -> memref<128xi32, #tpu.memory_space<vmem>>
        %dma_start3A_136 = tpu.memref_slice %arg4[%mul3A_66] : memref<323584xi32, #tpu.memory_space<hbm>> -> memref<128xi32, #tpu.memory_space<hbm>>
        %dma_start3A_137 = arith.constant 0 : i32
        %dma_start3A_138 = tpu.memref_slice %arg8[%run_scoped3A_67, %dma_start3A_137] : memref<2x128xi32, #tpu.memory_space<vmem>> -> memref<1x128xi32, #tpu.memory_space<vmem>>
        %dma_start3A_139 = tpu.memref_squeeze %dma_start3A_138 : memref<1x128xi32, #tpu.memory_space<vmem>> -> memref<128xi32, #tpu.memory_space<vmem>>
        %dma_start3A_140 = tpu.memref_slice %arg4[%mul3A_66] : memref<323584xi32, #tpu.memory_space<hbm>> -> memref<128xi32, #tpu.memory_space<hbm>>
        tpu.enqueue_dma source(%dma_start3A_140 : memref<128xi32, #tpu.memory_space<hbm>>) target(%dma_start3A_139 : memref<128xi32, #tpu.memory_space<vmem>>) target_semaphore(%run_scoped3A_132 : memref<!tpu.dma_semaphore, #tpu.memory_space<semaphore_mem>>)
        %dma_wait3A_141 = arith.constant 0 : i32
        %dma_wait3A_142 = tpu.memref_slice %arg8[%run_scoped3A_67, %dma_wait3A_141] : memref<2x128xi32, #tpu.memory_space<vmem>> -> memref<1x128xi32, #tpu.memory_space<vmem>>
        %dma_wait3A_143 = tpu.memref_squeeze %dma_wait3A_142 : memref<1x128xi32, #tpu.memory_space<vmem>> -> memref<128xi32, #tpu.memory_space<vmem>>
        %dma_wait3A_144 = tpu.memref_slice %arg4[%mul3A_66] : memref<323584xi32, #tpu.memory_space<hbm>> -> memref<128xi32, #tpu.memory_space<hbm>>
        %dma_wait3A_145 = arith.constant 0 : i32
        %dma_wait3A_146 = tpu.memref_slice %arg8[%run_scoped3A_67, %dma_wait3A_145] : memref<2x128xi32, #tpu.memory_space<vmem>> -> memref<1x128xi32, #tpu.memory_space<vmem>>
        %dma_wait3A_147 = tpu.memref_squeeze %dma_wait3A_146 : memref<1x128xi32, #tpu.memory_space<vmem>> -> memref<128xi32, #tpu.memory_space<vmem>>
        %dma_wait3A_148 = tpu.memref_slice %arg4[%mul3A_66] : memref<323584xi32, #tpu.memory_space<hbm>> -> memref<128xi32, #tpu.memory_space<hbm>>
        tpu.wait_dma2 semaphore(%run_scoped3A_132 : memref<!tpu.dma_semaphore, #tpu.memory_space<semaphore_mem>>) src(%dma_wait3A_148 : memref<128xi32, #tpu.memory_space<hbm>>) dst(%dma_wait3A_147 : memref<128xi32, #tpu.memory_space<vmem>>)
        tpu.yield
      }) : () -> ()
      %run_scoped3A_68 = arith.constant 1 : i32
      "tpu.region"() ({
        %run_scoped3A_132 = tpu.sem_alloc : memref<!tpu.dma_semaphore, #tpu.memory_space<semaphore_mem>>
        %dma_start3A_133 = arith.constant 0 : i32
        %dma_start3A_134 = tpu.memref_slice %arg9[%run_scoped3A_68, %dma_start3A_133] : memref<2x128xi32, #tpu.memory_space<vmem>> -> memref<1x128xi32, #tpu.memory_space<vmem>>
        %dma_start3A_135 = tpu.memref_squeeze %dma_start3A_134 : memref<1x128xi32, #tpu.memory_space<vmem>> -> memref<128xi32, #tpu.memory_space<vmem>>
        %dma_start3A_136 = tpu.memref_slice %arg5[%mul3A_66] : memref<323584xi32, #tpu.memory_space<hbm>> -> memref<128xi32, #tpu.memory_space<hbm>>
        %dma_start3A_137 = arith.constant 0 : i32
        %dma_start3A_138 = tpu.memref_slice %arg9[%run_scoped3A_68, %dma_start3A_137] : memref<2x128xi32, #tpu.memory_space<vmem>> -> memref<1x128xi32, #tpu.memory_space<vmem>>
        %dma_start3A_139 = tpu.memref_squeeze %dma_start3A_138 : memref<1x128xi32, #tpu.memory_space<vmem>> -> memref<128xi32, #tpu.memory_space<vmem>>
        %dma_start3A_140 = tpu.memref_slice %arg5[%mul3A_66] : memref<323584xi32, #tpu.memory_space<hbm>> -> memref<128xi32, #tpu.memory_space<hbm>>
        tpu.enqueue_dma source(%dma_start3A_140 : memref<128xi32, #tpu.memory_space<hbm>>) target(%dma_start3A_139 : memref<128xi32, #tpu.memory_space<vmem>>) target_semaphore(%run_scoped3A_132 : memref<!tpu.dma_semaphore, #tpu.memory_space<semaphore_mem>>)
        %dma_wait3A_141 = arith.constant 0 : i32
        %dma_wait3A_142 = tpu.memref_slice %arg9[%run_scoped3A_68, %dma_wait3A_141] : memref<2x128xi32, #tpu.memory_space<vmem>> -> memref<1x128xi32, #tpu.memory_space<vmem>>
        %dma_wait3A_143 = tpu.memref_squeeze %dma_wait3A_142 : memref<1x128xi32, #tpu.memory_space<vmem>> -> memref<128xi32, #tpu.memory_space<vmem>>
        %dma_wait3A_144 = tpu.memref_slice %arg5[%mul3A_66] : memref<323584xi32, #tpu.memory_space<hbm>> -> memref<128xi32, #tpu.memory_space<hbm>>
        %dma_wait3A_145 = arith.constant 0 : i32
        %dma_wait3A_146 = tpu.memref_slice %arg9[%run_scoped3A_68, %dma_wait3A_145] : memref<2x128xi32, #tpu.memory_space<vmem>> -> memref<1x128xi32, #tpu.memory_space<vmem>>
        %dma_wait3A_147 = tpu.memref_squeeze %dma_wait3A_146 : memref<1x128xi32, #tpu.memory_space<vmem>> -> memref<128xi32, #tpu.memory_space<vmem>>
        %dma_wait3A_148 = tpu.memref_slice %arg5[%mul3A_66] : memref<323584xi32, #tpu.memory_space<hbm>> -> memref<128xi32, #tpu.memory_space<hbm>>
        tpu.wait_dma2 semaphore(%run_scoped3A_132 : memref<!tpu.dma_semaphore, #tpu.memory_space<semaphore_mem>>) src(%dma_wait3A_148 : memref<128xi32, #tpu.memory_space<hbm>>) dst(%dma_wait3A_147 : memref<128xi32, #tpu.memory_space<vmem>>)
        tpu.yield
      }) : () -> ()
      %dma_start3A_69 = arith.constant 1 : i32
      %dma_start3A_70 = arith.constant 1 : i32
      %dma_start3A_71 = arith.constant 0 : i32
      %dma_start3A_72 = arith.constant 0 : i32
      %dma_start3A_73 = tpu.memref_slice %arg10[%dma_start3A_70, %dma_start3A_71, %dma_start3A_72] : memref<2x128x128xf32, #tpu.memory_space<vmem>> -> memref<1x128x128xf32, #tpu.memory_space<vmem>>
      %dma_start3A_74 = tpu.memref_squeeze %dma_start3A_73 : memref<1x128x128xf32, #tpu.memory_space<vmem>> -> memref<128x128xf32, #tpu.memory_space<vmem>>
      %dma_start3A_75 = arith.constant 0 : i32
      %dma_start3A_76 = tpu.memref_slice %arg8[%dma_start3A_69, %dma_start3A_75] : memref<2x128xi32, #tpu.memory_space<vmem>> -> memref<1x128xi32, #tpu.memory_space<vmem>>
      %dma_start3A_77 = tpu.memref_squeeze %dma_start3A_76 : memref<1x128xi32, #tpu.memory_space<vmem>> -> memref<128xi32, #tpu.memory_space<vmem>>
      %dma_start3A_78 = arith.constant 0 : i32
      %dma_start3A_79 = arith.constant 0 : i32
      %dma_start3A_80 = tpu.memref_slice %arg2[%dma_start3A_78, %dma_start3A_79] : memref<10000x128xf32, #tpu.memory_space<hbm>> -> memref<10000x128xf32, #tpu.memory_space<hbm>>
      tpu.enqueue_indirect_dma source(%dma_start3A_80 : memref<10000x128xf32, #tpu.memory_space<hbm>>) target(%dma_start3A_74 : memref<128x128xf32, #tpu.memory_space<vmem>>) offsets(%dma_start3A_77 : memref<128xi32, #tpu.memory_space<vmem>>) semaphore(%arg12 : memref<!tpu.dma_semaphore, #tpu.memory_space<semaphore_mem>>)
      %dma_wait3A_81 = arith.constant 0 : i32
      %dma_wait3A_82 = arith.constant 0 : i32
      %dma_wait3A_83 = arith.constant 0 : i32
      %dma_wait3A_84 = arith.constant 0 : i32
      %dma_wait3A_85 = tpu.memref_slice %arg10[%dma_wait3A_82, %dma_wait3A_83, %dma_wait3A_84] : memref<2x128x128xf32, #tpu.memory_space<vmem>> -> memref<1x128x128xf32, #tpu.memory_space<vmem>>
      %dma_wait3A_86 = tpu.memref_squeeze %dma_wait3A_85 : memref<1x128x128xf32, #tpu.memory_space<vmem>> -> memref<128x128xf32, #tpu.memory_space<vmem>>
      %dma_wait3A_87 = arith.constant 0 : i32
      %dma_wait3A_88 = tpu.memref_slice %arg8[%dma_wait3A_81, %dma_wait3A_87] : memref<2x128xi32, #tpu.memory_space<vmem>> -> memref<1x128xi32, #tpu.memory_space<vmem>>
      %dma_wait3A_89 = tpu.memref_squeeze %dma_wait3A_88 : memref<1x128xi32, #tpu.memory_space<vmem>> -> memref<128xi32, #tpu.memory_space<vmem>>
      %dma_wait3A_90 = arith.constant 0 : i32
      %dma_wait3A_91 = arith.constant 0 : i32
      %dma_wait3A_92 = tpu.memref_slice %arg2[%dma_wait3A_90, %dma_wait3A_91] : memref<10000x128xf32, #tpu.memory_space<hbm>> -> memref<10000x128xf32, #tpu.memory_space<hbm>>
      tpu.wait_indirect_dma semaphore(%arg11 : memref<!tpu.dma_semaphore, #tpu.memory_space<semaphore_mem>>) src(%dma_wait3A_92 : memref<10000x128xf32, #tpu.memory_space<hbm>>) dst(%dma_wait3A_86 : memref<128x128xf32, #tpu.memory_space<vmem>>)
      %run_scoped3A_93 = arith.constant 0 : i32
      %run_scoped3A_94 = arith.constant 0 : i32
      "tpu.region"() ({
        %run_scoped3A_132 = tpu.sem_alloc : memref<!tpu.dma_semaphore, #tpu.memory_space<semaphore_mem>>
        %dma_start3A_133 = arith.constant 0 : i32
        %dma_start3A_134 = arith.constant 0 : i32
        %dma_start3A_135 = tpu.memref_slice %arg10[%run_scoped3A_93, %dma_start3A_133, %dma_start3A_134] : memref<2x128x128xf32, #tpu.memory_space<vmem>> -> memref<1x128x128xf32, #tpu.memory_space<vmem>>
        %dma_start3A_136 = tpu.memref_squeeze %dma_start3A_135 : memref<1x128x128xf32, #tpu.memory_space<vmem>> -> memref<128x128xf32, #tpu.memory_space<vmem>>
        %dma_start3A_137 = arith.constant 0 : i32
        %dma_start3A_138 = tpu.memref_slice %arg9[%run_scoped3A_94, %dma_start3A_137] : memref<2x128xi32, #tpu.memory_space<vmem>> -> memref<1x128xi32, #tpu.memory_space<vmem>>
        %dma_start3A_139 = tpu.memref_squeeze %dma_start3A_138 : memref<1x128xi32, #tpu.memory_space<vmem>> -> memref<128xi32, #tpu.memory_space<vmem>>
        %dma_start3A_140 = arith.constant 0 : i32
        %dma_start3A_141 = arith.constant 0 : i32
        %dma_start3A_142 = tpu.memref_slice %arg7[%dma_start3A_140, %dma_start3A_141] : memref<10064x128xf32, #tpu.memory_space<vmem_shared>> -> memref<10064x128xf32, #tpu.memory_space<vmem_shared>>
        tpu.enqueue_indirect_dma source(%dma_start3A_136 : memref<128x128xf32, #tpu.memory_space<vmem>>) target(%dma_start3A_142 : memref<10064x128xf32, #tpu.memory_space<vmem_shared>>) offsets(%dma_start3A_139 : memref<128xi32, #tpu.memory_space<vmem>>) semaphore(%run_scoped3A_132 : memref<!tpu.dma_semaphore, #tpu.memory_space<semaphore_mem>>) {add = true}
        %dma_wait3A_143 = arith.constant 0 : i32
        %dma_wait3A_144 = arith.constant 0 : i32
        %dma_wait3A_145 = tpu.memref_slice %arg10[%run_scoped3A_93, %dma_wait3A_143, %dma_wait3A_144] : memref<2x128x128xf32, #tpu.memory_space<vmem>> -> memref<1x128x128xf32, #tpu.memory_space<vmem>>
        %dma_wait3A_146 = tpu.memref_squeeze %dma_wait3A_145 : memref<1x128x128xf32, #tpu.memory_space<vmem>> -> memref<128x128xf32, #tpu.memory_space<vmem>>
        %dma_wait3A_147 = arith.constant 0 : i32
        %dma_wait3A_148 = tpu.memref_slice %arg9[%run_scoped3A_94, %dma_wait3A_147] : memref<2x128xi32, #tpu.memory_space<vmem>> -> memref<1x128xi32, #tpu.memory_space<vmem>>
        %dma_wait3A_149 = tpu.memref_squeeze %dma_wait3A_148 : memref<1x128xi32, #tpu.memory_space<vmem>> -> memref<128xi32, #tpu.memory_space<vmem>>
        %dma_wait3A_150 = arith.constant 0 : i32
        %dma_wait3A_151 = arith.constant 0 : i32
        %dma_wait3A_152 = tpu.memref_slice %arg7[%dma_wait3A_150, %dma_wait3A_151] : memref<10064x128xf32, #tpu.memory_space<vmem_shared>> -> memref<10064x128xf32, #tpu.memory_space<vmem_shared>>
        tpu.wait_indirect_dma semaphore(%run_scoped3A_132 : memref<!tpu.dma_semaphore, #tpu.memory_space<semaphore_mem>>) src(%dma_wait3A_146 : memref<128x128xf32, #tpu.memory_space<vmem>>) dst(%dma_wait3A_152 : memref<10064x128xf32, #tpu.memory_space<vmem_shared>>)
        tpu.yield
      }) : () -> ()
      %add3A_95 = arith.constant 1 : i32
      %add3A_96 = arith.addi %add3A_57, %add3A_95 : i32
      %add3A_97 = arith.constant 1 : i32
      %add3A_98 = arith.addi %add3A_96, %add3A_97 : i32
      %mul3A_99 = arith.constant 79 : i32
      %mul3A_100 = arith.muli %add3A, %mul3A_99 : i32
      %add3A_101 = arith.addi %mul3A_100, %add3A_98 : i32
      %mul3A_102 = arith.constant 128 : i32
      %mul3A_103 = arith.muli %add3A_101, %mul3A_102 : i32
      %run_scoped3A_104 = arith.constant 0 : i32
      "tpu.region"() ({
        %run_scoped3A_132 = tpu.sem_alloc : memref<!tpu.dma_semaphore, #tpu.memory_space<semaphore_mem>>
        %dma_start3A_133 = arith.constant 0 : i32
        %dma_start3A_134 = tpu.memref_slice %arg8[%run_scoped3A_104, %dma_start3A_133] : memref<2x128xi32, #tpu.memory_space<vmem>> -> memref<1x128xi32, #tpu.memory_space<vmem>>
        %dma_start3A_135 = tpu.memref_squeeze %dma_start3A_134 : memref<1x128xi32, #tpu.memory_space<vmem>> -> memref<128xi32, #tpu.memory_space<vmem>>
        %dma_start3A_136 = tpu.memref_slice %arg4[%mul3A_103] : memref<323584xi32, #tpu.memory_space<hbm>> -> memref<128xi32, #tpu.memory_space<hbm>>
        %dma_start3A_137 = arith.constant 0 : i32
        %dma_start3A_138 = tpu.memref_slice %arg8[%run_scoped3A_104, %dma_start3A_137] : memref<2x128xi32, #tpu.memory_space<vmem>> -> memref<1x128xi32, #tpu.memory_space<vmem>>
        %dma_start3A_139 = tpu.memref_squeeze %dma_start3A_138 : memref<1x128xi32, #tpu.memory_space<vmem>> -> memref<128xi32, #tpu.memory_space<vmem>>
        %dma_start3A_140 = tpu.memref_slice %arg4[%mul3A_103] : memref<323584xi32, #tpu.memory_space<hbm>> -> memref<128xi32, #tpu.memory_space<hbm>>
        tpu.enqueue_dma source(%dma_start3A_140 : memref<128xi32, #tpu.memory_space<hbm>>) target(%dma_start3A_139 : memref<128xi32, #tpu.memory_space<vmem>>) target_semaphore(%run_scoped3A_132 : memref<!tpu.dma_semaphore, #tpu.memory_space<semaphore_mem>>)
        %dma_wait3A_141 = arith.constant 0 : i32
        %dma_wait3A_142 = tpu.memref_slice %arg8[%run_scoped3A_104, %dma_wait3A_141] : memref<2x128xi32, #tpu.memory_space<vmem>> -> memref<1x128xi32, #tpu.memory_space<vmem>>
        %dma_wait3A_143 = tpu.memref_squeeze %dma_wait3A_142 : memref<1x128xi32, #tpu.memory_space<vmem>> -> memref<128xi32, #tpu.memory_space<vmem>>
        %dma_wait3A_144 = tpu.memref_slice %arg4[%mul3A_103] : memref<323584xi32, #tpu.memory_space<hbm>> -> memref<128xi32, #tpu.memory_space<hbm>>
        %dma_wait3A_145 = arith.constant 0 : i32
        %dma_wait3A_146 = tpu.memref_slice %arg8[%run_scoped3A_104, %dma_wait3A_145] : memref<2x128xi32, #tpu.memory_space<vmem>> -> memref<1x128xi32, #tpu.memory_space<vmem>>
        %dma_wait3A_147 = tpu.memref_squeeze %dma_wait3A_146 : memref<1x128xi32, #tpu.memory_space<vmem>> -> memref<128xi32, #tpu.memory_space<vmem>>
        %dma_wait3A_148 = tpu.memref_slice %arg4[%mul3A_103] : memref<323584xi32, #tpu.memory_space<hbm>> -> memref<128xi32, #tpu.memory_space<hbm>>
        tpu.wait_dma2 semaphore(%run_scoped3A_132 : memref<!tpu.dma_semaphore, #tpu.memory_space<semaphore_mem>>) src(%dma_wait3A_148 : memref<128xi32, #tpu.memory_space<hbm>>) dst(%dma_wait3A_147 : memref<128xi32, #tpu.memory_space<vmem>>)
        tpu.yield
      }) : () -> ()
      %run_scoped3A_105 = arith.constant 0 : i32
      "tpu.region"() ({
        %run_scoped3A_132 = tpu.sem_alloc : memref<!tpu.dma_semaphore, #tpu.memory_space<semaphore_mem>>
        %dma_start3A_133 = arith.constant 0 : i32
        %dma_start3A_134 = tpu.memref_slice %arg9[%run_scoped3A_105, %dma_start3A_133] : memref<2x128xi32, #tpu.memory_space<vmem>> -> memref<1x128xi32, #tpu.memory_space<vmem>>
        %dma_start3A_135 = tpu.memref_squeeze %dma_start3A_134 : memref<1x128xi32, #tpu.memory_space<vmem>> -> memref<128xi32, #tpu.memory_space<vmem>>
        %dma_start3A_136 = tpu.memref_slice %arg5[%mul3A_103] : memref<323584xi32, #tpu.memory_space<hbm>> -> memref<128xi32, #tpu.memory_space<hbm>>
        %dma_start3A_137 = arith.constant 0 : i32
        %dma_start3A_138 = tpu.memref_slice %arg9[%run_scoped3A_105, %dma_start3A_137] : memref<2x128xi32, #tpu.memory_space<vmem>> -> memref<1x128xi32, #tpu.memory_space<vmem>>
        %dma_start3A_139 = tpu.memref_squeeze %dma_start3A_138 : memref<1x128xi32, #tpu.memory_space<vmem>> -> memref<128xi32, #tpu.memory_space<vmem>>
        %dma_start3A_140 = tpu.memref_slice %arg5[%mul3A_103] : memref<323584xi32, #tpu.memory_space<hbm>> -> memref<128xi32, #tpu.memory_space<hbm>>
        tpu.enqueue_dma source(%dma_start3A_140 : memref<128xi32, #tpu.memory_space<hbm>>) target(%dma_start3A_139 : memref<128xi32, #tpu.memory_space<vmem>>) target_semaphore(%run_scoped3A_132 : memref<!tpu.dma_semaphore, #tpu.memory_space<semaphore_mem>>)
        %dma_wait3A_141 = arith.constant 0 : i32
        %dma_wait3A_142 = tpu.memref_slice %arg9[%run_scoped3A_105, %dma_wait3A_141] : memref<2x128xi32, #tpu.memory_space<vmem>> -> memref<1x128xi32, #tpu.memory_space<vmem>>
        %dma_wait3A_143 = tpu.memref_squeeze %dma_wait3A_142 : memref<1x128xi32, #tpu.memory_space<vmem>> -> memref<128xi32, #tpu.memory_space<vmem>>
        %dma_wait3A_144 = tpu.memref_slice %arg5[%mul3A_103] : memref<323584xi32, #tpu.memory_space<hbm>> -> memref<128xi32, #tpu.memory_space<hbm>>
        %dma_wait3A_145 = arith.constant 0 : i32
        %dma_wait3A_146 = tpu.memref_slice %arg9[%run_scoped3A_105, %dma_wait3A_145] : memref<2x128xi32, #tpu.memory_space<vmem>> -> memref<1x128xi32, #tpu.memory_space<vmem>>
        %dma_wait3A_147 = tpu.memref_squeeze %dma_wait3A_146 : memref<1x128xi32, #tpu.memory_space<vmem>> -> memref<128xi32, #tpu.memory_space<vmem>>
        %dma_wait3A_148 = tpu.memref_slice %arg5[%mul3A_103] : memref<323584xi32, #tpu.memory_space<hbm>> -> memref<128xi32, #tpu.memory_space<hbm>>
        tpu.wait_dma2 semaphore(%run_scoped3A_132 : memref<!tpu.dma_semaphore, #tpu.memory_space<semaphore_mem>>) src(%dma_wait3A_148 : memref<128xi32, #tpu.memory_space<hbm>>) dst(%dma_wait3A_147 : memref<128xi32, #tpu.memory_space<vmem>>)
        tpu.yield
      }) : () -> ()
      %dma_start3A_106 = arith.constant 0 : i32
      %dma_start3A_107 = arith.constant 0 : i32
      %dma_start3A_108 = arith.constant 0 : i32
      %dma_start3A_109 = arith.constant 0 : i32
      %dma_start3A_110 = tpu.memref_slice %arg10[%dma_start3A_107, %dma_start3A_108, %dma_start3A_109] : memref<2x128x128xf32, #tpu.memory_space<vmem>> -> memref<1x128x128xf32, #tpu.memory_space<vmem>>
      %dma_start3A_111 = tpu.memref_squeeze %dma_start3A_110 : memref<1x128x128xf32, #tpu.memory_space<vmem>> -> memref<128x128xf32, #tpu.memory_space<vmem>>
      %dma_start3A_112 = arith.constant 0 : i32
      %dma_start3A_113 = tpu.memref_slice %arg8[%dma_start3A_106, %dma_start3A_112] : memref<2x128xi32, #tpu.memory_space<vmem>> -> memref<1x128xi32, #tpu.memory_space<vmem>>
      %dma_start3A_114 = tpu.memref_squeeze %dma_start3A_113 : memref<1x128xi32, #tpu.memory_space<vmem>> -> memref<128xi32, #tpu.memory_space<vmem>>
      %dma_start3A_115 = arith.constant 0 : i32
      %dma_start3A_116 = arith.constant 0 : i32
      %dma_start3A_117 = tpu.memref_slice %arg2[%dma_start3A_115, %dma_start3A_116] : memref<10000x128xf32, #tpu.memory_space<hbm>> -> memref<10000x128xf32, #tpu.memory_space<hbm>>
      tpu.enqueue_indirect_dma source(%dma_start3A_117 : memref<10000x128xf32, #tpu.memory_space<hbm>>) target(%dma_start3A_111 : memref<128x128xf32, #tpu.memory_space<vmem>>) offsets(%dma_start3A_114 : memref<128xi32, #tpu.memory_space<vmem>>) semaphore(%arg11 : memref<!tpu.dma_semaphore, #tpu.memory_space<semaphore_mem>>)
      %dma_wait3A_118 = arith.constant 1 : i32
      %dma_wait3A_119 = arith.constant 1 : i32
      %dma_wait3A_120 = arith.constant 0 : i32
      %dma_wait3A_121 = arith.constant 0 : i32
      %dma_wait3A_122 = tpu.memref_slice %arg10[%dma_wait3A_119, %dma_wait3A_120, %dma_wait3A_121] : memref<2x128x128xf32, #tpu.memory_space<vmem>> -> memref<1x128x128xf32, #tpu.memory_space<vmem>>
      %dma_wait3A_123 = tpu.memref_squeeze %dma_wait3A_122 : memref<1x128x128xf32, #tpu.memory_space<vmem>> -> memref<128x128xf32, #tpu.memory_space<vmem>>
      %dma_wait3A_124 = arith.constant 0 : i32
      %dma_wait3A_125 = tpu.memref_slice %arg8[%dma_wait3A_118, %dma_wait3A_124] : memref<2x128xi32, #tpu.memory_space<vmem>> -> memref<1x128xi32, #tpu.memory_space<vmem>>
      %dma_wait3A_126 = tpu.memref_squeeze %dma_wait3A_125 : memref<1x128xi32, #tpu.memory_space<vmem>> -> memref<128xi32, #tpu.memory_space<vmem>>
      %dma_wait3A_127 = arith.constant 0 : i32
      %dma_wait3A_128 = arith.constant 0 : i32
      %dma_wait3A_129 = tpu.memref_slice %arg2[%dma_wait3A_127, %dma_wait3A_128] : memref<10000x128xf32, #tpu.memory_space<hbm>> -> memref<10000x128xf32, #tpu.memory_space<hbm>>
      tpu.wait_indirect_dma semaphore(%arg12 : memref<!tpu.dma_semaphore, #tpu.memory_space<semaphore_mem>>) src(%dma_wait3A_129 : memref<10000x128xf32, #tpu.memory_space<hbm>>) dst(%dma_wait3A_123 : memref<128x128xf32, #tpu.memory_space<vmem>>)
      %run_scoped3A_130 = arith.constant 1 : i32
      %run_scoped3A_131 = arith.constant 1 : i32
      "tpu.region"() ({
        %run_scoped3A_132 = tpu.sem_alloc : memref<!tpu.dma_semaphore, #tpu.memory_space<semaphore_mem>>
        %dma_start3A_133 = arith.constant 0 : i32
        %dma_start3A_134 = arith.constant 0 : i32
        %dma_start3A_135 = tpu.memref_slice %arg10[%run_scoped3A_130, %dma_start3A_133, %dma_start3A_134] : memref<2x128x128xf32, #tpu.memory_space<vmem>> -> memref<1x128x128xf32, #tpu.memory_space<vmem>>
        %dma_start3A_136 = tpu.memref_squeeze %dma_start3A_135 : memref<1x128x128xf32, #tpu.memory_space<vmem>> -> memref<128x128xf32, #tpu.memory_space<vmem>>
        %dma_start3A_137 = arith.constant 0 : i32
        %dma_start3A_138 = tpu.memref_slice %arg9[%run_scoped3A_131, %dma_start3A_137] : memref<2x128xi32, #tpu.memory_space<vmem>> -> memref<1x128xi32, #tpu.memory_space<vmem>>
        %dma_start3A_139 = tpu.memref_squeeze %dma_start3A_138 : memref<1x128xi32, #tpu.memory_space<vmem>> -> memref<128xi32, #tpu.memory_space<vmem>>
        %dma_start3A_140 = arith.constant 0 : i32
        %dma_start3A_141 = arith.constant 0 : i32
        %dma_start3A_142 = tpu.memref_slice %arg7[%dma_start3A_140, %dma_start3A_141] : memref<10064x128xf32, #tpu.memory_space<vmem_shared>> -> memref<10064x128xf32, #tpu.memory_space<vmem_shared>>
        tpu.enqueue_indirect_dma source(%dma_start3A_136 : memref<128x128xf32, #tpu.memory_space<vmem>>) target(%dma_start3A_142 : memref<10064x128xf32, #tpu.memory_space<vmem_shared>>) offsets(%dma_start3A_139 : memref<128xi32, #tpu.memory_space<vmem>>) semaphore(%run_scoped3A_132 : memref<!tpu.dma_semaphore, #tpu.memory_space<semaphore_mem>>) {add = true}
        %dma_wait3A_143 = arith.constant 0 : i32
        %dma_wait3A_144 = arith.constant 0 : i32
        %dma_wait3A_145 = tpu.memref_slice %arg10[%run_scoped3A_130, %dma_wait3A_143, %dma_wait3A_144] : memref<2x128x128xf32, #tpu.memory_space<vmem>> -> memref<1x128x128xf32, #tpu.memory_space<vmem>>
        %dma_wait3A_146 = tpu.memref_squeeze %dma_wait3A_145 : memref<1x128x128xf32, #tpu.memory_space<vmem>> -> memref<128x128xf32, #tpu.memory_space<vmem>>
        %dma_wait3A_147 = arith.constant 0 : i32
        %dma_wait3A_148 = tpu.memref_slice %arg9[%run_scoped3A_131, %dma_wait3A_147] : memref<2x128xi32, #tpu.memory_space<vmem>> -> memref<1x128xi32, #tpu.memory_space<vmem>>
        %dma_wait3A_149 = tpu.memref_squeeze %dma_wait3A_148 : memref<1x128xi32, #tpu.memory_space<vmem>> -> memref<128xi32, #tpu.memory_space<vmem>>
        %dma_wait3A_150 = arith.constant 0 : i32
        %dma_wait3A_151 = arith.constant 0 : i32
        %dma_wait3A_152 = tpu.memref_slice %arg7[%dma_wait3A_150, %dma_wait3A_151] : memref<10064x128xf32, #tpu.memory_space<vmem_shared>> -> memref<10064x128xf32, #tpu.memory_space<vmem_shared>>
        tpu.wait_indirect_dma semaphore(%run_scoped3A_132 : memref<!tpu.dma_semaphore, #tpu.memory_space<semaphore_mem>>) src(%dma_wait3A_146 : memref<128x128xf32, #tpu.memory_space<vmem>>) dst(%dma_wait3A_152 : memref<10064x128xf32, #tpu.memory_space<vmem_shared>>)
        tpu.yield
      }) : () -> ()
    }
    %scan3A_29 = arith.constant 39 : i32
    %dma_wait3A = arith.constant 0 : i32
    %dma_wait3A_30 = arith.constant 0 : i32
    %dma_wait3A_31 = arith.constant 0 : i32
    %dma_wait3A_32 = arith.constant 0 : i32
    %dma_wait3A_33 = tpu.memref_slice %arg10[%dma_wait3A_30, %dma_wait3A_31, %dma_wait3A_32] : memref<2x128x128xf32, #tpu.memory_space<vmem>> -> memref<1x128x128xf32, #tpu.memory_space<vmem>>
    %dma_wait3A_34 = tpu.memref_squeeze %dma_wait3A_33 : memref<1x128x128xf32, #tpu.memory_space<vmem>> -> memref<128x128xf32, #tpu.memory_space<vmem>>
    %dma_wait3A_35 = arith.constant 0 : i32
    %dma_wait3A_36 = tpu.memref_slice %arg8[%dma_wait3A, %dma_wait3A_35] : memref<2x128xi32, #tpu.memory_space<vmem>> -> memref<1x128xi32, #tpu.memory_space<vmem>>
    %dma_wait3A_37 = tpu.memref_squeeze %dma_wait3A_36 : memref<1x128xi32, #tpu.memory_space<vmem>> -> memref<128xi32, #tpu.memory_space<vmem>>
    %dma_wait3A_38 = arith.constant 0 : i32
    %dma_wait3A_39 = arith.constant 0 : i32
    %dma_wait3A_40 = tpu.memref_slice %arg2[%dma_wait3A_38, %dma_wait3A_39] : memref<10000x128xf32, #tpu.memory_space<hbm>> -> memref<10000x128xf32, #tpu.memory_space<hbm>>
    tpu.wait_indirect_dma semaphore(%arg11 : memref<!tpu.dma_semaphore, #tpu.memory_space<semaphore_mem>>) src(%dma_wait3A_40 : memref<10000x128xf32, #tpu.memory_space<hbm>>) dst(%dma_wait3A_34 : memref<128x128xf32, #tpu.memory_space<vmem>>)
    %run_scoped3A_41 = arith.constant 0 : i32
    %run_scoped3A_42 = arith.constant 0 : i32
    "tpu.region"() ({
      %run_scoped3A_53 = tpu.sem_alloc : memref<!tpu.dma_semaphore, #tpu.memory_space<semaphore_mem>>
      %dma_start3A_54 = arith.constant 0 : i32
      %dma_start3A_55 = arith.constant 0 : i32
      %dma_start3A_56 = tpu.memref_slice %arg10[%run_scoped3A_41, %dma_start3A_54, %dma_start3A_55] : memref<2x128x128xf32, #tpu.memory_space<vmem>> -> memref<1x128x128xf32, #tpu.memory_space<vmem>>
      %dma_start3A_57 = tpu.memref_squeeze %dma_start3A_56 : memref<1x128x128xf32, #tpu.memory_space<vmem>> -> memref<128x128xf32, #tpu.memory_space<vmem>>
      %dma_start3A_58 = arith.constant 0 : i32
      %dma_start3A_59 = tpu.memref_slice %arg9[%run_scoped3A_42, %dma_start3A_58] : memref<2x128xi32, #tpu.memory_space<vmem>> -> memref<1x128xi32, #tpu.memory_space<vmem>>
      %dma_start3A_60 = tpu.memref_squeeze %dma_start3A_59 : memref<1x128xi32, #tpu.memory_space<vmem>> -> memref<128xi32, #tpu.memory_space<vmem>>
      %dma_start3A_61 = arith.constant 0 : i32
      %dma_start3A_62 = arith.constant 0 : i32
      %dma_start3A_63 = tpu.memref_slice %arg7[%dma_start3A_61, %dma_start3A_62] : memref<10064x128xf32, #tpu.memory_space<vmem_shared>> -> memref<10064x128xf32, #tpu.memory_space<vmem_shared>>
      tpu.enqueue_indirect_dma source(%dma_start3A_57 : memref<128x128xf32, #tpu.memory_space<vmem>>) target(%dma_start3A_63 : memref<10064x128xf32, #tpu.memory_space<vmem_shared>>) offsets(%dma_start3A_60 : memref<128xi32, #tpu.memory_space<vmem>>) semaphore(%run_scoped3A_53 : memref<!tpu.dma_semaphore, #tpu.memory_space<semaphore_mem>>) {add = true}
      %dma_wait3A_64 = arith.constant 0 : i32
      %dma_wait3A_65 = arith.constant 0 : i32
      %dma_wait3A_66 = tpu.memref_slice %arg10[%run_scoped3A_41, %dma_wait3A_64, %dma_wait3A_65] : memref<2x128x128xf32, #tpu.memory_space<vmem>> -> memref<1x128x128xf32, #tpu.memory_space<vmem>>
      %dma_wait3A_67 = tpu.memref_squeeze %dma_wait3A_66 : memref<1x128x128xf32, #tpu.memory_space<vmem>> -> memref<128x128xf32, #tpu.memory_space<vmem>>
      %dma_wait3A_68 = arith.constant 0 : i32
      %dma_wait3A_69 = tpu.memref_slice %arg9[%run_scoped3A_42, %dma_wait3A_68] : memref<2x128xi32, #tpu.memory_space<vmem>> -> memref<1x128xi32, #tpu.memory_space<vmem>>
      %dma_wait3A_70 = tpu.memref_squeeze %dma_wait3A_69 : memref<1x128xi32, #tpu.memory_space<vmem>> -> memref<128xi32, #tpu.memory_space<vmem>>
      %dma_wait3A_71 = arith.constant 0 : i32
      %dma_wait3A_72 = arith.constant 0 : i32
      %dma_wait3A_73 = tpu.memref_slice %arg7[%dma_wait3A_71, %dma_wait3A_72] : memref<10064x128xf32, #tpu.memory_space<vmem_shared>> -> memref<10064x128xf32, #tpu.memory_space<vmem_shared>>
      tpu.wait_indirect_dma semaphore(%run_scoped3A_53 : memref<!tpu.dma_semaphore, #tpu.memory_space<semaphore_mem>>) src(%dma_wait3A_67 : memref<128x128xf32, #tpu.memory_space<vmem>>) dst(%dma_wait3A_73 : memref<10064x128xf32, #tpu.memory_space<vmem_shared>>)
      tpu.yield
    }) : () -> ()
    %barrier3A_43 = arith.constant 0 : index
    tpu.barrier barrier_id(%barrier3A_43)
    %lt3A = arith.constant 15 : i32
    %lt3A_44 = arith.cmpi slt, %arg1, %lt3A : i32
    %convert_element_type3A_45 = arith.extui %lt3A_44 : i1 to i32
    %cond3A_46 = arith.constant 0 : i32
    %cond3A_47 = arith.cmpi ne, %convert_element_type3A_45, %cond3A_46 : i32
    scf.if %cond3A_47 {
      %mul3A_53 = arith.constant 624 : i32
      %mul3A_54 = arith.muli %arg1, %mul3A_53 : i32
      %mul3A_55 = arith.constant 624 : i32
      %mul3A_56 = arith.muli %arg1, %mul3A_55 : i32
      "tpu.region"() ({
        %run_scoped3A_57 = tpu.sem_alloc : memref<!tpu.dma_semaphore, #tpu.memory_space<semaphore_mem>>
        %dma_start3A_58 = arith.constant 0 : i32
        %dma_start3A_59 = tpu.memref_slice %arg6[%arg0, %mul3A_56, %dma_start3A_58] : memref<2x10000x128xf32, #tpu.memory_space<hbm>> -> memref<1x624x128xf32, #tpu.memory_space<hbm>>
        %dma_start3A_60 = tpu.memref_squeeze %dma_start3A_59 : memref<1x624x128xf32, #tpu.memory_space<hbm>> -> memref<624x128xf32, #tpu.memory_space<hbm>>
        %dma_start3A_61 = arith.constant 0 : i32
        %dma_start3A_62 = tpu.memref_slice %arg7[%mul3A_54, %dma_start3A_61] : memref<10064x128xf32, #tpu.memory_space<vmem_shared>> -> memref<624x128xf32, #tpu.memory_space<vmem_shared>>
        tpu.enqueue_dma source(%dma_start3A_62 : memref<624x128xf32, #tpu.memory_space<vmem_shared>>) target(%dma_start3A_60 : memref<624x128xf32, #tpu.memory_space<hbm>>) target_semaphore(%run_scoped3A_57 : memref<!tpu.dma_semaphore, #tpu.memory_space<semaphore_mem>>)
        %dma_wait3A_63 = arith.constant 0 : i32
        %dma_wait3A_64 = tpu.memref_slice %arg6[%arg0, %mul3A_56, %dma_wait3A_63] : memref<2x10000x128xf32, #tpu.memory_space<hbm>> -> memref<1x624x128xf32, #tpu.memory_space<hbm>>
        %dma_wait3A_65 = tpu.memref_squeeze %dma_wait3A_64 : memref<1x624x128xf32, #tpu.memory_space<hbm>> -> memref<624x128xf32, #tpu.memory_space<hbm>>
        %dma_wait3A_66 = arith.constant 0 : i32
        %dma_wait3A_67 = tpu.memref_slice %arg7[%mul3A_54, %dma_wait3A_66] : memref<10064x128xf32, #tpu.memory_space<vmem_shared>> -> memref<624x128xf32, #tpu.memory_space<vmem_shared>>
        tpu.wait_dma2 semaphore(%run_scoped3A_57 : memref<!tpu.dma_semaphore, #tpu.memory_space<semaphore_mem>>) src(%dma_wait3A_67 : memref<624x128xf32, #tpu.memory_space<vmem_shared>>) dst(%dma_wait3A_65 : memref<624x128xf32, #tpu.memory_space<hbm>>)
        tpu.yield
      }) : () -> ()
    } else {
    }
    %eq3A_48 = arith.constant 15 : i32
    %eq3A_49 = arith.cmpi eq, %arg1, %eq3A_48 : i32
    %convert_element_type3A_50 = arith.extui %eq3A_49 : i1 to i32
    %cond3A_51 = arith.constant 0 : i32
    %cond3A_52 = arith.cmpi ne, %convert_element_type3A_50, %cond3A_51 : i32
    scf.if %cond3A_52 {
      "tpu.region"() ({
        %run_scoped3A_53 = tpu.sem_alloc : memref<!tpu.dma_semaphore, #tpu.memory_space<semaphore_mem>>
        %dma_start3A_54 = arith.constant 9360 : i32
        %dma_start3A_55 = arith.constant 0 : i32
        %dma_start3A_56 = tpu.memref_slice %arg6[%arg0, %dma_start3A_54, %dma_start3A_55] : memref<2x10000x128xf32, #tpu.memory_space<hbm>> -> memref<1x640x128xf32, #tpu.memory_space<hbm>>
        %dma_start3A_57 = tpu.memref_squeeze %dma_start3A_56 : memref<1x640x128xf32, #tpu.memory_space<hbm>> -> memref<640x128xf32, #tpu.memory_space<hbm>>
        %dma_start3A_58 = arith.constant 9360 : i32
        %dma_start3A_59 = arith.constant 0 : i32
        %dma_start3A_60 = tpu.memref_slice %arg7[%dma_start3A_58, %dma_start3A_59] : memref<10064x128xf32, #tpu.memory_space<vmem_shared>> -> memref<640x128xf32, #tpu.memory_space<vmem_shared>>
        tpu.enqueue_dma source(%dma_start3A_60 : memref<640x128xf32, #tpu.memory_space<vmem_shared>>) target(%dma_start3A_57 : memref<640x128xf32, #tpu.memory_space<hbm>>) target_semaphore(%run_scoped3A_53 : memref<!tpu.dma_semaphore, #tpu.memory_space<semaphore_mem>>)
        %dma_wait3A_61 = arith.constant 9360 : i32
        %dma_wait3A_62 = arith.constant 0 : i32
        %dma_wait3A_63 = tpu.memref_slice %arg6[%arg0, %dma_wait3A_61, %dma_wait3A_62] : memref<2x10000x128xf32, #tpu.memory_space<hbm>> -> memref<1x640x128xf32, #tpu.memory_space<hbm>>
        %dma_wait3A_64 = tpu.memref_squeeze %dma_wait3A_63 : memref<1x640x128xf32, #tpu.memory_space<hbm>> -> memref<640x128xf32, #tpu.memory_space<hbm>>
        %dma_wait3A_65 = arith.constant 9360 : i32
        %dma_wait3A_66 = arith.constant 0 : i32
        %dma_wait3A_67 = tpu.memref_slice %arg7[%dma_wait3A_65, %dma_wait3A_66] : memref<10064x128xf32, #tpu.memory_space<vmem_shared>> -> memref<640x128xf32, #tpu.memory_space<vmem_shared>>
        tpu.wait_dma2 semaphore(%run_scoped3A_53 : memref<!tpu.dma_semaphore, #tpu.memory_space<semaphore_mem>>) src(%dma_wait3A_67 : memref<640x128xf32, #tpu.memory_space<vmem_shared>>) dst(%dma_wait3A_64 : memref<640x128xf32, #tpu.memory_space<hbm>>)
        tpu.yield
      }) : () -> ()
    } else {
    }
    return
  }
}

module attributes {stable_mosaic.version = 14 : i64} {
  func.func @_pre_body(%arg0: i32, %arg1: memref<1000x128xf32, #tpu.memory_space<vmem>>, %arg2: memref<128x128xf32, #tpu.memory_space<vmem>>, %arg3: memref<1x128xf32, #tpu.memory_space<vmem>>, %arg4: memref<1000x128xf32, #tpu.memory_space<vmem>>) attributes {dimension_semantics = [#tpu.dimension_semantics<arbitrary>], iteration_bounds = array<i64: 10>, scalar_prefetch = 0 : i64, scratch_operands = 0 : i64, tpu.core_type = #tpu.core_type<tc>, window_params = [{transform_indices = @transform_0, window_bounds = array<i64: 1000, 128>}, {pipeline_mode = #tpu.pipeline_mode<synchronous>, transform_indices = @transform_1, window_bounds = array<i64: 128, 128>}, {pipeline_mode = #tpu.pipeline_mode<synchronous>, transform_indices = @transform_2, window_bounds = array<i64: 1, 128>}, {transform_indices = @transform_3, window_bounds = array<i64: 1000, 128>}]} {
    %get3A = arith.constant 0 : index
    %get3A_0 = arith.constant 0 : index
    %get3A_1 = vector.load %arg1[%get3A, %get3A_0] : memref<1000x128xf32, #tpu.memory_space<vmem>>, vector<1000x128xf32>
    %get3A_2 = arith.constant 0 : index
    %get3A_3 = arith.constant 0 : index
    %get3A_4 = vector.load %arg2[%get3A_2, %get3A_3] : memref<128x128xf32, #tpu.memory_space<vmem>>, vector<128x128xf32>
    %dot_general3A = arith.constant dense<0.000000e+00> : vector<1000x128xf32>
    %dot_general3A_5 = tpu.matmul %get3A_1, %get3A_4, %dot_general3A {dimension_numbers = #tpu.dot_dimension_numbers<[1], [0], [0], [1], [0, 0, 1, 1], [], []>, transpose_lhs_hint = false} : vector<1000x128xf32>, vector<128x128xf32>, vector<1000x128xf32> -> vector<1000x128xf32>
    %get3A_6 = arith.constant 0 : index
    %get3A_7 = arith.constant 0 : index
    %get3A_8 = vector.load %arg3[%get3A_6, %get3A_7] : memref<1x128xf32, #tpu.memory_space<vmem>>, vector<1x128xf32>
    %add3A = vector.broadcast %get3A_8 : vector<1x128xf32> to vector<1000x128xf32>
    %add3A_9 = arith.addf %dot_general3A_5, %add3A : vector<1000x128xf32>
    %swap3A = arith.constant 0 : index
    %swap3A_10 = arith.constant 0 : index
    %swap3A_11 = vector.load %arg4[%swap3A, %swap3A_10] : memref<1000x128xf32, #tpu.memory_space<vmem>>, vector<1000x128xf32>
    tpu.vector_store %arg4[%swap3A, %swap3A_10], %add3A_9 {strides = array<i32>} : memref<1000x128xf32, #tpu.memory_space<vmem>>, vector<1000x128xf32>,
    return
  }
  func.func @transform_0(%arg0: i32) -> (i32, i32) {
    %c0_i32 = arith.constant 0 : i32
    %c0_i32_0 = arith.constant 0 : i32
    return %arg0, %c0_i32 : i32, i32
  }
  func.func @transform_1(%arg0: i32) -> (i32, i32) {
    %c0_i32 = arith.constant 0 : i32
    %c0_i32_0 = arith.constant 0 : i32
    %c0_i32_1 = arith.constant 0 : i32
    return %c0_i32, %c0_i32_0 : i32, i32
  }
  func.func @transform_2(%arg0: i32) -> (i32, i32) {
    %c0_i32 = arith.constant 0 : i32
    %c0_i32_0 = arith.constant 0 : i32
    %c0_i32_1 = arith.constant 0 : i32
    return %c0_i32, %c0_i32_0 : i32, i32
  }
  func.func @transform_3(%arg0: i32) -> (i32, i32) {
    %c0_i32 = arith.constant 0 : i32
    %c0_i32_0 = arith.constant 0 : i32
    return %arg0, %c0_i32 : i32, i32
  }
}

module attributes {stable_mosaic.version = 14 : i64} {
  func.func @_mlp_body(%arg0: i32, %arg1: memref<2x1000x128xf32, #tpu.memory_space<vmem>>, %arg2: memref<128x128xf32, #tpu.memory_space<vmem>>, %arg3: memref<1x128xf32, #tpu.memory_space<vmem>>, %arg4: memref<128x128xf32, #tpu.memory_space<vmem>>, %arg5: memref<1x128xf32, #tpu.memory_space<vmem>>, %arg6: memref<1000x128xf32, #tpu.memory_space<vmem>>) attributes {dimension_semantics = [#tpu.dimension_semantics<arbitrary>], iteration_bounds = array<i64: 10>, scalar_prefetch = 0 : i64, scratch_operands = 0 : i64, tpu.core_type = #tpu.core_type<tc>, window_params = [{transform_indices = @transform_0, window_bounds = array<i64: 2, 1000, 128>}, {pipeline_mode = #tpu.pipeline_mode<synchronous>, transform_indices = @transform_1, window_bounds = array<i64: 128, 128>}, {pipeline_mode = #tpu.pipeline_mode<synchronous>, transform_indices = @transform_2, window_bounds = array<i64: 1, 128>}, {pipeline_mode = #tpu.pipeline_mode<synchronous>, transform_indices = @transform_3, window_bounds = array<i64: 128, 128>}, {pipeline_mode = #tpu.pipeline_mode<synchronous>, transform_indices = @transform_4, window_bounds = array<i64: 1, 128>}, {transform_indices = @transform_5, window_bounds = array<i64: 1000, 128>}]} {
    %get3A = arith.constant 0 : index
    %get3A_0 = arith.constant 0 : index
    %get3A_1 = arith.constant 0 : index
    %get3A_2 = vector.load %arg1[%get3A, %get3A_0, %get3A_1] : memref<2x1000x128xf32, #tpu.memory_space<vmem>>, vector<1x1000x128xf32>
    %get3A_3 = vector.shape_cast %get3A_2 : vector<1x1000x128xf32> to vector<1000x128xf32>
    %get3A_4 = arith.constant 1 : index
    %get3A_5 = arith.constant 0 : index
    %get3A_6 = arith.constant 0 : index
    %get3A_7 = vector.load %arg1[%get3A_4, %get3A_5, %get3A_6] : memref<2x1000x128xf32, #tpu.memory_space<vmem>>, vector<1x1000x128xf32>
    %get3A_8 = vector.shape_cast %get3A_7 : vector<1x1000x128xf32> to vector<1000x128xf32>
    %add3A = arith.addf %get3A_3, %get3A_8 : vector<1000x128xf32>
    %get3A_9 = arith.constant 0 : index
    %get3A_10 = arith.constant 0 : index
    %get3A_11 = vector.load %arg2[%get3A_9, %get3A_10] : memref<128x128xf32, #tpu.memory_space<vmem>>, vector<128x128xf32>
    %dot_general3A = arith.constant dense<0.000000e+00> : vector<1000x128xf32>
    %dot_general3A_12 = tpu.matmul %add3A, %get3A_11, %dot_general3A {dimension_numbers = #tpu.dot_dimension_numbers<[1], [0], [0], [1], [0, 0, 1, 1], [], []>, transpose_lhs_hint = false} : vector<1000x128xf32>, vector<128x128xf32>, vector<1000x128xf32> -> vector<1000x128xf32>
    %get3A_13 = arith.constant 0 : index
    %get3A_14 = arith.constant 0 : index
    %get3A_15 = vector.load %arg3[%get3A_13, %get3A_14] : memref<1x128xf32, #tpu.memory_space<vmem>>, vector<1x128xf32>
    %add3A_16 = vector.broadcast %get3A_15 : vector<1x128xf32> to vector<1000x128xf32>
    %add3A_17 = arith.addf %dot_general3A_12, %add3A_16 : vector<1000x128xf32>
    %max3A = arith.constant 0.000000e+00 : f32
    %max3A_18 = vector.broadcast %max3A : f32 to vector<1000x128xf32>
    %max3A_19 = arith.maximumf %add3A_17, %max3A_18 : vector<1000x128xf32>
    %get3A_20 = arith.constant 0 : index
    %get3A_21 = arith.constant 0 : index
    %get3A_22 = vector.load %arg4[%get3A_20, %get3A_21] : memref<128x128xf32, #tpu.memory_space<vmem>>, vector<128x128xf32>
    %dot_general3A_23 = arith.constant dense<0.000000e+00> : vector<1000x128xf32>
    %dot_general3A_24 = tpu.matmul %max3A_19, %get3A_22, %dot_general3A_23 {dimension_numbers = #tpu.dot_dimension_numbers<[1], [0], [0], [1], [0, 0, 1, 1], [], []>, transpose_lhs_hint = false} : vector<1000x128xf32>, vector<128x128xf32>, vector<1000x128xf32> -> vector<1000x128xf32>
    %get3A_25 = arith.constant 0 : index
    %get3A_26 = arith.constant 0 : index
    %get3A_27 = vector.load %arg5[%get3A_25, %get3A_26] : memref<1x128xf32, #tpu.memory_space<vmem>>, vector<1x128xf32>
    %add3A_28 = vector.broadcast %get3A_27 : vector<1x128xf32> to vector<1000x128xf32>
    %add3A_29 = arith.addf %dot_general3A_24, %add3A_28 : vector<1000x128xf32>
    %max3A_30 = arith.constant 0.000000e+00 : f32
    %max3A_31 = vector.broadcast %max3A_30 : f32 to vector<1000x128xf32>
    %max3A_32 = arith.maximumf %add3A_29, %max3A_31 : vector<1000x128xf32>
    %swap3A = arith.constant 0 : index
    %swap3A_33 = arith.constant 0 : index
    %swap3A_34 = vector.load %arg6[%swap3A, %swap3A_33] : memref<1000x128xf32, #tpu.memory_space<vmem>>, vector<1000x128xf32>
    tpu.vector_store %arg6[%swap3A, %swap3A_33], %max3A_32 {strides = array<i32>} : memref<1000x128xf32, #tpu.memory_space<vmem>>, vector<1000x128xf32>,
    return
  }
  func.func @transform_0(%arg0: i32) -> (i32, i32, i32) {
    %c0_i32 = arith.constant 0 : i32
    %c0_i32_0 = arith.constant 0 : i32
    %c0_i32_1 = arith.constant 0 : i32
    return %c0_i32, %arg0, %c0_i32_0 : i32, i32, i32
  }
  func.func @transform_1(%arg0: i32) -> (i32, i32) {
    %c0_i32 = arith.constant 0 : i32
    %c0_i32_0 = arith.constant 0 : i32
    %c0_i32_1 = arith.constant 0 : i32
    return %c0_i32, %c0_i32_0 : i32, i32
  }
  func.func @transform_2(%arg0: i32) -> (i32, i32) {
    %c0_i32 = arith.constant 0 : i32
    %c0_i32_0 = arith.constant 0 : i32
    %c0_i32_1 = arith.constant 0 : i32
    return %c0_i32, %c0_i32_0 : i32, i32
  }
  func.func @transform_3(%arg0: i32) -> (i32, i32) {
    %c0_i32 = arith.constant 0 : i32
    %c0_i32_0 = arith.constant 0 : i32
    %c0_i32_1 = arith.constant 0 : i32
    return %c0_i32, %c0_i32_0 : i32, i32
  }
  func.func @transform_4(%arg0: i32) -> (i32, i32) {
    %c0_i32 = arith.constant 0 : i32
    %c0_i32_0 = arith.constant 0 : i32
    %c0_i32_1 = arith.constant 0 : i32
    return %c0_i32, %c0_i32_0 : i32, i32
  }
  func.func @transform_5(%arg0: i32) -> (i32, i32) {
    %c0_i32 = arith.constant 0 : i32
    %c0_i32_0 = arith.constant 0 : i32
    return %arg0, %c0_i32 : i32, i32
  }
}

module attributes {stable_mosaic.version = 14 : i64} {
  func.func @_pool_head_body(%arg0: i32, %arg1: memref<1000x128xf32, #tpu.memory_space<vmem>>, %arg2: memref<1x1x1000xi32, #tpu.memory_space<vmem>>, %arg3: memref<128x128xf32, #tpu.memory_space<vmem>>, %arg4: memref<1x128xf32, #tpu.memory_space<vmem>>, %arg5: memref<128x16xf32, #tpu.memory_space<vmem>>, %arg6: memref<1x16xf32, #tpu.memory_space<vmem>>, %arg7: memref<128x16xf32, #tpu.memory_space<vmem>>, %arg8: memref<128x128xf32, #tpu.memory_space<vmem>>) attributes {dimension_semantics = [#tpu.dimension_semantics<arbitrary>], iteration_bounds = array<i64: 10>, scalar_prefetch = 0 : i64, scratch_operands = 1 : i64, tpu.core_type = #tpu.core_type<tc>, window_params = [{transform_indices = @transform_0, window_bounds = array<i64: 1000, 128>}, {transform_indices = @transform_1, window_bounds = array<i64: 1, 1, 1000>}, {pipeline_mode = #tpu.pipeline_mode<synchronous>, transform_indices = @transform_2, window_bounds = array<i64: 128, 128>}, {pipeline_mode = #tpu.pipeline_mode<synchronous>, transform_indices = @transform_3, window_bounds = array<i64: 1, 128>}, {pipeline_mode = #tpu.pipeline_mode<synchronous>, transform_indices = @transform_4, window_bounds = array<i64: 128, 16>}, {pipeline_mode = #tpu.pipeline_mode<synchronous>, transform_indices = @transform_5, window_bounds = array<i64: 1, 16>}, {pipeline_mode = #tpu.pipeline_mode<synchronous>, transform_indices = @transform_6, window_bounds = array<i64: 128, 16>}]} {
    %eq3A = arith.constant 0 : i32
    %eq3A_0 = arith.cmpi eq, %arg0, %eq3A : i32
    %convert_element_type3A = arith.extui %eq3A_0 : i1 to i32
    %cond3A = arith.constant 0 : i32
    %cond3A_1 = arith.cmpi ne, %convert_element_type3A, %cond3A : i32
    scf.if %cond3A_1 {
      %broadcast_in_dim3A_24 = arith.constant 0.000000e+00 : f32
      %broadcast_in_dim3A_25 = vector.broadcast %broadcast_in_dim3A_24 : f32 to vector<128x128xf32>
      %swap3A_26 = arith.constant 0 : index
      %swap3A_27 = arith.constant 0 : index
      %swap3A_28 = vector.load %arg8[%swap3A_26, %swap3A_27] : memref<128x128xf32, #tpu.memory_space<vmem>>, vector<128x128xf32>
      tpu.vector_store %arg8[%swap3A_26, %swap3A_27], %broadcast_in_dim3A_25 {strides = array<i32>} : memref<128x128xf32, #tpu.memory_space<vmem>>, vector<128x128xf32>,
    } else {
    }
    %get3A = arith.constant 0 : index
    %get3A_2 = arith.constant 0 : index
    %get3A_3 = arith.constant 0 : index
    %get3A_4 = vector.load %arg2[%get3A, %get3A_2, %get3A_3] : memref<1x1x1000xi32, #tpu.memory_space<vmem>>, vector<1x1x1000xi32>
    %get3A_5 = vector.shape_cast %get3A_4 : vector<1x1x1000xi32> to vector<1000xi32>
    %iota3A = tpu.iota {dimensions = array<i32: 0>} : vector<128x1000xi32>
    %broadcast_in_dim3A = vector.shape_cast %get3A_5 : vector<1000xi32> to vector<1x1000xi32>
    %eq3A_6 = vector.broadcast %broadcast_in_dim3A : vector<1x1000xi32> to vector<128x1000xi32>
    %eq3A_7 = arith.cmpi eq, %iota3A, %eq3A_6 : vector<128x1000xi32>
    %convert_element_type3A_8 = arith.extui %eq3A_7 : vector<128x1000xi1> to vector<128x1000xi32>
    %convert_element_type3A_9 = arith.sitofp %convert_element_type3A_8 : vector<128x1000xi32> to vector<128x1000xf32>
    %get3A_10 = arith.constant 0 : index
    %get3A_11 = arith.constant 0 : index
    %get3A_12 = vector.load %arg8[%get3A_10, %get3A_11] : memref<128x128xf32, #tpu.memory_space<vmem>>, vector<128x128xf32>
    %get3A_13 = arith.constant 0 : index
    %get3A_14 = arith.constant 0 : index
    %get3A_15 = vector.load %arg1[%get3A_13, %get3A_14] : memref<1000x128xf32, #tpu.memory_space<vmem>>, vector<1000x128xf32>
    %dot_general3A = arith.constant dense<0.000000e+00> : vector<128x128xf32>
    %dot_general3A_16 = tpu.matmul %convert_element_type3A_9, %get3A_15, %dot_general3A {dimension_numbers = #tpu.dot_dimension_numbers<[1], [0], [0], [1], [0, 0, 1, 1], [], []>, transpose_lhs_hint = false} : vector<128x1000xf32>, vector<1000x128xf32>, vector<128x128xf32> -> vector<128x128xf32>
    %add3A = arith.addf %get3A_12, %dot_general3A_16 : vector<128x128xf32>
    %swap3A = arith.constant 0 : index
    %swap3A_17 = arith.constant 0 : index
    %swap3A_18 = vector.load %arg8[%swap3A, %swap3A_17] : memref<128x128xf32, #tpu.memory_space<vmem>>, vector<128x128xf32>
    tpu.vector_store %arg8[%swap3A, %swap3A_17], %add3A {strides = array<i32>} : memref<128x128xf32, #tpu.memory_space<vmem>>, vector<128x128xf32>,
    %eq3A_19 = arith.constant 9 : i32
    %eq3A_20 = arith.cmpi eq, %arg0, %eq3A_19 : i32
    %convert_element_type3A_21 = arith.extui %eq3A_20 : i1 to i32
    %cond3A_22 = arith.constant 0 : i32
    %cond3A_23 = arith.cmpi ne, %convert_element_type3A_21, %cond3A_22 : i32
    scf.if %cond3A_23 {
      %get3A_24 = arith.constant 0 : index
      %get3A_25 = arith.constant 0 : index
      %get3A_26 = vector.load %arg8[%get3A_24, %get3A_25] : memref<128x128xf32, #tpu.memory_space<vmem>>, vector<128x128xf32>
      %get3A_27 = arith.constant 0 : index
      %get3A_28 = arith.constant 0 : index
      %get3A_29 = vector.load %arg3[%get3A_27, %get3A_28] : memref<128x128xf32, #tpu.memory_space<vmem>>, vector<128x128xf32>
      %dot_general3A_30 = arith.constant dense<0.000000e+00> : vector<128x128xf32>
      %dot_general3A_31 = tpu.matmul %get3A_26, %get3A_29, %dot_general3A_30 {dimension_numbers = #tpu.dot_dimension_numbers<[1], [0], [0], [1], [0, 0, 1, 1], [], []>, transpose_lhs_hint = false} : vector<128x128xf32>, vector<128x128xf32>, vector<128x128xf32> -> vector<128x128xf32>
      %get3A_32 = arith.constant 0 : index
      %get3A_33 = arith.constant 0 : index
      %get3A_34 = vector.load %arg4[%get3A_32, %get3A_33] : memref<1x128xf32, #tpu.memory_space<vmem>>, vector<1x128xf32>
      %add3A_35 = vector.broadcast %get3A_34 : vector<1x128xf32> to vector<128x128xf32>
      %add3A_36 = arith.addf %dot_general3A_31, %add3A_35 : vector<128x128xf32>
      %max3A = arith.constant 0.000000e+00 : f32
      %max3A_37 = vector.broadcast %max3A : f32 to vector<128x128xf32>
      %max3A_38 = arith.maximumf %add3A_36, %max3A_37 : vector<128x128xf32>
      %get3A_39 = arith.constant 0 : index
      %get3A_40 = arith.constant 0 : index
      %get3A_41 = vector.load %arg5[%get3A_39, %get3A_40] : memref<128x16xf32, #tpu.memory_space<vmem>>, vector<128x16xf32>
      %dot_general3A_42 = arith.constant dense<0.000000e+00> : vector<128x16xf32>
      %dot_general3A_43 = tpu.matmul %max3A_38, %get3A_41, %dot_general3A_42 {dimension_numbers = #tpu.dot_dimension_numbers<[1], [0], [0], [1], [0, 0, 1, 1], [], []>, transpose_lhs_hint = false} : vector<128x128xf32>, vector<128x16xf32>, vector<128x16xf32> -> vector<128x16xf32>
      %get3A_44 = arith.constant 0 : index
      %get3A_45 = arith.constant 0 : index
      %get3A_46 = vector.load %arg6[%get3A_44, %get3A_45] : memref<1x16xf32, #tpu.memory_space<vmem>>, vector<1x16xf32>
      %add3A_47 = vector.broadcast %get3A_46 : vector<1x16xf32> to vector<128x16xf32>
      %add3A_48 = arith.addf %dot_general3A_43, %add3A_47 : vector<128x16xf32>
      %reduce_max3A = arith.constant dense<0xFF800000> : vector<128xf32>
      %reduce_max3A_49 = vector.multi_reduction <maximumf>, %add3A_48, %reduce_max3A [1] : vector<128x16xf32> to vector<128xf32>
      %broadcast_in_dim3A_50 = vector.shape_cast %reduce_max3A_49 : vector<128xf32> to vector<128x1xf32>
      %sub3A = vector.broadcast %broadcast_in_dim3A_50 : vector<128x1xf32> to vector<128x16xf32>
      %sub3A_51 = arith.subf %add3A_48, %sub3A : vector<128x16xf32>
      %exp3A = math.exp %sub3A_51 : vector<128x16xf32>
      %reduce_sum3A = arith.constant dense<0.000000e+00> : vector<128xf32>
      %reduce_sum3A_52 = vector.multi_reduction <add>, %exp3A, %reduce_sum3A [1] : vector<128x16xf32> to vector<128xf32>
      %broadcast_in_dim3A_53 = vector.shape_cast %reduce_sum3A_52 : vector<128xf32> to vector<128x1xf32>
      %log3A = math.log %broadcast_in_dim3A_53 : vector<128x1xf32>
      %add3A_54 = arith.addf %broadcast_in_dim3A_50, %log3A : vector<128x1xf32>
      %sub3A_55 = vector.broadcast %add3A_54 : vector<128x1xf32> to vector<128x16xf32>
      %sub3A_56 = arith.subf %add3A_48, %sub3A_55 : vector<128x16xf32>
      %swap3A_57 = arith.constant 0 : index
      %swap3A_58 = arith.constant 0 : index
      %swap3A_59 = vector.load %arg7[%swap3A_57, %swap3A_58] : memref<128x16xf32, #tpu.memory_space<vmem>>, vector<128x16xf32>
      tpu.vector_store %arg7[%swap3A_57, %swap3A_58], %sub3A_56 {strides = array<i32>} : memref<128x16xf32, #tpu.memory_space<vmem>>, vector<128x16xf32>,
    } else {
    }
    return
  }
  func.func @transform_0(%arg0: i32) -> (i32, i32) {
    %c0_i32 = arith.constant 0 : i32
    %c0_i32_0 = arith.constant 0 : i32
    return %arg0, %c0_i32 : i32, i32
  }
  func.func @transform_1(%arg0: i32) -> (i32, i32, i32) {
    %c0_i32 = arith.constant 0 : i32
    %c0_i32_0 = arith.constant 0 : i32
    %c0_i32_1 = arith.constant 0 : i32
    return %arg0, %c0_i32, %c0_i32_0 : i32, i32, i32
  }
  func.func @transform_2(%arg0: i32) -> (i32, i32) {
    %c0_i32 = arith.constant 0 : i32
    %c0_i32_0 = arith.constant 0 : i32
    %c0_i32_1 = arith.constant 0 : i32
    return %c0_i32, %c0_i32_0 : i32, i32
  }
  func.func @transform_3(%arg0: i32) -> (i32, i32) {
    %c0_i32 = arith.constant 0 : i32
    %c0_i32_0 = arith.constant 0 : i32
    %c0_i32_1 = arith.constant 0 : i32
    return %c0_i32, %c0_i32_0 : i32, i32
  }
  func.func @transform_4(%arg0: i32) -> (i32, i32) {
    %c0_i32 = arith.constant 0 : i32
    %c0_i32_0 = arith.constant 0 : i32
    %c0_i32_1 = arith.constant 0 : i32
    return %c0_i32, %c0_i32_0 : i32, i32
  }
  func.func @transform_5(%arg0: i32) -> (i32, i32) {
    %c0_i32 = arith.constant 0 : i32
    %c0_i32_0 = arith.constant 0 : i32
    %c0_i32_1 = arith.constant 0 : i32
    return %c0_i32, %c0_i32_0 : i32, i32
  }
  func.func @transform_6(%arg0: i32) -> (i32, i32) {
    %c0_i32 = arith.constant 0 : i32
    %c0_i32_0 = arith.constant 0 : i32
    %c0_i32_1 = arith.constant 0 : i32
    return %c0_i32, %c0_i32_0 : i32, i32
  }
}

</mosaic_0001>

<sc_bundles>
// kernel: kernel.10.cloned.1.call-start
scs
__scs_entry_jumppad:
0x0: {  	(pc) =	sbr.rel $0x88, $3  }
0x1: {  	(tag) =	ssettag $0x0;
	lr =	simm.s32 $0x1  }
0x2: {  	[smem:$0x3F8C] =	sst lr;
	_ =	strace $0xD0000000  }
0x3: {  	_ = 	snop  }
0x4: {  	_ = 	snop  }
0x5: {  	_ = 	snop  }
0x6: {  	_ = 	snop  }
0x7: {  	_ = 	snop  }
__scs_overlays_trampoline_lowered:
0x8: {  	[smem:$0x3F9B] =	sst s0  }
0x9: {  	[smem:$0x3F9C] =	sst s1  }
0xa: {  	[smem:$0x3F9D] =	sst s2  }
0xb: {  	[smem:$0x3F9E] =	sst s3  }
0xc: {  	[smem:$0x3F9F] =	sst s4  }
0xd: {  	[smem:$0x3FA0] =	sst s5  }
0xe: {  	[smem:$0x3FA1] =	sst s6  }
0xf: {  	[smem:$0x3FA2] =	sst s7  }
0x10: {  	[smem:$0x3FA3] =	sst s8  }
0x11: {  	[smem:$0x3FA4] =	sst s9;
	s0 =	simm.s32 @!p0 $0x0  }
0x12: {  	s1 =	sld [smem:$0x3F8A];
	s0 =	simm.s32 @p0 $0x1  }
0x13: {  	[smem:$0x3FA5] =	sst s0;
	s0 =	simm.s32 @!p1 $0x0  }
0x14: {  	s2 =	sld [smem:$0x3F89];
	s0 =	simm.s32 @p1 $0x1  }
0x15: {  	[smem:$0x3FA6] =	sst s0;
	s0 =	simm.s32 @!p2 $0x0  }
0x16: {  	s3 =	sld [smem:$0x3FDB];
	s0 =	simm.s32 @p2 $0x1  }
0x17: {  	s4 =	simm.s32 $0x1BF5;
	[smem:$0x3FA8] =	sst s0  }
0x18: {  	s0 =	sld [smem:$0x3F8B];
	_ =	swait.ge [sflag:s4], $0x0  }
0x19: {  	s7 =	sld [smem:$0x3F8C]  }
0x1a: {  	s8 =	sadd.s32 $0xFFFFE003, lr  }
0x1b: {  	s9 =	sadd.s32 $0xFFFFFEF7, lr;
	s5 =	simm.s32 $0xFFFFFFFF;
	p2 =	slt.u32 s8, $0xFFFFF086  }
0x1c: {  	p1 =	slt.u32 s9, $0xF7A;
	s5 =	simm.s32 @!p2 $0x0  }
0x1d: {  	s5 =	simm.s32 @p1 $0x1;
	p0 =	seq.s32 s7, s2  }
0x1e: {  	s7 =	smul.u32 @!p0 $0xF7A, s2;
	p2 =	seq.s32 @!p0 s5, $0x0  }
0x1f: {  	s9 =	smul.u32 $0xF7A, s1;
	s8 =	simm.s32 @!p0 $0x1BF5;
	p2 =	por !p2, p0  }
0x20: {  	[sflag:s8] =	ssyncset.s32 @!p0 $0xFFFFF086;
	s6 =	sadd.s32 @!p0 s3, s7;
	s7 =	simm.s32 @!p0 $0x108  }
0x21: {  	s3 =	sadd.s32 s3, s9;
	s6 =	sadd.s32 @!p0 $0x88, s6;
	s7 =	simm.s32 @p2 $0x1082  }
0x22: {  	[simem:s7], [sflag:s8] =	dma.local @!p0 [hbm:s6], $0xF7A  }
0x23: {  	s9 =	sor.u32 $0xD0000000, s2;
	s6 =	simm.s32 $0x108;
	_ =	swait.ge @!p0 [sflag:s8], $0x0  }
0x24: {  	s3 =	sadd.s32 $0x88, s3;
	s6 =	simm.s32 @!p1 $0x1082;
	[sflag:s4] =	ssyncset.s32 $0xFFFFF086  }
0x25: {  	[simem:s6], [sflag:s4] =	dma.local [hbm:s3], $0xF7A  }
0x26: {  	[smem:$0x3F8C] =	sst s1;
	(tag) =	ssettag s2;
	_ =	strace s9  }
0x27: {  	s1 =	sld [smem:$0x3F9C]  }
0x28: {  	s2 =	sld [smem:$0x3F9D]  }
0x29: {  	s4 =	sld [smem:$0x3F9F]  }
0x2a: {  	p0 =	seq.s32 s5, $0x0;
	s5 =	sld [smem:$0x3FA0]  }
0x2b: {  	s6 =	sld [smem:$0x3FA1]  }
0x2c: {  	s7 =	sld [smem:$0x3FA2]  }
0x2d: {  	s3 =	simm.s32 $0x108;
	s8 =	sld [smem:$0x3FA3]  }
0x2e: {  	s3 =	simm.s32 @!p0 $0x1082;
	s9 =	sld [smem:$0x3FA4]  }
0x2f: {  	lr =	sadd.s32 s0, s3;
	s0 =	sld [smem:$0x3F9B]  }
0x30: {  	s3 =	sld [smem:$0x3F9E]  }
0x31: {  	[smem:$0x3FA7] =	sst s10  }
0x32: {  	s10 =	sld [smem:$0x3FA5];
	_ =	sdelay $0x3  }
0x33: {  	p0 =	seq.s32 s10, $0x1;
	s10 =	sld [smem:$0x3FA7];
	_ =	sdelay $0x3  }
0x34: {  	[smem:$0x3FA7] =	sst s10  }
0x35: {  	s10 =	sld [smem:$0x3FA6];
	_ =	sdelay $0x3  }
0x36: {  	p1 =	seq.s32 s10, $0x1;
	s10 =	sld [smem:$0x3FA7];
	_ =	sdelay $0x3  }
0x37: {  	[smem:$0x3FA7] =	sst s10  }
0x38: {  	s10 =	sld [smem:$0x3FA8]  }
0x39: {  	_ = 	snop;
	(pc) =	sbr.ind lr, $3  }
0x3a: {  	_ = 	snop  }
0x3b: {  	_ = 	snop  }
0x3c: {  	p2 =	seq.s32 s10, $0x1;
	s10 =	sld [smem:$0x3FA7]  }
0x3d: {  	_ =	shalt  }
0x3e: {  	_ =	shalt  }
0x3f: {  	_ =	shalt  }
0x40: {  	_ =	shalt  }
0x41: {  	_ =	shalt  }
0x42: {  	_ =	shalt  }
0x43: {  	_ =	shalt  }
0x44: {  	_ =	shalt  }
0x45: {  	_ =	shalt  }
0x46: {  	_ =	shalt  }
0x47: {  	_ =	shalt  }
0x48: {  	_ =	shalt  }
0x49: {  	_ =	shalt  }
0x4a: {  	_ =	shalt  }
0x4b: {  	_ =	shalt  }
0x4c: {  	_ =	shalt  }
0x4d: {  	_ =	shalt  }
0x4e: {  	_ =	shalt  }
0x4f: {  	_ =	shalt  }
0x50: {  	_ =	shalt  }
0x51: {  	_ =	shalt  }
0x52: {  	_ =	shalt  }
0x53: {  	_ =	shalt  }
0x54: {  	_ =	shalt  }
0x55: {  	_ =	shalt  }
0x56: {  	_ =	shalt  }
0x57: {  	_ =	shalt  }
0x58: {  	_ =	shalt  }
0x59: {  	_ =	shalt  }
0x5a: {  	_ =	shalt  }
0x5b: {  	_ =	shalt  }
0x5c: {  	_ =	shalt  }
0x5d: {  	_ =	shalt  }
0x5e: {  	_ =	shalt  }
0x5f: {  	_ =	shalt  }
0x60: {  	_ =	shalt  }
0x61: {  	_ =	shalt  }
0x62: {  	_ =	shalt  }
0x63: {  	_ =	shalt  }
0x64: {  	_ =	shalt  }
0x65: {  	_ =	shalt  }
0x66: {  	_ =	shalt  }
0x67: {  	_ =	shalt  }
0x68: {  	_ =	shalt  }
0x69: {  	_ =	shalt  }
0x6a: {  	_ =	shalt  }
0x6b: {  	_ =	shalt  }
0x6c: {  	_ =	shalt  }
0x6d: {  	_ =	shalt  }
0x6e: {  	_ =	shalt  }
0x6f: {  	_ =	shalt  }
0x70: {  	_ =	shalt  }
0x71: {  	_ =	shalt  }
0x72: {  	_ =	shalt  }
0x73: {  	_ =	shalt  }
0x74: {  	_ =	shalt  }
0x75: {  	_ =	shalt  }
0x76: {  	_ =	shalt  }
0x77: {  	_ =	shalt  }
0x78: {  	_ =	shalt  }
0x79: {  	_ =	shalt  }
0x7a: {  	_ =	shalt  }
0x7b: {  	_ =	shalt  }
0x7c: {  	_ =	shalt  }
0x7d: {  	_ =	shalt  }
0x7e: {  	_ =	shalt  }
0x7f: {  	_ =	shalt  }
0x80: {  	_ =	shalt  }
0x81: {  	_ =	shalt  }
0x82: {  	_ =	shalt  }
0x83: {  	_ =	shalt  }
0x84: {  	_ =	shalt  }
0x85: {  	_ =	shalt  }
0x86: {  	_ =	shalt  }
0x87: {  	_ =	shalt  }
.Lfunc_end0:
.L_simem_size_0:
called_computation_lowered:
.L_overlay_start_0:
0x88: {  	s2 =	sld [smem:$0x3FD9]  }
0x89: {  	s3 =	sld [smem:$0x3FFE];
	_ =	sdelay $0x1  }
0x8a: {  	s1 =	srdreg.scid  }
0x8b: {  	s0 =	sand.u32 $0x1, s1  }
0x8c: {  	s16 =	sshll.u32 s0, $0xA;
	s2 =	sadd.s32 s3, s2  }
0x8d: {  	s2 =	sadd.s32 s2, s16  }
0x8e: {  	[smem:$0x3FB3] =	sst s2  }
0x8f: {  	_ = 	snop  }
0x90: {  	(tm) =	ssettm $0x1  }
0x91: {  	s17 =	sld [smem:$0x3FFB];
	_ =	sdelay $0x3  }
0x92: {  	_ =	strace s17  }
0x93: {  	s2 =	sld [smem:$0x3FFC];
	_ =	sdelay $0x3  }
0x94: {  	_ =	strace s2  }
0x95: {  	s2 =	sld [smem:$0x3FFD];
	_ =	sdelay $0x3  }
0x96: {  	_ =	strace s2  }
0x97: {  	_ =	strace $0x8FFFFFFF  }
0x98: {  	s18 =	sld [smem:$0x3FDB];
	_ =	sdelay $0x1  }
0x99: {  	s19 =	simm.s32 $_scs_section_size  }
0x9a: {  	s4 =	simm.s32 $_size__tile_overlayer_lowered;
	s5 =	simm.s32 $_tile_overlayer_lowered  }
0x9b: {  	s22 =	simm.s32 $0x1BFF;
	s21 =	sshll.u32 s5, $0x1;
	s2 =	sadd.s32 s19, s18  }
0x9c: {  	s6 =	simm.s32 $0x0;
	s20 =	sshll.u32 s4, $0x1;
	s4 =	sadd.s32 s21, s2  }
0x9d: {  	[timem:s6], [sflag:s22] =	dma.local [hbm:s4], s20  }
0x9e: {  	_ =	swait.ge [sflag:s22], s20  }
0x9f: {  	s3 =	ssub.s32 $0x0, s20;
	[sflag:s22] =	ssyncset.done $0x0  }
0xa0: {  	[sflag:s22] =	ssyncadd.s32 s3;
	_ =	sdelay $0x1  }
0xa1: {  	s23 =	simm.s32 $0x1B8B  }
0xa2: {  	_ =	swait.ge [sflag:s23], $0x1  }
0xa3: {  	[sflag:s23] =	ssyncset.done $0x0  }
0xa4: {  	s25 =	simm.s32 $0x1B8E;
	s24 =	sld [smem:$0x3FFE];
	[sflag:s23] =	ssyncadd.s32 $0xFFFFFFFF  }
0xa5: {  	s26 =	simm.s32 $execute0_lowered;
	[smem:$0x3FD2] =	sst s25  }
0xa6: {  	s4 =	sshll.u32 s26, $0x1;
	_ =	strace $0x80000046;
	[dreg:$0x1] =	wrdreg $0xFFFFFFFF  }
0xa7: {  	s28 =	simm.s32 $_size_execute0_lowered;
	s2 =	sadd.s32 s2, s4;
	[dreg:$0x0] =	wrdreg $0x0  }
0xa8: {  	s4 =	sshll.u32 s28, $0x1;
	[dreg:$0x2] =	wrdreg s2  }
0xa9: {  	[dreg:$0x3] =	wrdreg s4  }
0xaa: {  	[dreg:$0x4] =	wrdreg $0xC0  }
0xab: {  	_ =	task [dreg:s6], $0x5FFFF  }
0xac: {  	[dreg:$0x1] =	wrdreg $0xFFFFFFFF  }
0xad: {  	[dreg:$0x0] =	wrdreg $0x60  }
0xae: {  	[dreg:$0x2] =	wrdreg s24  }
0xaf: {  	[dreg:$0x3] =	wrdreg $0x0  }
0xb0: {  	[dreg:$0x4] =	wrdreg $0x9  }
0xb1: {  	_ =	task.clear_ibuf [dreg:s6], $0x5FFFF;
	_ =	strace $0x90000046  }
0xb2: {  	s29 =	simm.s32 $0x9;
	_ =	strace $0x80000048  }
0xb3: {  	_ =	swait.ge [sflag:s29], $0x1  }
0xb4: {  	[sflag:s29] =	ssyncadd.s32 $0xFFFFFFFF  }
0xb5: {  	_ =	strace $0x90000048  }
0xb6: {  	_ =	sfence  }
0xb7: {  	s30 =	sld [smem:$0x0];
	_ =	sdelay $0x2  }
0xb8: {  	s31 =	sshll.u32 s1, $0xD;
	s1 =	sshrl.u32 s1, $0x2  }
0xb9: {  	s3 =	sand.u32 $0x4000, s31;
	s1 =	sadd.s32 s1, s30  }
0xba: {  	s0 =	sor.u32 s3, s0;
	s1 =	sshll.u32 s1, $0x11  }
0xbb: {  	s0 =	sor.u32 s1, s0  }
0xbc: {  	s0 =	sadd.s32 $0x8F2B, s0  }
0xbd: {  	[sflag:s0] =	ssyncadd.remote.s32 $0x1  }
0xbe: {  	_ =	sfence.sel $0xFFFF  }
0xbf: {  	[dreg:$0x0] =	wrdreg $0xFFFFFFFF;
	(pc) =	sbr.abs _section_cstart, $3  }
0xc0: {  	[dreg:$0x1] =	wrdreg $0xFFFFFFFF  }
0xc1: {  	_ =	task.clear_ibuf [dreg:s6], $0x2FFFF;
	_ =	strace $0x9FFFFFFF  }
0xc2: {  	(tm) =	ssettm $0x7FFFFFFF  }
0xc3: {  	_ =	shalt  }
tec
execute0_lowered:
.L_overlay_start_1:
0x0: {  	(tag) =	ssettag $0x1  }
0x1: {  	s0 =	rddreg [dreg:$0x0]  }
0x2: {  	s1 =	rddreg [dreg:$0x1]  }
0x3: {  	s2 =	simm.s32 $0x0;
	s4 =	srdreg.scid;
	s5 =	stileid.u32  }
0x4: {  	s28 =	simm.s32 $0x13B00;
	s29 =	simm.s32 $0x13C00;
	s30 =	simm.s32 $0x17C80  }
0x5: {  	s31 =	simm.s32 $0x1;
	[smem:$0x7FF] =	sst s2;
	s3 =	sadd.s32 $0x3A00, s0  }
0x6: {  	s17 =	sadd.s32 $0x3E800, s0;
	s7 =	sadd.s32 $0x2AC00, s0;
	s9 =	sadd.s32 $0x34A00, s0  }
0x7: {  	s4 =	sand.u32 $0x1, s4;
	s10 =	sadd.s32 $0x65E00, s0;
	s12 =	smul.u32 $0x4E000, s5  }
0x8: {  	s11 =	sshll.u32 s5, $0x1;
	s26 =	smul.u32 $0x2700, s5;
	s18 =	sadd.s32 $0x28300, s0  }
0x9: {  	s21 =	sadd.s32 $0x138800, s1;
	s19 =	smul.u32 $0x9E, s5;
	s0 =	sadd.s32 $0x63100, s0  }
0xa: {  	_ =	strace $0x80000047;
	s6 =	ssub.s32 $0x2, s4;
	[dreg:$0x5] =	wrdreg s18  }
0xb: {  	s25 =	sor.u32 s4, s11;
	p3 =	seq.s32 s4, $0x1;
	[dreg:$0x3] =	wrdreg s17  }
0xc: {  	[dreg:$0x7] =	wrdreg s0;
	s22 =	smul.u32 $0x4F, s4;
	s8 =	sshrl.u32 s6, $0x1  }
0xd: {  	s14 =	sshrl.u32 s12, $0x2;
	s13 =	smul.u32 $0x4F0, s25;
	s15 =	sadd.s32 s3, s26  }
0xe: {  	s11 =	sadd.s32 s17, s26;
	p2 =	seq.s32 @p3 s5, $0xF;
	p4 =	seq.s32 @!p3 s5, $0xF  }
0xf: {  	s16 =	ssub.s32 s6, s8;
	s6 =	sadd.s32 s14, s1;
	s14 =	smul.u32 $0x138800, s4  }
0x10: {  	[dreg:$0x4] =	wrdreg s15;
	s8 =	sadd.s32 $0x124800, s1;
	s15 =	smul.u32 $0x13800, s5  }
0x11: {  	[dreg:$0x6] =	wrdreg s11;
	s0 =	sadd.s32 s22, s19;
	p0 =	por !p2, !p3  }
0x12: {  	p1 =	por !p4, p3;
	p2 =	por p2, !p3;
	p3 =	por p4, p3  }
0x13: {  	s22 =	simm.s32 $0x13A80;
	p4 =	seq.s32 s5, $0xF;
	s20 =	sadd.s32 s7, s13  }
0x14: {  	s13 =	sadd.s32 s9, s13;
	s0 =	sshll.u32 s0, $0x4;
	s16 =	smax.u32 s16, $0x1  }
0x15: {  	s21 =	sshrl.u32 @!p1 s21, $0x3;
	[dreg:$0x8] =	wrdreg s20;
	s23 =	sadd.s32 s15, s14  }
0x16: {  	s14 =	sshrl.u32 s14, $0x3;
	s25 =	sadd.s32 s0, s7;
	s26 =	sadd.s32 s0, s9  }
0x17: {  	s0 =	sadd.s32 $0x10, s0;
	s4 =	sshrl.u32 s23, $0x3;
	s24 =	sadd.s32 s10, s14  }
0x18: {  	s17 =	sadd.s32 $0x20, s25;
	s18 =	sadd.s32 $0x20, s26;
	s19 =	sadd.s32 s0, s7  }
0x19: {  	s20 =	sadd.s32 s0, s9;
	s23 =	simm.s32 $0x3;
	s25 =	simm.s32 $0x80  }
0x1a: {  	s26 =	simm.s32 $0x13C80;
	s0 =	simm.s32 $0x2;
	s14 =	sadd.s32 s10, s4  }
0x1b: {  	s15 =	sadd.s32 $0x24900, s24;
	s24 =	simm.s32 $0x13B80;
	s4 =	simm.s32 $0x0  }
.LBB2_1:
0x1c: {  	s7 =	sshrl.u32 @!p0 s8, $0x3;
	s9 =	simm.s32 @!p0 $0x1FC3;
	s10 =	rddreg [dreg:$0x7]  }
0x1d: {  	[spmem:s7], [sflag:s9] =	dma.local @!p0 [hbm:s10], $0x2C00  }
0x1e: {  	s7 =	simm.s32 @!p0 $0x3  }
0x1f: {  	_ =	swait.ge @!p0 [sflag:s7], $0x2C00  }
0x20: {  	s9 =	sshll.u32 @!p2 s5, $0x6;
	[sflag:s7] =	ssyncset.done @!p0 $0x0;
	s10 =	rddreg [dreg:$0x6]  }
0x21: {  	[sflag:s7] =	ssyncadd.s32 @!p0 $0xFFFFD400;
	s7 =	sor.u32 @!p2 $0x1C03, s9;
	s9 =	sshrl.u32 @!p2 s6, $0x3  }
0x22: {  	[spmem:s9], [sflag:s7] =	dma.local @!p2 [hbm:s10], $0x2700  }
0x23: {  	s7 =	simm.s32 @!p2 $0x3  }
0x24: {  	_ =	swait.ge @!p2 [sflag:s7], $0x2700  }
0x25: {  	s9 =	simm.s32 @!p1 $0x1FC3;
	[sflag:s7] =	ssyncset.done @!p2 $0x0  }
0x26: {  	s10 =	rddreg [dreg:$0x5];
	[sflag:s7] =	ssyncadd.s32 @!p2 $0xFFFFD900;
	s7 =	sshrl.u32 @!p1 s8, $0x3  }
0x27: {  	[spmem:s7], [sflag:s9] =	dma.local @!p1 [hbm:s10], $0x2800  }
0x28: {  	s7 =	simm.s32 @!p1 $0x3  }
0x29: {  	_ =	swait.ge @!p1 [sflag:s7], $0x2800  }
0x2a: {  	[sflag:s7] =	ssyncset.done @!p1 $0x0  }
0x2b: {  	s10 =	rddreg [dreg:$0x3];
	[sflag:s7] =	ssyncadd.s32 @!p1 $0xFFFFD800  }
0x2c: {  	[spmem:s21], [sflag:s9] =	dma.local @!p1 [hbm:s10], $0x400  }
0x2d: {  	_ =	swait.ge @!p1 [sflag:s7], $0x400  }
0x2e: {  	s9 =	sshll.u32 @!p3 s5, $0x6;
	[sflag:s7] =	ssyncset.done @!p1 $0x0;
	s10 =	rddreg [dreg:$0x4]  }
0x2f: {  	[sflag:s7] =	ssyncadd.s32 @!p1 $0xFFFFFC00;
	s7 =	sor.u32 @!p3 $0x1C03, s9;
	s9 =	sshrl.u32 @!p3 s6, $0x3  }
0x30: {  	[spmem:s9], [sflag:s7] =	dma.local @!p3 [hbm:s10], $0x2700  }
0x31: {  	s7 =	simm.s32 @!p3 $0x3  }
0x32: {  	_ =	swait.ge @!p3 [sflag:s7], $0x2700  }
0x33: {  	[sflag:s7] =	ssyncset.done @!p3 $0x0  }
0x34: {  	[sflag:s7] =	ssyncadd.s32 @!p3 $0xFFFFD900  }
0x35: {  	[bflag:$0x0] =	sbarrier.arrive $0xFFFF  }
0x36: {  	s12 =	rddreg [dreg:$0x8]  }
0x37: {  	[tilespmem:s22], [sflag:$0x3] =	stream.linear.gather [hbm4b:s12+s2], $0x80, $0x38;
	[tilespmem:$0x1BC80] =	vst v63  }
0x38: {  	_ =	swait.ge [sflag:s23], $0x80  }
0x39: {  	[sflag:s23] =	ssyncset.done $0x0  }
0x3a: {  	[sflag:s23] =	ssyncadd.s32 $0xFFFFFF80  }
0x3b: {  	[tilespmem:s24], [sflag:$0x3] =	stream.linear.gather [hbm4b:s13+s2], $0x80, $0x38;
	[tilespmem:$0x1BC80] =	vst v63  }
0x3c: {  	_ =	swait.ge [sflag:s23], $0x80  }
0x3d: {  	[sflag:s23] =	ssyncset.done $0x0  }
0x3e: {  	[sflag:s23] =	ssyncadd.s32 $0xFFFFFF80  }
0x3f: {  	[tilespmem:s26], [sflag:$0x1] =	stream.indirect.gather [hbm4b:s3+s25], $0x80, s22, s25, $0xb8;
	[tilespmem:$0x1BC80] =	vst v63  }
0x40: {  	s9 =	sadd.s32 $0x0, s19  }
0x41: {  	[tilespmem:s28], [sflag:$0x3] =	stream.linear.gather [hbm4b:s9+s2], $0x80, $0x38;
	[tilespmem:$0x1BC80] =	vst v63  }
0x42: {  	_ =	swait.ge [sflag:s23], $0x80  }
0x43: {  	[sflag:s23] =	ssyncset.done $0x0  }
0x44: {  	s10 =	sadd.s32 $0x0, s20;
	[sflag:s23] =	ssyncadd.s32 $0xFFFFFF80  }
0x45: {  	[tilespmem:s29], [sflag:$0x3] =	stream.linear.gather [hbm4b:s10+s2], $0x80, $0x38;
	[tilespmem:$0x1BC80] =	vst v63  }
0x46: {  	_ =	swait.ge [sflag:s23], $0x80  }
0x47: {  	[sflag:s23] =	ssyncset.done $0x0  }
0x48: {  	[sflag:s23] =	ssyncadd.s32 $0xFFFFFF80  }
0x49: {  	[tilespmem:s30], [sflag:$0x2] =	stream.indirect.gather [hbm4b:s3+s25], $0x80, s28, s25, $0xb8;
	[tilespmem:$0x1BC80] =	vst v63  }
0x4a: {  	_ =	swait.ge [sflag:s31], $0x4000  }
0x4b: {  	[sflag:s31] =	ssyncset.done $0x0  }
0x4c: {  	[sflag:s31] =	ssyncadd.s32 $0xFFFFC000  }
0x4d: {  	[spmem:s1] =	stream.indirect.scatter.add.f32 [tilespmem:s26], [sflag:$0x3], $0x80, s24, s25, $0xb8;
	[tilespmem:$0x1BC80] =	vst v63  }
0x4e: {  	_ =	swait.ge [sflag:s23], $0x4000  }
0x4f: {  	[sflag:s23] =	ssyncset.done $0x0  }
0x50: {  	s11 =	sadd.s32 $0x0, s17;
	[sflag:s23] =	ssyncadd.s32 $0xFFFFC000  }
0x51: {  	[tilespmem:s22], [sflag:$0x3] =	stream.linear.gather [hbm4b:s11+s2], $0x80, $0x38;
	[tilespmem:$0x1BC80] =	vst v63  }
0x52: {  	_ =	swait.ge [sflag:s23], $0x80  }
0x53: {  	[sflag:s23] =	ssyncset.done $0x0  }
0x54: {  	s12 =	sadd.s32 $0x0, s18;
	[sflag:s23] =	ssyncadd.s32 $0xFFFFFF80  }
0x55: {  	[tilespmem:s24], [sflag:$0x3] =	stream.linear.gather [hbm4b:s12+s2], $0x80, $0x38;
	[tilespmem:$0x1BC80] =	vst v63  }
0x56: {  	_ =	swait.ge [sflag:s23], $0x80  }
0x57: {  	[sflag:s23] =	ssyncset.done $0x0  }
0x58: {  	[sflag:s23] =	ssyncadd.s32 $0xFFFFFF80  }
0x59: {  	[tilespmem:s26], [sflag:$0x1] =	stream.indirect.gather [hbm4b:s3+s25], $0x80, s22, s25, $0xb8;
	[tilespmem:$0x1BC80] =	vst v63  }
0x5a: {  	_ =	swait.ge [sflag:s0], $0x4000  }
0x5b: {  	[sflag:s0] =	ssyncset.done $0x0  }
0x5c: {  	[sflag:s0] =	ssyncadd.s32 $0xFFFFC000  }
0x5d: {  	[spmem:s1] =	stream.indirect.scatter.add.f32 [tilespmem:s30], [sflag:$0x3], $0x80, s29, s25, $0xb8;
	[tilespmem:$0x1BC80] =	vst v63  }
0x5e: {  	_ =	swait.ge [sflag:s23], $0x4000  }
0x5f: {  	s7 =	simm.s32 $0x20;
	s9 =	simm.s32 $0x40;
	[sflag:s23] =	ssyncset.done $0x0  }
.LBB2_2:
0x60: {  	s11 =	sadd.s32 s7, s19  }
0x61: {  	[sflag:s23] =	ssyncadd.s32 $0xFFFFC000;
	s12 =	smov.u32 s9;
	s10 =	sadd.s32 $0x20, s9  }
0x62: {  	[tilespmem:s28], [sflag:$0x3] =	stream.linear.gather [hbm4b:s11+s2], $0x80, $0x38;
	[tilespmem:$0x1BC80] =	vst v63  }
0x63: {  	p5 =	sne.s32 s9, $0x4C0;
	_ =	swait.ge [sflag:s23], $0x80  }
0x64: {  	[sflag:s23] =	ssyncset.done $0x0  }
0x65: {  	s9 =	sadd.s32 s7, s20;
	[sflag:s23] =	ssyncadd.s32 $0xFFFFFF80  }
0x66: {  	[tilespmem:s29], [sflag:$0x3] =	stream.linear.gather [hbm4b:s9+s2], $0x80, $0x38;
	[tilespmem:$0x1BC80] =	vst v63  }
0x67: {  	_ =	swait.ge [sflag:s23], $0x80  }
0x68: {  	[sflag:s23] =	ssyncset.done $0x0  }
0x69: {  	[sflag:s23] =	ssyncadd.s32 $0xFFFFFF80  }
0x6a: {  	[tilespmem:s30], [sflag:$0x2] =	stream.indirect.gather [hbm4b:s3+s25], $0x80, s28, s25, $0xb8;
	[tilespmem:$0x1BC80] =	vst v63  }
0x6b: {  	_ =	swait.ge [sflag:s31], $0x4000  }
0x6c: {  	[sflag:s31] =	ssyncset.done $0x0  }
0x6d: {  	[sflag:s31] =	ssyncadd.s32 $0xFFFFC000  }
0x6e: {  	[spmem:s1] =	stream.indirect.scatter.add.f32 [tilespmem:s26], [sflag:$0x3], $0x80, s24, s25, $0xb8;
	[tilespmem:$0x1BC80] =	vst v63  }
0x6f: {  	_ =	swait.ge [sflag:s23], $0x4000  }
0x70: {  	[sflag:s23] =	ssyncset.done $0x0  }
0x71: {  	s9 =	sadd.s32 s7, s17;
	[sflag:s23] =	ssyncadd.s32 $0xFFFFC000  }
0x72: {  	[tilespmem:s22], [sflag:$0x3] =	stream.linear.gather [hbm4b:s9+s2], $0x80, $0x38;
	[tilespmem:$0x1BC80] =	vst v63  }
0x73: {  	_ =	swait.ge [sflag:s23], $0x80  }
0x74: {  	[sflag:s23] =	ssyncset.done $0x0  }
0x75: {  	s9 =	sadd.s32 s7, s18;
	s7 =	smov.u32 s12;
	[sflag:s23] =	ssyncadd.s32 $0xFFFFFF80  }
0x76: {  	[tilespmem:s24], [sflag:$0x3] =	stream.linear.gather [hbm4b:s9+s2], $0x80, $0x38;
	[tilespmem:$0x1BC80] =	vst v63  }
0x77: {  	_ =	swait.ge [sflag:s23], $0x80  }
0x78: {  	[sflag:s23] =	ssyncset.done $0x0  }
0x79: {  	[sflag:s23] =	ssyncadd.s32 $0xFFFFFF80  }
0x7a: {  	[tilespmem:s26], [sflag:$0x1] =	stream.indirect.gather [hbm4b:s3+s25], $0x80, s22, s25, $0xb8;
	[tilespmem:$0x1BC80] =	vst v63  }
0x7b: {  	_ =	swait.ge [sflag:s0], $0x4000  }
.Ltmp0:
0x7c: {  	[sflag:s0] =	ssyncset.done $0x0;
	(pc) =	sbr.rel @p5 .LBB2_2-.Ltmp0, $4  }
0x7d: {  	[sflag:s0] =	ssyncadd.s32 $0xFFFFC000  }
0x7e: {  	[spmem:s1] =	stream.indirect.scatter.add.f32 [tilespmem:s30], [sflag:$0x3], $0x80, s29, s25, $0xb8;
	[tilespmem:$0x1BC80] =	vst v63  }
0x7f: {  	_ =	swait.ge [sflag:s23], $0x4000  }
0x80: {  	s9 =	smov.u32 s10;
	[sflag:s23] =	ssyncset.done $0x0  }
0x81: {  	s9 =	sadd.s32 s7, s19;
	[sflag:s23] =	ssyncadd.s32 $0xFFFFC000  }
0x82: {  	[tilespmem:s28], [sflag:$0x3] =	stream.linear.gather [hbm4b:s9+s2], $0x80, $0x38;
	[tilespmem:$0x1BC80] =	vst v63  }
0x83: {  	_ =	swait.ge [sflag:s23], $0x80  }
0x84: {  	[sflag:s23] =	ssyncset.done $0x0  }
0x85: {  	s10 =	sadd.s32 s7, s20;
	[sflag:s23] =	ssyncadd.s32 $0xFFFFFF80  }
0x86: {  	[tilespmem:s29], [sflag:$0x3] =	stream.linear.gather [hbm4b:s10+s2], $0x80, $0x38;
	[tilespmem:$0x1BC80] =	vst v63  }
0x87: {  	_ =	swait.ge [sflag:s23], $0x80  }
0x88: {  	[sflag:s23] =	ssyncset.done $0x0  }
0x89: {  	[sflag:s23] =	ssyncadd.s32 $0xFFFFFF80  }
0x8a: {  	[tilespmem:s30], [sflag:$0x2] =	stream.indirect.gather [hbm4b:s3+s25], $0x80, s28, s25, $0xb8;
	[tilespmem:$0x1BC80] =	vst v63  }
0x8b: {  	_ =	swait.ge [sflag:s31], $0x4000  }
0x8c: {  	[sflag:s31] =	ssyncset.done $0x0  }
0x8d: {  	[sflag:s31] =	ssyncadd.s32 $0xFFFFC000  }
0x8e: {  	[spmem:s1] =	stream.indirect.scatter.add.f32 [tilespmem:s26], [sflag:$0x3], $0x80, s24, s25, $0xb8;
	[tilespmem:$0x1BC80] =	vst v63  }
0x8f: {  	_ =	swait.ge [sflag:s23], $0x4000  }
0x90: {  	[sflag:s23] =	ssyncset.done $0x0  }
0x91: {  	s11 =	sadd.s32 s7, s17;
	[sflag:s23] =	ssyncadd.s32 $0xFFFFC000  }
0x92: {  	[tilespmem:s22], [sflag:$0x3] =	stream.linear.gather [hbm4b:s11+s2], $0x80, $0x38;
	[tilespmem:$0x1BC80] =	vst v63  }
0x93: {  	_ =	swait.ge [sflag:s23], $0x80  }
0x94: {  	[sflag:s23] =	ssyncset.done $0x0  }
0x95: {  	s12 =	sadd.s32 s7, s18;
	[sflag:s23] =	ssyncadd.s32 $0xFFFFFF80  }
0x96: {  	[tilespmem:s24], [sflag:$0x3] =	stream.linear.gather [hbm4b:s12+s2], $0x80, $0x38;
	[tilespmem:$0x1BC80] =	vst v63  }
0x97: {  	_ =	swait.ge [sflag:s23], $0x80  }
0x98: {  	[sflag:s23] =	ssyncset.done $0x0  }
0x99: {  	[sflag:s23] =	ssyncadd.s32 $0xFFFFFF80  }
0x9a: {  	[tilespmem:s26], [sflag:$0x1] =	stream.indirect.gather [hbm4b:s3+s25], $0x80, s22, s25, $0xb8;
	[tilespmem:$0x1BC80] =	vst v63  }
0x9b: {  	_ =	swait.ge [sflag:s0], $0x4000  }
0x9c: {  	[sflag:s0] =	ssyncset.done $0x0  }
0x9d: {  	[sflag:s0] =	ssyncadd.s32 $0xFFFFC000  }
0x9e: {  	[spmem:s1] =	stream.indirect.scatter.add.f32 [tilespmem:s30], [sflag:$0x3], $0x80, s29, s25, $0xb8;
	[tilespmem:$0x1BC80] =	vst v63  }
0x9f: {  	_ =	swait.ge [sflag:s23], $0x4000  }
0xa0: {  	[sflag:s23] =	ssyncset.done $0x0  }
0xa1: {  	[sflag:s23] =	ssyncadd.s32 $0xFFFFC000  }
0xa2: {  	_ =	swait.ge [sflag:s31], $0x4000  }
0xa3: {  	[sflag:s31] =	ssyncset.done $0x0  }
0xa4: {  	[sflag:s31] =	ssyncadd.s32 $0xFFFFC000  }
0xa5: {  	[spmem:s1] =	stream.indirect.scatter.add.f32 [tilespmem:s26], [sflag:$0x3], $0x80, s24, s25, $0xb8;
	[tilespmem:$0x1BC80] =	vst v63  }
0xa6: {  	_ =	swait.ge [sflag:s23], $0x4000  }
0xa7: {  	[sflag:s23] =	ssyncset.done $0x0  }
0xa8: {  	[sflag:s23] =	ssyncadd.s32 $0xFFFFC000  }
0xa9: {  	s7 =	sshrl.u32 @p4 s8, $0x3;
	s9 =	simm.s32 @p4 $0x1FC3;
	[bflag:$0x0] =	sbarrier.arrive $0xFFFF  }
0xaa: {  	[hbm:s15], [sflag:s9] =	dma.local @p4 [spmem:s7], $0x2800  }
0xab: {  	s7 =	simm.s32 @p4 $0x3  }
0xac: {  	s4 =	sadd.s32 $0x1, s4;
	_ =	swait.ge @p4 [sflag:s7], $0x2800  }
0xad: {  	p5 =	sne.s32 s4, s16;
	s9 =	sshll.u32 @!p4 s5, $0x6;
	[sflag:s7] =	ssyncset.done @p4 $0x0  }
0xae: {  	[sflag:s7] =	ssyncadd.s32 @p4 $0xFFFFD800;
	s7 =	sor.u32 @!p4 $0x1C03, s9;
	s9 =	sshrl.u32 @!p4 s6, $0x3  }
0xaf: {  	[hbm:s14], [sflag:s7] =	dma.local @!p4 [spmem:s9], $0x2700  }
.Ltmp1:
0xb0: {  	_ = 	snop;
	(pc) =	sbr.rel @p5 .LBB2_1-.Ltmp1, $4  }
0xb1: {  	s7 =	simm.s32 @!p4 $0x3  }
0xb2: {  	_ =	swait.ge @!p4 [sflag:s7], $0x2700  }
0xb3: {  	[sflag:s7] =	ssyncset.done @!p4 $0x0  }
0xb4: {  	[sflag:s7] =	ssyncadd.s32 @!p4 $0xFFFFD900  }
0xb5: {  	_ =	sfence.sel $0x180000  }
0xb6: {  	[bflag:$0x0] =	sbarrier.arrive $0xFFFF  }
0xb7: {  	_ =	strace $0x90000047  }
0xb8: {  	[bflag:$0x2] =	sbarrier.arrive $0xFFFF  }
0xb9: {  	p0 =	sne.s32 s5, $0x0;
	s0 =	rddreg [dreg:$0x2]  }
0xba: {  	s0 =	sadd.s32 @!p0 $0x100000, s0  }
0xbb: {  	[sflag:s0] =	ssyncadd.tile.s32 @!p0 $0x1;
	_ =	shalt  }
.Lfunc_end2:
_tile_overlayer_lowered:
.L_overlay_start_2:
0xbc: {  	(tag) =	ssettag $0x2  }
0xbd: {  	s0 =	rddreg [dreg:$0x0];
	s2 =	stileid.u32  }
0xbe: {  	s1 =	rddreg [dreg:$0x1];
	p0 =	sne.s32 s2, $0x0  }
0xbf: {  	s3 =	rddreg [dreg:$0x2];
	[bflag:$0x3] =	sbarrier.arrive $0xFFFF;
	s2 =	simm.s32 @!p0 $0x1C03  }
0xc0: {  	[timem:s3], [sflag:s2] =	dma.local @!p0 [hbm:s0], s1  }
0xc1: {  	s0 =	simm.s32 @!p0 $0x3  }
0xc2: {  	_ =	swait.ge @!p0 [sflag:s0], s1  }
0xc3: {  	s1 =	ssub.s32 @!p0 $0x0, s1;
	[sflag:s0] =	ssyncset.done @!p0 $0x0  }
0xc4: {  	[sflag:s0] =	ssyncadd.s32 @!p0 s1  }
0xc5: {  	[bflag:$0x3] =	sbarrier.arrive $0xFFFF  }
0xc6: {  	_ =	shalt  }

// kernel: kernel.13.cloned.1.call-start
scs
__scs_entry_jumppad:
0x0: {  	(pc) =	sbr.rel $0x88, $3  }
0x1: {  	(tag) =	ssettag $0x0;
	lr =	simm.s32 $0x1  }
0x2: {  	[smem:$0x3F8C] =	sst lr;
	_ =	strace $0xD0000000  }
0x3: {  	_ = 	snop  }
0x4: {  	_ = 	snop  }
0x5: {  	_ = 	snop  }
0x6: {  	_ = 	snop  }
0x7: {  	_ = 	snop  }
__scs_overlays_trampoline_lowered:
0x8: {  	[smem:$0x3F9B] =	sst s0  }
0x9: {  	[smem:$0x3F9C] =	sst s1  }
0xa: {  	[smem:$0x3F9D] =	sst s2  }
0xb: {  	[smem:$0x3F9E] =	sst s3  }
0xc: {  	[smem:$0x3F9F] =	sst s4  }
0xd: {  	[smem:$0x3FA0] =	sst s5  }
0xe: {  	[smem:$0x3FA1] =	sst s6  }
0xf: {  	[smem:$0x3FA2] =	sst s7  }
0x10: {  	[smem:$0x3FA3] =	sst s8  }
0x11: {  	[smem:$0x3FA4] =	sst s9;
	s0 =	simm.s32 @!p0 $0x0  }
0x12: {  	s1 =	sld [smem:$0x3F8A];
	s0 =	simm.s32 @p0 $0x1  }
0x13: {  	[smem:$0x3FA5] =	sst s0;
	s0 =	simm.s32 @!p1 $0x0  }
0x14: {  	s2 =	sld [smem:$0x3F89];
	s0 =	simm.s32 @p1 $0x1  }
0x15: {  	[smem:$0x3FA6] =	sst s0;
	s0 =	simm.s32 @!p2 $0x0  }
0x16: {  	s3 =	sld [smem:$0x3FDB];
	s0 =	simm.s32 @p2 $0x1  }
0x17: {  	s4 =	simm.s32 $0x1BF5;
	[smem:$0x3FA8] =	sst s0  }
0x18: {  	s0 =	sld [smem:$0x3F8B];
	_ =	swait.ge [sflag:s4], $0x0  }
0x19: {  	s7 =	sld [smem:$0x3F8C]  }
0x1a: {  	s8 =	sadd.s32 $0xFFFFE003, lr  }
0x1b: {  	s9 =	sadd.s32 $0xFFFFFEF7, lr;
	s5 =	simm.s32 $0xFFFFFFFF;
	p2 =	slt.u32 s8, $0xFFFFF086  }
0x1c: {  	p1 =	slt.u32 s9, $0xF7A;
	s5 =	simm.s32 @!p2 $0x0  }
0x1d: {  	s5 =	simm.s32 @p1 $0x1;
	p0 =	seq.s32 s7, s2  }
0x1e: {  	s7 =	smul.u32 @!p0 $0xF7A, s2;
	p2 =	seq.s32 @!p0 s5, $0x0  }
0x1f: {  	s9 =	smul.u32 $0xF7A, s1;
	s8 =	simm.s32 @!p0 $0x1BF5;
	p2 =	por !p2, p0  }
0x20: {  	[sflag:s8] =	ssyncset.s32 @!p0 $0xFFFFF086;
	s6 =	sadd.s32 @!p0 s3, s7;
	s7 =	simm.s32 @!p0 $0x108  }
0x21: {  	s3 =	sadd.s32 s3, s9;
	s6 =	sadd.s32 @!p0 $0x88, s6;
	s7 =	simm.s32 @p2 $0x1082  }
0x22: {  	[simem:s7], [sflag:s8] =	dma.local @!p0 [hbm:s6], $0xF7A  }
0x23: {  	s9 =	sor.u32 $0xD0000000, s2;
	s6 =	simm.s32 $0x108;
	_ =	swait.ge @!p0 [sflag:s8], $0x0  }
0x24: {  	s3 =	sadd.s32 $0x88, s3;
	s6 =	simm.s32 @!p1 $0x1082;
	[sflag:s4] =	ssyncset.s32 $0xFFFFF086  }
0x25: {  	[simem:s6], [sflag:s4] =	dma.local [hbm:s3], $0xF7A  }
0x26: {  	[smem:$0x3F8C] =	sst s1;
	(tag) =	ssettag s2;
	_ =	strace s9  }
0x27: {  	s1 =	sld [smem:$0x3F9C]  }
0x28: {  	s2 =	sld [smem:$0x3F9D]  }
0x29: {  	s4 =	sld [smem:$0x3F9F]  }
0x2a: {  	p0 =	seq.s32 s5, $0x0;
	s5 =	sld [smem:$0x3FA0]  }
0x2b: {  	s6 =	sld [smem:$0x3FA1]  }
0x2c: {  	s7 =	sld [smem:$0x3FA2]  }
0x2d: {  	s3 =	simm.s32 $0x108;
	s8 =	sld [smem:$0x3FA3]  }
0x2e: {  	s3 =	simm.s32 @!p0 $0x1082;
	s9 =	sld [smem:$0x3FA4]  }
0x2f: {  	lr =	sadd.s32 s0, s3;
	s0 =	sld [smem:$0x3F9B]  }
0x30: {  	s3 =	sld [smem:$0x3F9E]  }
0x31: {  	[smem:$0x3FA7] =	sst s10  }
0x32: {  	s10 =	sld [smem:$0x3FA5];
	_ =	sdelay $0x3  }
0x33: {  	p0 =	seq.s32 s10, $0x1;
	s10 =	sld [smem:$0x3FA7];
	_ =	sdelay $0x3  }
0x34: {  	[smem:$0x3FA7] =	sst s10  }
0x35: {  	s10 =	sld [smem:$0x3FA6];
	_ =	sdelay $0x3  }
0x36: {  	p1 =	seq.s32 s10, $0x1;
	s10 =	sld [smem:$0x3FA7];
	_ =	sdelay $0x3  }
0x37: {  	[smem:$0x3FA7] =	sst s10  }
0x38: {  	s10 =	sld [smem:$0x3FA8]  }
0x39: {  	_ = 	snop;
	(pc) =	sbr.ind lr, $3  }
0x3a: {  	_ = 	snop  }
0x3b: {  	_ = 	snop  }
0x3c: {  	p2 =	seq.s32 s10, $0x1;
	s10 =	sld [smem:$0x3FA7]  }
0x3d: {  	_ =	shalt  }
0x3e: {  	_ =	shalt  }
0x3f: {  	_ =	shalt  }
0x40: {  	_ =	shalt  }
0x41: {  	_ =	shalt  }
0x42: {  	_ =	shalt  }
0x43: {  	_ =	shalt  }
0x44: {  	_ =	shalt  }
0x45: {  	_ =	shalt  }
0x46: {  	_ =	shalt  }
0x47: {  	_ =	shalt  }
0x48: {  	_ =	shalt  }
0x49: {  	_ =	shalt  }
0x4a: {  	_ =	shalt  }
0x4b: {  	_ =	shalt  }
0x4c: {  	_ =	shalt  }
0x4d: {  	_ =	shalt  }
0x4e: {  	_ =	shalt  }
0x4f: {  	_ =	shalt  }
0x50: {  	_ =	shalt  }
0x51: {  	_ =	shalt  }
0x52: {  	_ =	shalt  }
0x53: {  	_ =	shalt  }
0x54: {  	_ =	shalt  }
0x55: {  	_ =	shalt  }
0x56: {  	_ =	shalt  }
0x57: {  	_ =	shalt  }
0x58: {  	_ =	shalt  }
0x59: {  	_ =	shalt  }
0x5a: {  	_ =	shalt  }
0x5b: {  	_ =	shalt  }
0x5c: {  	_ =	shalt  }
0x5d: {  	_ =	shalt  }
0x5e: {  	_ =	shalt  }
0x5f: {  	_ =	shalt  }
0x60: {  	_ =	shalt  }
0x61: {  	_ =	shalt  }
0x62: {  	_ =	shalt  }
0x63: {  	_ =	shalt  }
0x64: {  	_ =	shalt  }
0x65: {  	_ =	shalt  }
0x66: {  	_ =	shalt  }
0x67: {  	_ =	shalt  }
0x68: {  	_ =	shalt  }
0x69: {  	_ =	shalt  }
0x6a: {  	_ =	shalt  }
0x6b: {  	_ =	shalt  }
0x6c: {  	_ =	shalt  }
0x6d: {  	_ =	shalt  }
0x6e: {  	_ =	shalt  }
0x6f: {  	_ =	shalt  }
0x70: {  	_ =	shalt  }
0x71: {  	_ =	shalt  }
0x72: {  	_ =	shalt  }
0x73: {  	_ =	shalt  }
0x74: {  	_ =	shalt  }
0x75: {  	_ =	shalt  }
0x76: {  	_ =	shalt  }
0x77: {  	_ =	shalt  }
0x78: {  	_ =	shalt  }
0x79: {  	_ =	shalt  }
0x7a: {  	_ =	shalt  }
0x7b: {  	_ =	shalt  }
0x7c: {  	_ =	shalt  }
0x7d: {  	_ =	shalt  }
0x7e: {  	_ =	shalt  }
0x7f: {  	_ =	shalt  }
0x80: {  	_ =	shalt  }
0x81: {  	_ =	shalt  }
0x82: {  	_ =	shalt  }
0x83: {  	_ =	shalt  }
0x84: {  	_ =	shalt  }
0x85: {  	_ =	shalt  }
0x86: {  	_ =	shalt  }
0x87: {  	_ =	shalt  }
.Lfunc_end0:
.L_simem_size_0:
called_computation.1_lowered:
.L_overlay_start_0:
0x88: {  	s2 =	sld [smem:$0x3FD9]  }
0x89: {  	s3 =	sld [smem:$0x3FFE];
	_ =	sdelay $0x1  }
0x8a: {  	s1 =	srdreg.scid  }
0x8b: {  	s0 =	sand.u32 $0x1, s1  }
0x8c: {  	s16 =	sshll.u32 s0, $0xA;
	s2 =	sadd.s32 s3, s2  }
0x8d: {  	s2 =	sadd.s32 s2, s16  }
0x8e: {  	[smem:$0x3FB3] =	sst s2  }
0x8f: {  	_ = 	snop  }
0x90: {  	(tm) =	ssettm $0x1  }
0x91: {  	s17 =	sld [smem:$0x3FFB];
	_ =	sdelay $0x3  }
0x92: {  	_ =	strace s17  }
0x93: {  	s2 =	sld [smem:$0x3FFC];
	_ =	sdelay $0x3  }
0x94: {  	_ =	strace s2  }
0x95: {  	s2 =	sld [smem:$0x3FFD];
	_ =	sdelay $0x3  }
0x96: {  	_ =	strace s2  }
0x97: {  	_ =	strace $0x8FFFFFFF  }
0x98: {  	s18 =	sld [smem:$0x3FDB];
	_ =	sdelay $0x1  }
0x99: {  	s19 =	simm.s32 $_scs_section_size  }
0x9a: {  	s4 =	simm.s32 $_size__tile_overlayer_lowered;
	s5 =	simm.s32 $_tile_overlayer_lowered  }
0x9b: {  	s22 =	simm.s32 $0x1BFF;
	s21 =	sshll.u32 s5, $0x1;
	s2 =	sadd.s32 s19, s18  }
0x9c: {  	s6 =	simm.s32 $0x0;
	s20 =	sshll.u32 s4, $0x1;
	s4 =	sadd.s32 s21, s2  }
0x9d: {  	[timem:s6], [sflag:s22] =	dma.local [hbm:s4], s20  }
0x9e: {  	_ =	swait.ge [sflag:s22], s20  }
0x9f: {  	s3 =	ssub.s32 $0x0, s20;
	[sflag:s22] =	ssyncset.done $0x0  }
0xa0: {  	[sflag:s22] =	ssyncadd.s32 s3;
	_ =	sdelay $0x1  }
0xa1: {  	s23 =	simm.s32 $0x1B8B  }
0xa2: {  	_ =	swait.ge [sflag:s23], $0x1  }
0xa3: {  	[sflag:s23] =	ssyncset.done $0x0  }
0xa4: {  	s25 =	simm.s32 $0x1B8E;
	s24 =	sld [smem:$0x3FFE];
	[sflag:s23] =	ssyncadd.s32 $0xFFFFFFFF  }
0xa5: {  	s26 =	simm.s32 $execute0_lowered;
	[smem:$0x3FD2] =	sst s25  }
0xa6: {  	s4 =	sshll.u32 s26, $0x1;
	_ =	strace $0x80000049;
	[dreg:$0x1] =	wrdreg $0xFFFFFFFF  }
0xa7: {  	s28 =	simm.s32 $_size_execute0_lowered;
	s2 =	sadd.s32 s2, s4;
	[dreg:$0x0] =	wrdreg $0x0  }
0xa8: {  	s4 =	sshll.u32 s28, $0x1;
	[dreg:$0x2] =	wrdreg s2  }
0xa9: {  	[dreg:$0x3] =	wrdreg s4  }
0xaa: {  	[dreg:$0x4] =	wrdreg $0xC0  }
0xab: {  	_ =	task [dreg:s6], $0x5FFFF  }
0xac: {  	[dreg:$0x1] =	wrdreg $0xFFFFFFFF  }
0xad: {  	[dreg:$0x0] =	wrdreg $0x60  }
0xae: {  	[dreg:$0x2] =	wrdreg s24  }
0xaf: {  	[dreg:$0x3] =	wrdreg $0x0  }
0xb0: {  	[dreg:$0x4] =	wrdreg $0x9  }
0xb1: {  	_ =	task.clear_ibuf [dreg:s6], $0x5FFFF;
	_ =	strace $0x90000049  }
0xb2: {  	s29 =	simm.s32 $0x9;
	_ =	strace $0x8000004B  }
0xb3: {  	_ =	swait.ge [sflag:s29], $0x1  }
0xb4: {  	[sflag:s29] =	ssyncadd.s32 $0xFFFFFFFF  }
0xb5: {  	_ =	strace $0x9000004B  }
0xb6: {  	_ =	sfence  }
0xb7: {  	s30 =	sld [smem:$0x0];
	_ =	sdelay $0x2  }
0xb8: {  	s31 =	sshll.u32 s1, $0xD;
	s1 =	sshrl.u32 s1, $0x2  }
0xb9: {  	s3 =	sand.u32 $0x4000, s31;
	s1 =	sadd.s32 s1, s30  }
0xba: {  	s0 =	sor.u32 s3, s0;
	s1 =	sshll.u32 s1, $0x11  }
0xbb: {  	s0 =	sor.u32 s1, s0  }
0xbc: {  	s0 =	sadd.s32 $0x8F2B, s0  }
0xbd: {  	[sflag:s0] =	ssyncadd.remote.s32 $0x1  }
0xbe: {  	_ =	sfence.sel $0xFFFF  }
0xbf: {  	[dreg:$0x0] =	wrdreg $0xFFFFFFFF;
	(pc) =	sbr.abs _section_cstart, $3  }
0xc0: {  	[dreg:$0x1] =	wrdreg $0xFFFFFFFF  }
0xc1: {  	_ =	task.clear_ibuf [dreg:s6], $0x2FFFF;
	_ =	strace $0x9FFFFFFF  }
0xc2: {  	(tm) =	ssettm $0x7FFFFFFF  }
0xc3: {  	_ =	shalt  }
tec
execute0_lowered:
.L_overlay_start_1:
0x0: {  	(tag) =	ssettag $0x1  }
0x1: {  	s0 =	rddreg [dreg:$0x0]  }
0x2: {  	s1 =	rddreg [dreg:$0x1]  }
0x3: {  	s2 =	simm.s32 $0x0;
	s4 =	srdreg.scid;
	s5 =	stileid.u32  }
0x4: {  	s28 =	simm.s32 $0x13B00;
	s29 =	simm.s32 $0x13C00;
	s30 =	simm.s32 $0x17C80  }
0x5: {  	s31 =	simm.s32 $0x1;
	[smem:$0x7FF] =	sst s2;
	s3 =	sadd.s32 $0x3A00, s0  }
0x6: {  	s17 =	sadd.s32 $0x3E800, s0;
	s7 =	sadd.s32 $0x2AC00, s0;
	s9 =	sadd.s32 $0x34A00, s0  }
0x7: {  	s4 =	sand.u32 $0x1, s4;
	s10 =	sadd.s32 $0x65E00, s0;
	s12 =	smul.u32 $0x4E000, s5  }
0x8: {  	s11 =	sshll.u32 s5, $0x1;
	s26 =	smul.u32 $0x2700, s5;
	s18 =	sadd.s32 $0x28300, s0  }
0x9: {  	s21 =	sadd.s32 $0x138800, s1;
	s19 =	smul.u32 $0x9E, s5;
	s0 =	sadd.s32 $0x63100, s0  }
0xa: {  	_ =	strace $0x8000004A;
	s6 =	ssub.s32 $0x2, s4;
	[dreg:$0x5] =	wrdreg s18  }
0xb: {  	s25 =	sor.u32 s4, s11;
	p3 =	seq.s32 s4, $0x1;
	[dreg:$0x3] =	wrdreg s17  }
0xc: {  	[dreg:$0x7] =	wrdreg s0;
	s22 =	smul.u32 $0x4F, s4;
	s8 =	sshrl.u32 s6, $0x1  }
0xd: {  	s14 =	sshrl.u32 s12, $0x2;
	s13 =	smul.u32 $0x4F0, s25;
	s15 =	sadd.s32 s3, s26  }
0xe: {  	s11 =	sadd.s32 s17, s26;
	p2 =	seq.s32 @p3 s5, $0xF;
	p4 =	seq.s32 @!p3 s5, $0xF  }
0xf: {  	s16 =	ssub.s32 s6, s8;
	s6 =	sadd.s32 s14, s1;
	s14 =	smul.u32 $0x138800, s4  }
0x10: {  	[dreg:$0x4] =	wrdreg s15;
	s8 =	sadd.s32 $0x124800, s1;
	s15 =	smul.u32 $0x13800, s5  }
0x11: {  	[dreg:$0x6] =	wrdreg s11;
	s0 =	sadd.s32 s22, s19;
	p0 =	por !p2, !p3  }
0x12: {  	p1 =	por !p4, p3;
	p2 =	por p2, !p3;
	p3 =	por p4, p3  }
0x13: {  	s22 =	simm.s32 $0x13A80;
	p4 =	seq.s32 s5, $0xF;
	s20 =	sadd.s32 s7, s13  }
0x14: {  	s13 =	sadd.s32 s9, s13;
	s0 =	sshll.u32 s0, $0x4;
	s16 =	smax.u32 s16, $0x1  }
0x15: {  	s21 =	sshrl.u32 @!p1 s21, $0x3;
	[dreg:$0x8] =	wrdreg s20;
	s23 =	sadd.s32 s15, s14  }
0x16: {  	s14 =	sshrl.u32 s14, $0x3;
	s25 =	sadd.s32 s0, s7;
	s26 =	sadd.s32 s0, s9  }
0x17: {  	s0 =	sadd.s32 $0x10, s0;
	s4 =	sshrl.u32 s23, $0x3;
	s24 =	sadd.s32 s10, s14  }
0x18: {  	s17 =	sadd.s32 $0x20, s25;
	s18 =	sadd.s32 $0x20, s26;
	s19 =	sadd.s32 s0, s7  }
0x19: {  	s20 =	sadd.s32 s0, s9;
	s23 =	simm.s32 $0x3;
	s25 =	simm.s32 $0x80  }
0x1a: {  	s26 =	simm.s32 $0x13C80;
	s0 =	simm.s32 $0x2;
	s14 =	sadd.s32 s10, s4  }
0x1b: {  	s15 =	sadd.s32 $0x24900, s24;
	s24 =	simm.s32 $0x13B80;
	s4 =	simm.s32 $0x0  }
.LBB2_1:
0x1c: {  	s7 =	sshrl.u32 @!p0 s8, $0x3;
	s9 =	simm.s32 @!p0 $0x1FC3;
	s10 =	rddreg [dreg:$0x7]  }
0x1d: {  	[spmem:s7], [sflag:s9] =	dma.local @!p0 [hbm:s10], $0x2C00  }
0x1e: {  	s7 =	simm.s32 @!p0 $0x3  }
0x1f: {  	_ =	swait.ge @!p0 [sflag:s7], $0x2C00  }
0x20: {  	s9 =	sshll.u32 @!p2 s5, $0x6;
	[sflag:s7] =	ssyncset.done @!p0 $0x0;
	s10 =	rddreg [dreg:$0x6]  }
0x21: {  	[sflag:s7] =	ssyncadd.s32 @!p0 $0xFFFFD400;
	s7 =	sor.u32 @!p2 $0x1C03, s9;
	s9 =	sshrl.u32 @!p2 s6, $0x3  }
0x22: {  	[spmem:s9], [sflag:s7] =	dma.local @!p2 [hbm:s10], $0x2700  }
0x23: {  	s7 =	simm.s32 @!p2 $0x3  }
0x24: {  	_ =	swait.ge @!p2 [sflag:s7], $0x2700  }
0x25: {  	s9 =	simm.s32 @!p1 $0x1FC3;
	[sflag:s7] =	ssyncset.done @!p2 $0x0  }
0x26: {  	s10 =	rddreg [dreg:$0x5];
	[sflag:s7] =	ssyncadd.s32 @!p2 $0xFFFFD900;
	s7 =	sshrl.u32 @!p1 s8, $0x3  }
0x27: {  	[spmem:s7], [sflag:s9] =	dma.local @!p1 [hbm:s10], $0x2800  }
0x28: {  	s7 =	simm.s32 @!p1 $0x3  }
0x29: {  	_ =	swait.ge @!p1 [sflag:s7], $0x2800  }
0x2a: {  	[sflag:s7] =	ssyncset.done @!p1 $0x0  }
0x2b: {  	s10 =	rddreg [dreg:$0x3];
	[sflag:s7] =	ssyncadd.s32 @!p1 $0xFFFFD800  }
0x2c: {  	[spmem:s21], [sflag:s9] =	dma.local @!p1 [hbm:s10], $0x400  }
0x2d: {  	_ =	swait.ge @!p1 [sflag:s7], $0x400  }
0x2e: {  	s9 =	sshll.u32 @!p3 s5, $0x6;
	[sflag:s7] =	ssyncset.done @!p1 $0x0;
	s10 =	rddreg [dreg:$0x4]  }
0x2f: {  	[sflag:s7] =	ssyncadd.s32 @!p1 $0xFFFFFC00;
	s7 =	sor.u32 @!p3 $0x1C03, s9;
	s9 =	sshrl.u32 @!p3 s6, $0x3  }
0x30: {  	[spmem:s9], [sflag:s7] =	dma.local @!p3 [hbm:s10], $0x2700  }
0x31: {  	s7 =	simm.s32 @!p3 $0x3  }
0x32: {  	_ =	swait.ge @!p3 [sflag:s7], $0x2700  }
0x33: {  	[sflag:s7] =	ssyncset.done @!p3 $0x0  }
0x34: {  	[sflag:s7] =	ssyncadd.s32 @!p3 $0xFFFFD900  }
0x35: {  	[bflag:$0x0] =	sbarrier.arrive $0xFFFF  }
0x36: {  	s12 =	rddreg [dreg:$0x8]  }
0x37: {  	[tilespmem:s22], [sflag:$0x3] =	stream.linear.gather [hbm4b:s12+s2], $0x80, $0x38;
	[tilespmem:$0x1BC80] =	vst v63  }
0x38: {  	_ =	swait.ge [sflag:s23], $0x80  }
0x39: {  	[sflag:s23] =	ssyncset.done $0x0  }
0x3a: {  	[sflag:s23] =	ssyncadd.s32 $0xFFFFFF80  }
0x3b: {  	[tilespmem:s24], [sflag:$0x3] =	stream.linear.gather [hbm4b:s13+s2], $0x80, $0x38;
	[tilespmem:$0x1BC80] =	vst v63  }
0x3c: {  	_ =	swait.ge [sflag:s23], $0x80  }
0x3d: {  	[sflag:s23] =	ssyncset.done $0x0  }
0x3e: {  	[sflag:s23] =	ssyncadd.s32 $0xFFFFFF80  }
0x3f: {  	[tilespmem:s26], [sflag:$0x1] =	stream.indirect.gather [hbm4b:s3+s25], $0x80, s22, s25, $0xb8;
	[tilespmem:$0x1BC80] =	vst v63  }
0x40: {  	s9 =	sadd.s32 $0x0, s19  }
0x41: {  	[tilespmem:s28], [sflag:$0x3] =	stream.linear.gather [hbm4b:s9+s2], $0x80, $0x38;
	[tilespmem:$0x1BC80] =	vst v63  }
0x42: {  	_ =	swait.ge [sflag:s23], $0x80  }
0x43: {  	[sflag:s23] =	ssyncset.done $0x0  }
0x44: {  	s10 =	sadd.s32 $0x0, s20;
	[sflag:s23] =	ssyncadd.s32 $0xFFFFFF80  }
0x45: {  	[tilespmem:s29], [sflag:$0x3] =	stream.linear.gather [hbm4b:s10+s2], $0x80, $0x38;
	[tilespmem:$0x1BC80] =	vst v63  }
0x46: {  	_ =	swait.ge [sflag:s23], $0x80  }
0x47: {  	[sflag:s23] =	ssyncset.done $0x0  }
0x48: {  	[sflag:s23] =	ssyncadd.s32 $0xFFFFFF80  }
0x49: {  	[tilespmem:s30], [sflag:$0x2] =	stream.indirect.gather [hbm4b:s3+s25], $0x80, s28, s25, $0xb8;
	[tilespmem:$0x1BC80] =	vst v63  }
0x4a: {  	_ =	swait.ge [sflag:s31], $0x4000  }
0x4b: {  	[sflag:s31] =	ssyncset.done $0x0  }
0x4c: {  	[sflag:s31] =	ssyncadd.s32 $0xFFFFC000  }
0x4d: {  	[spmem:s1] =	stream.indirect.scatter.add.f32 [tilespmem:s26], [sflag:$0x3], $0x80, s24, s25, $0xb8;
	[tilespmem:$0x1BC80] =	vst v63  }
0x4e: {  	_ =	swait.ge [sflag:s23], $0x4000  }
0x4f: {  	[sflag:s23] =	ssyncset.done $0x0  }
0x50: {  	s11 =	sadd.s32 $0x0, s17;
	[sflag:s23] =	ssyncadd.s32 $0xFFFFC000  }
0x51: {  	[tilespmem:s22], [sflag:$0x3] =	stream.linear.gather [hbm4b:s11+s2], $0x80, $0x38;
	[tilespmem:$0x1BC80] =	vst v63  }
0x52: {  	_ =	swait.ge [sflag:s23], $0x80  }
0x53: {  	[sflag:s23] =	ssyncset.done $0x0  }
0x54: {  	s12 =	sadd.s32 $0x0, s18;
	[sflag:s23] =	ssyncadd.s32 $0xFFFFFF80  }
0x55: {  	[tilespmem:s24], [sflag:$0x3] =	stream.linear.gather [hbm4b:s12+s2], $0x80, $0x38;
	[tilespmem:$0x1BC80] =	vst v63  }
0x56: {  	_ =	swait.ge [sflag:s23], $0x80  }
0x57: {  	[sflag:s23] =	ssyncset.done $0x0  }
0x58: {  	[sflag:s23] =	ssyncadd.s32 $0xFFFFFF80  }
0x59: {  	[tilespmem:s26], [sflag:$0x1] =	stream.indirect.gather [hbm4b:s3+s25], $0x80, s22, s25, $0xb8;
	[tilespmem:$0x1BC80] =	vst v63  }
0x5a: {  	_ =	swait.ge [sflag:s0], $0x4000  }
0x5b: {  	[sflag:s0] =	ssyncset.done $0x0  }
0x5c: {  	[sflag:s0] =	ssyncadd.s32 $0xFFFFC000  }
0x5d: {  	[spmem:s1] =	stream.indirect.scatter.add.f32 [tilespmem:s30], [sflag:$0x3], $0x80, s29, s25, $0xb8;
	[tilespmem:$0x1BC80] =	vst v63  }
0x5e: {  	_ =	swait.ge [sflag:s23], $0x4000  }
0x5f: {  	s7 =	simm.s32 $0x20;
	s9 =	simm.s32 $0x40;
	[sflag:s23] =	ssyncset.done $0x0  }
.LBB2_2:
0x60: {  	s11 =	sadd.s32 s7, s19  }
0x61: {  	[sflag:s23] =	ssyncadd.s32 $0xFFFFC000;
	s12 =	smov.u32 s9;
	s10 =	sadd.s32 $0x20, s9  }
0x62: {  	[tilespmem:s28], [sflag:$0x3] =	stream.linear.gather [hbm4b:s11+s2], $0x80, $0x38;
	[tilespmem:$0x1BC80] =	vst v63  }
0x63: {  	p5 =	sne.s32 s9, $0x4C0;
	_ =	swait.ge [sflag:s23], $0x80  }
0x64: {  	[sflag:s23] =	ssyncset.done $0x0  }
0x65: {  	s9 =	sadd.s32 s7, s20;
	[sflag:s23] =	ssyncadd.s32 $0xFFFFFF80  }
0x66: {  	[tilespmem:s29], [sflag:$0x3] =	stream.linear.gather [hbm4b:s9+s2], $0x80, $0x38;
	[tilespmem:$0x1BC80] =	vst v63  }
0x67: {  	_ =	swait.ge [sflag:s23], $0x80  }
0x68: {  	[sflag:s23] =	ssyncset.done $0x0  }
0x69: {  	[sflag:s23] =	ssyncadd.s32 $0xFFFFFF80  }
0x6a: {  	[tilespmem:s30], [sflag:$0x2] =	stream.indirect.gather [hbm4b:s3+s25], $0x80, s28, s25, $0xb8;
	[tilespmem:$0x1BC80] =	vst v63  }
0x6b: {  	_ =	swait.ge [sflag:s31], $0x4000  }
0x6c: {  	[sflag:s31] =	ssyncset.done $0x0  }
0x6d: {  	[sflag:s31] =	ssyncadd.s32 $0xFFFFC000  }
0x6e: {  	[spmem:s1] =	stream.indirect.scatter.add.f32 [tilespmem:s26], [sflag:$0x3], $0x80, s24, s25, $0xb8;
	[tilespmem:$0x1BC80] =	vst v63  }
0x6f: {  	_ =	swait.ge [sflag:s23], $0x4000  }
0x70: {  	[sflag:s23] =	ssyncset.done $0x0  }
0x71: {  	s9 =	sadd.s32 s7, s17;
	[sflag:s23] =	ssyncadd.s32 $0xFFFFC000  }
0x72: {  	[tilespmem:s22], [sflag:$0x3] =	stream.linear.gather [hbm4b:s9+s2], $0x80, $0x38;
	[tilespmem:$0x1BC80] =	vst v63  }
0x73: {  	_ =	swait.ge [sflag:s23], $0x80  }
0x74: {  	[sflag:s23] =	ssyncset.done $0x0  }
0x75: {  	s9 =	sadd.s32 s7, s18;
	s7 =	smov.u32 s12;
	[sflag:s23] =	ssyncadd.s32 $0xFFFFFF80  }
0x76: {  	[tilespmem:s24], [sflag:$0x3] =	stream.linear.gather [hbm4b:s9+s2], $0x80, $0x38;
	[tilespmem:$0x1BC80] =	vst v63  }
0x77: {  	_ =	swait.ge [sflag:s23], $0x80  }
0x78: {  	[sflag:s23] =	ssyncset.done $0x0  }
0x79: {  	[sflag:s23] =	ssyncadd.s32 $0xFFFFFF80  }
0x7a: {  	[tilespmem:s26], [sflag:$0x1] =	stream.indirect.gather [hbm4b:s3+s25], $0x80, s22, s25, $0xb8;
	[tilespmem:$0x1BC80] =	vst v63  }
0x7b: {  	_ =	swait.ge [sflag:s0], $0x4000  }
.Ltmp0:
0x7c: {  	[sflag:s0] =	ssyncset.done $0x0;
	(pc) =	sbr.rel @p5 .LBB2_2-.Ltmp0, $4  }
0x7d: {  	[sflag:s0] =	ssyncadd.s32 $0xFFFFC000  }
0x7e: {  	[spmem:s1] =	stream.indirect.scatter.add.f32 [tilespmem:s30], [sflag:$0x3], $0x80, s29, s25, $0xb8;
	[tilespmem:$0x1BC80] =	vst v63  }
0x7f: {  	_ =	swait.ge [sflag:s23], $0x4000  }
0x80: {  	s9 =	smov.u32 s10;
	[sflag:s23] =	ssyncset.done $0x0  }
0x81: {  	s9 =	sadd.s32 s7, s19;
	[sflag:s23] =	ssyncadd.s32 $0xFFFFC000  }
0x82: {  	[tilespmem:s28], [sflag:$0x3] =	stream.linear.gather [hbm4b:s9+s2], $0x80, $0x38;
	[tilespmem:$0x1BC80] =	vst v63  }
0x83: {  	_ =	swait.ge [sflag:s23], $0x80  }
0x84: {  	[sflag:s23] =	ssyncset.done $0x0  }
0x85: {  	s10 =	sadd.s32 s7, s20;
	[sflag:s23] =	ssyncadd.s32 $0xFFFFFF80  }
0x86: {  	[tilespmem:s29], [sflag:$0x3] =	stream.linear.gather [hbm4b:s10+s2], $0x80, $0x38;
	[tilespmem:$0x1BC80] =	vst v63  }
0x87: {  	_ =	swait.ge [sflag:s23], $0x80  }
0x88: {  	[sflag:s23] =	ssyncset.done $0x0  }
0x89: {  	[sflag:s23] =	ssyncadd.s32 $0xFFFFFF80  }
0x8a: {  	[tilespmem:s30], [sflag:$0x2] =	stream.indirect.gather [hbm4b:s3+s25], $0x80, s28, s25, $0xb8;
	[tilespmem:$0x1BC80] =	vst v63  }
0x8b: {  	_ =	swait.ge [sflag:s31], $0x4000  }
0x8c: {  	[sflag:s31] =	ssyncset.done $0x0  }
0x8d: {  	[sflag:s31] =	ssyncadd.s32 $0xFFFFC000  }
0x8e: {  	[spmem:s1] =	stream.indirect.scatter.add.f32 [tilespmem:s26], [sflag:$0x3], $0x80, s24, s25, $0xb8;
	[tilespmem:$0x1BC80] =	vst v63  }
0x8f: {  	_ =	swait.ge [sflag:s23], $0x4000  }
0x90: {  	[sflag:s23] =	ssyncset.done $0x0  }
0x91: {  	s11 =	sadd.s32 s7, s17;
	[sflag:s23] =	ssyncadd.s32 $0xFFFFC000  }
0x92: {  	[tilespmem:s22], [sflag:$0x3] =	stream.linear.gather [hbm4b:s11+s2], $0x80, $0x38;
	[tilespmem:$0x1BC80] =	vst v63  }
0x93: {  	_ =	swait.ge [sflag:s23], $0x80  }
0x94: {  	[sflag:s23] =	ssyncset.done $0x0  }
0x95: {  	s12 =	sadd.s32 s7, s18;
	[sflag:s23] =	ssyncadd.s32 $0xFFFFFF80  }
0x96: {  	[tilespmem:s24], [sflag:$0x3] =	stream.linear.gather [hbm4b:s12+s2], $0x80, $0x38;
	[tilespmem:$0x1BC80] =	vst v63  }
0x97: {  	_ =	swait.ge [sflag:s23], $0x80  }
0x98: {  	[sflag:s23] =	ssyncset.done $0x0  }
0x99: {  	[sflag:s23] =	ssyncadd.s32 $0xFFFFFF80  }
0x9a: {  	[tilespmem:s26], [sflag:$0x1] =	stream.indirect.gather [hbm4b:s3+s25], $0x80, s22, s25, $0xb8;
	[tilespmem:$0x1BC80] =	vst v63  }
0x9b: {  	_ =	swait.ge [sflag:s0], $0x4000  }
0x9c: {  	[sflag:s0] =	ssyncset.done $0x0  }
0x9d: {  	[sflag:s0] =	ssyncadd.s32 $0xFFFFC000  }
0x9e: {  	[spmem:s1] =	stream.indirect.scatter.add.f32 [tilespmem:s30], [sflag:$0x3], $0x80, s29, s25, $0xb8;
	[tilespmem:$0x1BC80] =	vst v63  }
0x9f: {  	_ =	swait.ge [sflag:s23], $0x4000  }
0xa0: {  	[sflag:s23] =	ssyncset.done $0x0  }
0xa1: {  	[sflag:s23] =	ssyncadd.s32 $0xFFFFC000  }
0xa2: {  	_ =	swait.ge [sflag:s31], $0x4000  }
0xa3: {  	[sflag:s31] =	ssyncset.done $0x0  }
0xa4: {  	[sflag:s31] =	ssyncadd.s32 $0xFFFFC000  }
0xa5: {  	[spmem:s1] =	stream.indirect.scatter.add.f32 [tilespmem:s26], [sflag:$0x3], $0x80, s24, s25, $0xb8;
	[tilespmem:$0x1BC80] =	vst v63  }
0xa6: {  	_ =	swait.ge [sflag:s23], $0x4000  }
0xa7: {  	[sflag:s23] =	ssyncset.done $0x0  }
0xa8: {  	[sflag:s23] =	ssyncadd.s32 $0xFFFFC000  }
0xa9: {  	s7 =	sshrl.u32 @p4 s8, $0x3;
	s9 =	simm.s32 @p4 $0x1FC3;
	[bflag:$0x0] =	sbarrier.arrive $0xFFFF  }
0xaa: {  	[hbm:s15], [sflag:s9] =	dma.local @p4 [spmem:s7], $0x2800  }
0xab: {  	s7 =	simm.s32 @p4 $0x3  }
0xac: {  	s4 =	sadd.s32 $0x1, s4;
	_ =	swait.ge @p4 [sflag:s7], $0x2800  }
0xad: {  	p5 =	sne.s32 s4, s16;
	s9 =	sshll.u32 @!p4 s5, $0x6;
	[sflag:s7] =	ssyncset.done @p4 $0x0  }
0xae: {  	[sflag:s7] =	ssyncadd.s32 @p4 $0xFFFFD800;
	s7 =	sor.u32 @!p4 $0x1C03, s9;
	s9 =	sshrl.u32 @!p4 s6, $0x3  }
0xaf: {  	[hbm:s14], [sflag:s7] =	dma.local @!p4 [spmem:s9], $0x2700  }
.Ltmp1:
0xb0: {  	_ = 	snop;
	(pc) =	sbr.rel @p5 .LBB2_1-.Ltmp1, $4  }
0xb1: {  	s7 =	simm.s32 @!p4 $0x3  }
0xb2: {  	_ =	swait.ge @!p4 [sflag:s7], $0x2700  }
0xb3: {  	[sflag:s7] =	ssyncset.done @!p4 $0x0  }
0xb4: {  	[sflag:s7] =	ssyncadd.s32 @!p4 $0xFFFFD900  }
0xb5: {  	_ =	sfence.sel $0x180000  }
0xb6: {  	[bflag:$0x0] =	sbarrier.arrive $0xFFFF  }
0xb7: {  	_ =	strace $0x9000004A  }
0xb8: {  	[bflag:$0x2] =	sbarrier.arrive $0xFFFF  }
0xb9: {  	p0 =	sne.s32 s5, $0x0;
	s0 =	rddreg [dreg:$0x2]  }
0xba: {  	s0 =	sadd.s32 @!p0 $0x100000, s0  }
0xbb: {  	[sflag:s0] =	ssyncadd.tile.s32 @!p0 $0x1;
	_ =	shalt  }
.Lfunc_end2:
_tile_overlayer_lowered:
.L_overlay_start_2:
0xbc: {  	(tag) =	ssettag $0x2  }
0xbd: {  	s0 =	rddreg [dreg:$0x0];
	s2 =	stileid.u32  }
0xbe: {  	s1 =	rddreg [dreg:$0x1];
	p0 =	sne.s32 s2, $0x0  }
0xbf: {  	s3 =	rddreg [dreg:$0x2];
	[bflag:$0x3] =	sbarrier.arrive $0xFFFF;
	s2 =	simm.s32 @!p0 $0x1C03  }
0xc0: {  	[timem:s3], [sflag:s2] =	dma.local @!p0 [hbm:s0], s1  }
0xc1: {  	s0 =	simm.s32 @!p0 $0x3  }
0xc2: {  	_ =	swait.ge @!p0 [sflag:s0], s1  }
0xc3: {  	s1 =	ssub.s32 @!p0 $0x0, s1;
	[sflag:s0] =	ssyncset.done @!p0 $0x0  }
0xc4: {  	[sflag:s0] =	ssyncadd.s32 @!p0 s1  }
0xc5: {  	[bflag:$0x3] =	sbarrier.arrive $0xFFFF  }
0xc6: {  	_ =	shalt  }

// kernel: kernel.16.cloned.1.call-start
scs
__scs_entry_jumppad:
0x0: {  	(pc) =	sbr.rel $0x88, $3  }
0x1: {  	(tag) =	ssettag $0x0;
	lr =	simm.s32 $0x1  }
0x2: {  	[smem:$0x3F8C] =	sst lr;
	_ =	strace $0xD0000000  }
0x3: {  	_ = 	snop  }
0x4: {  	_ = 	snop  }
0x5: {  	_ = 	snop  }
0x6: {  	_ = 	snop  }
0x7: {  	_ = 	snop  }
__scs_overlays_trampoline_lowered:
0x8: {  	[smem:$0x3F9B] =	sst s0  }
0x9: {  	[smem:$0x3F9C] =	sst s1  }
0xa: {  	[smem:$0x3F9D] =	sst s2  }
0xb: {  	[smem:$0x3F9E] =	sst s3  }
0xc: {  	[smem:$0x3F9F] =	sst s4  }
0xd: {  	[smem:$0x3FA0] =	sst s5  }
0xe: {  	[smem:$0x3FA1] =	sst s6  }
0xf: {  	[smem:$0x3FA2] =	sst s7  }
0x10: {  	[smem:$0x3FA3] =	sst s8  }
0x11: {  	[smem:$0x3FA4] =	sst s9;
	s0 =	simm.s32 @!p0 $0x0  }
0x12: {  	s1 =	sld [smem:$0x3F8A];
	s0 =	simm.s32 @p0 $0x1  }
0x13: {  	[smem:$0x3FA5] =	sst s0;
	s0 =	simm.s32 @!p1 $0x0  }
0x14: {  	s2 =	sld [smem:$0x3F89];
	s0 =	simm.s32 @p1 $0x1  }
0x15: {  	[smem:$0x3FA6] =	sst s0;
	s0 =	simm.s32 @!p2 $0x0  }
0x16: {  	s3 =	sld [smem:$0x3FDB];
	s0 =	simm.s32 @p2 $0x1  }
0x17: {  	s4 =	simm.s32 $0x1BF5;
	[smem:$0x3FA8] =	sst s0  }
0x18: {  	s0 =	sld [smem:$0x3F8B];
	_ =	swait.ge [sflag:s4], $0x0  }
0x19: {  	s7 =	sld [smem:$0x3F8C]  }
0x1a: {  	s8 =	sadd.s32 $0xFFFFE003, lr  }
0x1b: {  	s9 =	sadd.s32 $0xFFFFFEF7, lr;
	s5 =	simm.s32 $0xFFFFFFFF;
	p2 =	slt.u32 s8, $0xFFFFF086  }
0x1c: {  	p1 =	slt.u32 s9, $0xF7A;
	s5 =	simm.s32 @!p2 $0x0  }
0x1d: {  	s5 =	simm.s32 @p1 $0x1;
	p0 =	seq.s32 s7, s2  }
0x1e: {  	s7 =	smul.u32 @!p0 $0xF7A, s2;
	p2 =	seq.s32 @!p0 s5, $0x0  }
0x1f: {  	s9 =	smul.u32 $0xF7A, s1;
	s8 =	simm.s32 @!p0 $0x1BF5;
	p2 =	por !p2, p0  }
0x20: {  	[sflag:s8] =	ssyncset.s32 @!p0 $0xFFFFF086;
	s6 =	sadd.s32 @!p0 s3, s7;
	s7 =	simm.s32 @!p0 $0x108  }
0x21: {  	s3 =	sadd.s32 s3, s9;
	s6 =	sadd.s32 @!p0 $0x88, s6;
	s7 =	simm.s32 @p2 $0x1082  }
0x22: {  	[simem:s7], [sflag:s8] =	dma.local @!p0 [hbm:s6], $0xF7A  }
0x23: {  	s9 =	sor.u32 $0xD0000000, s2;
	s6 =	simm.s32 $0x108;
	_ =	swait.ge @!p0 [sflag:s8], $0x0  }
0x24: {  	s3 =	sadd.s32 $0x88, s3;
	s6 =	simm.s32 @!p1 $0x1082;
	[sflag:s4] =	ssyncset.s32 $0xFFFFF086  }
0x25: {  	[simem:s6], [sflag:s4] =	dma.local [hbm:s3], $0xF7A  }
0x26: {  	[smem:$0x3F8C] =	sst s1;
	(tag) =	ssettag s2;
	_ =	strace s9  }
0x27: {  	s1 =	sld [smem:$0x3F9C]  }
0x28: {  	s2 =	sld [smem:$0x3F9D]  }
0x29: {  	s4 =	sld [smem:$0x3F9F]  }
0x2a: {  	p0 =	seq.s32 s5, $0x0;
	s5 =	sld [smem:$0x3FA0]  }
0x2b: {  	s6 =	sld [smem:$0x3FA1]  }
0x2c: {  	s7 =	sld [smem:$0x3FA2]  }
0x2d: {  	s3 =	simm.s32 $0x108;
	s8 =	sld [smem:$0x3FA3]  }
0x2e: {  	s3 =	simm.s32 @!p0 $0x1082;
	s9 =	sld [smem:$0x3FA4]  }
0x2f: {  	lr =	sadd.s32 s0, s3;
	s0 =	sld [smem:$0x3F9B]  }
0x30: {  	s3 =	sld [smem:$0x3F9E]  }
0x31: {  	[smem:$0x3FA7] =	sst s10  }
0x32: {  	s10 =	sld [smem:$0x3FA5];
	_ =	sdelay $0x3  }
0x33: {  	p0 =	seq.s32 s10, $0x1;
	s10 =	sld [smem:$0x3FA7];
	_ =	sdelay $0x3  }
0x34: {  	[smem:$0x3FA7] =	sst s10  }
0x35: {  	s10 =	sld [smem:$0x3FA6];
	_ =	sdelay $0x3  }
0x36: {  	p1 =	seq.s32 s10, $0x1;
	s10 =	sld [smem:$0x3FA7];
	_ =	sdelay $0x3  }
0x37: {  	[smem:$0x3FA7] =	sst s10  }
0x38: {  	s10 =	sld [smem:$0x3FA8]  }
0x39: {  	_ = 	snop;
	(pc) =	sbr.ind lr, $3  }
0x3a: {  	_ = 	snop  }
0x3b: {  	_ = 	snop  }
0x3c: {  	p2 =	seq.s32 s10, $0x1;
	s10 =	sld [smem:$0x3FA7]  }
0x3d: {  	_ =	shalt  }
0x3e: {  	_ =	shalt  }
0x3f: {  	_ =	shalt  }
0x40: {  	_ =	shalt  }
0x41: {  	_ =	shalt  }
0x42: {  	_ =	shalt  }
0x43: {  	_ =	shalt  }
0x44: {  	_ =	shalt  }
0x45: {  	_ =	shalt  }
0x46: {  	_ =	shalt  }
0x47: {  	_ =	shalt  }
0x48: {  	_ =	shalt  }
0x49: {  	_ =	shalt  }
0x4a: {  	_ =	shalt  }
0x4b: {  	_ =	shalt  }
0x4c: {  	_ =	shalt  }
0x4d: {  	_ =	shalt  }
0x4e: {  	_ =	shalt  }
0x4f: {  	_ =	shalt  }
0x50: {  	_ =	shalt  }
0x51: {  	_ =	shalt  }
0x52: {  	_ =	shalt  }
0x53: {  	_ =	shalt  }
0x54: {  	_ =	shalt  }
0x55: {  	_ =	shalt  }
0x56: {  	_ =	shalt  }
0x57: {  	_ =	shalt  }
0x58: {  	_ =	shalt  }
0x59: {  	_ =	shalt  }
0x5a: {  	_ =	shalt  }
0x5b: {  	_ =	shalt  }
0x5c: {  	_ =	shalt  }
0x5d: {  	_ =	shalt  }
0x5e: {  	_ =	shalt  }
0x5f: {  	_ =	shalt  }
0x60: {  	_ =	shalt  }
0x61: {  	_ =	shalt  }
0x62: {  	_ =	shalt  }
0x63: {  	_ =	shalt  }
0x64: {  	_ =	shalt  }
0x65: {  	_ =	shalt  }
0x66: {  	_ =	shalt  }
0x67: {  	_ =	shalt  }
0x68: {  	_ =	shalt  }
0x69: {  	_ =	shalt  }
0x6a: {  	_ =	shalt  }
0x6b: {  	_ =	shalt  }
0x6c: {  	_ =	shalt  }
0x6d: {  	_ =	shalt  }
0x6e: {  	_ =	shalt  }
0x6f: {  	_ =	shalt  }
0x70: {  	_ =	shalt  }
0x71: {  	_ =	shalt  }
0x72: {  	_ =	shalt  }
0x73: {  	_ =	shalt  }
0x74: {  	_ =	shalt  }
0x75: {  	_ =	shalt  }
0x76: {  	_ =	shalt  }
0x77: {  	_ =	shalt  }
0x78: {  	_ =	shalt  }
0x79: {  	_ =	shalt  }
0x7a: {  	_ =	shalt  }
0x7b: {  	_ =	shalt  }
0x7c: {  	_ =	shalt  }
0x7d: {  	_ =	shalt  }
0x7e: {  	_ =	shalt  }
0x7f: {  	_ =	shalt  }
0x80: {  	_ =	shalt  }
0x81: {  	_ =	shalt  }
0x82: {  	_ =	shalt  }
0x83: {  	_ =	shalt  }
0x84: {  	_ =	shalt  }
0x85: {  	_ =	shalt  }
0x86: {  	_ =	shalt  }
0x87: {  	_ =	shalt  }
.Lfunc_end0:
.L_simem_size_0:
called_computation.2_lowered:
.L_overlay_start_0:
0x88: {  	s2 =	sld [smem:$0x3FD9]  }
0x89: {  	s3 =	sld [smem:$0x3FFE];
	_ =	sdelay $0x1  }
0x8a: {  	s1 =	srdreg.scid  }
0x8b: {  	s0 =	sand.u32 $0x1, s1  }
0x8c: {  	s16 =	sshll.u32 s0, $0xA;
	s2 =	sadd.s32 s3, s2  }
0x8d: {  	s2 =	sadd.s32 s2, s16  }
0x8e: {  	[smem:$0x3FB3] =	sst s2  }
0x8f: {  	_ = 	snop  }
0x90: {  	(tm) =	ssettm $0x1  }
0x91: {  	s17 =	sld [smem:$0x3FFB];
	_ =	sdelay $0x3  }
0x92: {  	_ =	strace s17  }
0x93: {  	s2 =	sld [smem:$0x3FFC];
	_ =	sdelay $0x3  }
0x94: {  	_ =	strace s2  }
0x95: {  	s2 =	sld [smem:$0x3FFD];
	_ =	sdelay $0x3  }
0x96: {  	_ =	strace s2  }
0x97: {  	_ =	strace $0x8FFFFFFF  }
0x98: {  	s18 =	sld [smem:$0x3FDB];
	_ =	sdelay $0x1  }
0x99: {  	s19 =	simm.s32 $_scs_section_size  }
0x9a: {  	s4 =	simm.s32 $_size__tile_overlayer_lowered;
	s5 =	simm.s32 $_tile_overlayer_lowered  }
0x9b: {  	s22 =	simm.s32 $0x1BFF;
	s21 =	sshll.u32 s5, $0x1;
	s2 =	sadd.s32 s19, s18  }
0x9c: {  	s6 =	simm.s32 $0x0;
	s20 =	sshll.u32 s4, $0x1;
	s4 =	sadd.s32 s21, s2  }
0x9d: {  	[timem:s6], [sflag:s22] =	dma.local [hbm:s4], s20  }
0x9e: {  	_ =	swait.ge [sflag:s22], s20  }
0x9f: {  	s3 =	ssub.s32 $0x0, s20;
	[sflag:s22] =	ssyncset.done $0x0  }
0xa0: {  	[sflag:s22] =	ssyncadd.s32 s3;
	_ =	sdelay $0x1  }
0xa1: {  	s23 =	simm.s32 $0x1B8B  }
0xa2: {  	_ =	swait.ge [sflag:s23], $0x1  }
0xa3: {  	[sflag:s23] =	ssyncset.done $0x0  }
0xa4: {  	s25 =	simm.s32 $0x1B8E;
	s24 =	sld [smem:$0x3FFE];
	[sflag:s23] =	ssyncadd.s32 $0xFFFFFFFF  }
0xa5: {  	s26 =	simm.s32 $execute0_lowered;
	[smem:$0x3FD2] =	sst s25  }
0xa6: {  	s4 =	sshll.u32 s26, $0x1;
	_ =	strace $0x8000004C;
	[dreg:$0x1] =	wrdreg $0xFFFFFFFF  }
0xa7: {  	s28 =	simm.s32 $_size_execute0_lowered;
	s2 =	sadd.s32 s2, s4;
	[dreg:$0x0] =	wrdreg $0x0  }
0xa8: {  	s4 =	sshll.u32 s28, $0x1;
	[dreg:$0x2] =	wrdreg s2  }
0xa9: {  	[dreg:$0x3] =	wrdreg s4  }
0xaa: {  	[dreg:$0x4] =	wrdreg $0xC0  }
0xab: {  	_ =	task [dreg:s6], $0x5FFFF  }
0xac: {  	[dreg:$0x1] =	wrdreg $0xFFFFFFFF  }
0xad: {  	[dreg:$0x0] =	wrdreg $0x60  }
0xae: {  	[dreg:$0x2] =	wrdreg s24  }
0xaf: {  	[dreg:$0x3] =	wrdreg $0x0  }
0xb0: {  	[dreg:$0x4] =	wrdreg $0x9  }
0xb1: {  	_ =	task.clear_ibuf [dreg:s6], $0x5FFFF;
	_ =	strace $0x9000004C  }
0xb2: {  	s29 =	simm.s32 $0x9;
	_ =	strace $0x8000004E  }
0xb3: {  	_ =	swait.ge [sflag:s29], $0x1  }
0xb4: {  	[sflag:s29] =	ssyncadd.s32 $0xFFFFFFFF  }
0xb5: {  	_ =	strace $0x9000004E  }
0xb6: {  	_ =	sfence  }
0xb7: {  	s30 =	sld [smem:$0x0];
	_ =	sdelay $0x2  }
0xb8: {  	s31 =	sshll.u32 s1, $0xD;
	s1 =	sshrl.u32 s1, $0x2  }
0xb9: {  	s3 =	sand.u32 $0x4000, s31;
	s1 =	sadd.s32 s1, s30  }
0xba: {  	s0 =	sor.u32 s3, s0;
	s1 =	sshll.u32 s1, $0x11  }
0xbb: {  	s0 =	sor.u32 s1, s0  }
0xbc: {  	s0 =	sadd.s32 $0x8F2B, s0  }
0xbd: {  	[sflag:s0] =	ssyncadd.remote.s32 $0x1  }
0xbe: {  	_ =	sfence.sel $0xFFFF  }
0xbf: {  	[dreg:$0x0] =	wrdreg $0xFFFFFFFF;
	(pc) =	sbr.abs _section_cstart, $3  }
0xc0: {  	[dreg:$0x1] =	wrdreg $0xFFFFFFFF  }
0xc1: {  	_ =	task.clear_ibuf [dreg:s6], $0x2FFFF;
	_ =	strace $0x9FFFFFFF  }
0xc2: {  	(tm) =	ssettm $0x7FFFFFFF  }
0xc3: {  	_ =	shalt  }
tec
execute0_lowered:
.L_overlay_start_1:
0x0: {  	(tag) =	ssettag $0x1  }
0x1: {  	s0 =	rddreg [dreg:$0x0]  }
0x2: {  	s1 =	rddreg [dreg:$0x1]  }
0x3: {  	s2 =	simm.s32 $0x0;
	s4 =	srdreg.scid;
	s5 =	stileid.u32  }
0x4: {  	s28 =	simm.s32 $0x13B00;
	s29 =	simm.s32 $0x13C00;
	s30 =	simm.s32 $0x17C80  }
0x5: {  	s31 =	simm.s32 $0x1;
	[smem:$0x7FF] =	sst s2;
	s3 =	sadd.s32 $0x3A00, s0  }
0x6: {  	s17 =	sadd.s32 $0x3E800, s0;
	s7 =	sadd.s32 $0x2AC00, s0;
	s9 =	sadd.s32 $0x34A00, s0  }
0x7: {  	s4 =	sand.u32 $0x1, s4;
	s10 =	sadd.s32 $0x65E00, s0;
	s12 =	smul.u32 $0x4E000, s5  }
0x8: {  	s11 =	sshll.u32 s5, $0x1;
	s26 =	smul.u32 $0x2700, s5;
	s18 =	sadd.s32 $0x28300, s0  }
0x9: {  	s21 =	sadd.s32 $0x138800, s1;
	s19 =	smul.u32 $0x9E, s5;
	s0 =	sadd.s32 $0x63100, s0  }
0xa: {  	_ =	strace $0x8000004D;
	s6 =	ssub.s32 $0x2, s4;
	[dreg:$0x5] =	wrdreg s18  }
0xb: {  	s25 =	sor.u32 s4, s11;
	p3 =	seq.s32 s4, $0x1;
	[dreg:$0x3] =	wrdreg s17  }
0xc: {  	[dreg:$0x7] =	wrdreg s0;
	s22 =	smul.u32 $0x4F, s4;
	s8 =	sshrl.u32 s6, $0x1  }
0xd: {  	s14 =	sshrl.u32 s12, $0x2;
	s13 =	smul.u32 $0x4F0, s25;
	s15 =	sadd.s32 s3, s26  }
0xe: {  	s11 =	sadd.s32 s17, s26;
	p2 =	seq.s32 @p3 s5, $0xF;
	p4 =	seq.s32 @!p3 s5, $0xF  }
0xf: {  	s16 =	ssub.s32 s6, s8;
	s6 =	sadd.s32 s14, s1;
	s14 =	smul.u32 $0x138800, s4  }
0x10: {  	[dreg:$0x4] =	wrdreg s15;
	s8 =	sadd.s32 $0x124800, s1;
	s15 =	smul.u32 $0x13800, s5  }
0x11: {  	[dreg:$0x6] =	wrdreg s11;
	s0 =	sadd.s32 s22, s19;
	p0 =	por !p2, !p3  }
0x12: {  	p1 =	por !p4, p3;
	p2 =	por p2, !p3;
	p3 =	por p4, p3  }
0x13: {  	s22 =	simm.s32 $0x13A80;
	p4 =	seq.s32 s5, $0xF;
	s20 =	sadd.s32 s7, s13  }
0x14: {  	s13 =	sadd.s32 s9, s13;
	s0 =	sshll.u32 s0, $0x4;
	s16 =	smax.u32 s16, $0x1  }
0x15: {  	s21 =	sshrl.u32 @!p1 s21, $0x3;
	[dreg:$0x8] =	wrdreg s20;
	s23 =	sadd.s32 s15, s14  }
0x16: {  	s14 =	sshrl.u32 s14, $0x3;
	s25 =	sadd.s32 s0, s7;
	s26 =	sadd.s32 s0, s9  }
0x17: {  	s0 =	sadd.s32 $0x10, s0;
	s4 =	sshrl.u32 s23, $0x3;
	s24 =	sadd.s32 s10, s14  }
0x18: {  	s17 =	sadd.s32 $0x20, s25;
	s18 =	sadd.s32 $0x20, s26;
	s19 =	sadd.s32 s0, s7  }
0x19: {  	s20 =	sadd.s32 s0, s9;
	s23 =	simm.s32 $0x3;
	s25 =	simm.s32 $0x80  }
0x1a: {  	s26 =	simm.s32 $0x13C80;
	s0 =	simm.s32 $0x2;
	s14 =	sadd.s32 s10, s4  }
0x1b: {  	s15 =	sadd.s32 $0x24900, s24;
	s24 =	simm.s32 $0x13B80;
	s4 =	simm.s32 $0x0  }
.LBB2_1:
0x1c: {  	s7 =	sshrl.u32 @!p0 s8, $0x3;
	s9 =	simm.s32 @!p0 $0x1FC3;
	s10 =	rddreg [dreg:$0x7]  }
0x1d: {  	[spmem:s7], [sflag:s9] =	dma.local @!p0 [hbm:s10], $0x2C00  }
0x1e: {  	s7 =	simm.s32 @!p0 $0x3  }
0x1f: {  	_ =	swait.ge @!p0 [sflag:s7], $0x2C00  }
0x20: {  	s9 =	sshll.u32 @!p2 s5, $0x6;
	[sflag:s7] =	ssyncset.done @!p0 $0x0;
	s10 =	rddreg [dreg:$0x6]  }
0x21: {  	[sflag:s7] =	ssyncadd.s32 @!p0 $0xFFFFD400;
	s7 =	sor.u32 @!p2 $0x1C03, s9;
	s9 =	sshrl.u32 @!p2 s6, $0x3  }
0x22: {  	[spmem:s9], [sflag:s7] =	dma.local @!p2 [hbm:s10], $0x2700  }
0x23: {  	s7 =	simm.s32 @!p2 $0x3  }
0x24: {  	_ =	swait.ge @!p2 [sflag:s7], $0x2700  }
0x25: {  	s9 =	simm.s32 @!p1 $0x1FC3;
	[sflag:s7] =	ssyncset.done @!p2 $0x0  }
0x26: {  	s10 =	rddreg [dreg:$0x5];
	[sflag:s7] =	ssyncadd.s32 @!p2 $0xFFFFD900;
	s7 =	sshrl.u32 @!p1 s8, $0x3  }
0x27: {  	[spmem:s7], [sflag:s9] =	dma.local @!p1 [hbm:s10], $0x2800  }
0x28: {  	s7 =	simm.s32 @!p1 $0x3  }
0x29: {  	_ =	swait.ge @!p1 [sflag:s7], $0x2800  }
0x2a: {  	[sflag:s7] =	ssyncset.done @!p1 $0x0  }
0x2b: {  	s10 =	rddreg [dreg:$0x3];
	[sflag:s7] =	ssyncadd.s32 @!p1 $0xFFFFD800  }
0x2c: {  	[spmem:s21], [sflag:s9] =	dma.local @!p1 [hbm:s10], $0x400  }
0x2d: {  	_ =	swait.ge @!p1 [sflag:s7], $0x400  }
0x2e: {  	s9 =	sshll.u32 @!p3 s5, $0x6;
	[sflag:s7] =	ssyncset.done @!p1 $0x0;
	s10 =	rddreg [dreg:$0x4]  }
0x2f: {  	[sflag:s7] =	ssyncadd.s32 @!p1 $0xFFFFFC00;
	s7 =	sor.u32 @!p3 $0x1C03, s9;
	s9 =	sshrl.u32 @!p3 s6, $0x3  }
0x30: {  	[spmem:s9], [sflag:s7] =	dma.local @!p3 [hbm:s10], $0x2700  }
0x31: {  	s7 =	simm.s32 @!p3 $0x3  }
0x32: {  	_ =	swait.ge @!p3 [sflag:s7], $0x2700  }
0x33: {  	[sflag:s7] =	ssyncset.done @!p3 $0x0  }
0x34: {  	[sflag:s7] =	ssyncadd.s32 @!p3 $0xFFFFD900  }
0x35: {  	[bflag:$0x0] =	sbarrier.arrive $0xFFFF  }
0x36: {  	s12 =	rddreg [dreg:$0x8]  }
0x37: {  	[tilespmem:s22], [sflag:$0x3] =	stream.linear.gather [hbm4b:s12+s2], $0x80, $0x38;
	[tilespmem:$0x1BC80] =	vst v63  }
0x38: {  	_ =	swait.ge [sflag:s23], $0x80  }
0x39: {  	[sflag:s23] =	ssyncset.done $0x0  }
0x3a: {  	[sflag:s23] =	ssyncadd.s32 $0xFFFFFF80  }
0x3b: {  	[tilespmem:s24], [sflag:$0x3] =	stream.linear.gather [hbm4b:s13+s2], $0x80, $0x38;
	[tilespmem:$0x1BC80] =	vst v63  }
0x3c: {  	_ =	swait.ge [sflag:s23], $0x80  }
0x3d: {  	[sflag:s23] =	ssyncset.done $0x0  }
0x3e: {  	[sflag:s23] =	ssyncadd.s32 $0xFFFFFF80  }
0x3f: {  	[tilespmem:s26], [sflag:$0x1] =	stream.indirect.gather [hbm4b:s3+s25], $0x80, s22, s25, $0xb8;
	[tilespmem:$0x1BC80] =	vst v63  }
0x40: {  	s9 =	sadd.s32 $0x0, s19  }
0x41: {  	[tilespmem:s28], [sflag:$0x3] =	stream.linear.gather [hbm4b:s9+s2], $0x80, $0x38;
	[tilespmem:$0x1BC80] =	vst v63  }
0x42: {  	_ =	swait.ge [sflag:s23], $0x80  }
0x43: {  	[sflag:s23] =	ssyncset.done $0x0  }
0x44: {  	s10 =	sadd.s32 $0x0, s20;
	[sflag:s23] =	ssyncadd.s32 $0xFFFFFF80  }
0x45: {  	[tilespmem:s29], [sflag:$0x3] =	stream.linear.gather [hbm4b:s10+s2], $0x80, $0x38;
	[tilespmem:$0x1BC80] =	vst v63  }
0x46: {  	_ =	swait.ge [sflag:s23], $0x80  }
0x47: {  	[sflag:s23] =	ssyncset.done $0x0  }
0x48: {  	[sflag:s23] =	ssyncadd.s32 $0xFFFFFF80  }
0x49: {  	[tilespmem:s30], [sflag:$0x2] =	stream.indirect.gather [hbm4b:s3+s25], $0x80, s28, s25, $0xb8;
	[tilespmem:$0x1BC80] =	vst v63  }
0x4a: {  	_ =	swait.ge [sflag:s31], $0x4000  }
0x4b: {  	[sflag:s31] =	ssyncset.done $0x0  }
0x4c: {  	[sflag:s31] =	ssyncadd.s32 $0xFFFFC000  }
0x4d: {  	[spmem:s1] =	stream.indirect.scatter.add.f32 [tilespmem:s26], [sflag:$0x3], $0x80, s24, s25, $0xb8;
	[tilespmem:$0x1BC80] =	vst v63  }
0x4e: {  	_ =	swait.ge [sflag:s23], $0x4000  }
0x4f: {  	[sflag:s23] =	ssyncset.done $0x0  }
0x50: {  	s11 =	sadd.s32 $0x0, s17;
	[sflag:s23] =	ssyncadd.s32 $0xFFFFC000  }
0x51: {  	[tilespmem:s22], [sflag:$0x3] =	stream.linear.gather [hbm4b:s11+s2], $0x80, $0x38;
	[tilespmem:$0x1BC80] =	vst v63  }
0x52: {  	_ =	swait.ge [sflag:s23], $0x80  }
0x53: {  	[sflag:s23] =	ssyncset.done $0x0  }
0x54: {  	s12 =	sadd.s32 $0x0, s18;
	[sflag:s23] =	ssyncadd.s32 $0xFFFFFF80  }
0x55: {  	[tilespmem:s24], [sflag:$0x3] =	stream.linear.gather [hbm4b:s12+s2], $0x80, $0x38;
	[tilespmem:$0x1BC80] =	vst v63  }
0x56: {  	_ =	swait.ge [sflag:s23], $0x80  }
0x57: {  	[sflag:s23] =	ssyncset.done $0x0  }
0x58: {  	[sflag:s23] =	ssyncadd.s32 $0xFFFFFF80  }
0x59: {  	[tilespmem:s26], [sflag:$0x1] =	stream.indirect.gather [hbm4b:s3+s25], $0x80, s22, s25, $0xb8;
	[tilespmem:$0x1BC80] =	vst v63  }
0x5a: {  	_ =	swait.ge [sflag:s0], $0x4000  }
0x5b: {  	[sflag:s0] =	ssyncset.done $0x0  }
0x5c: {  	[sflag:s0] =	ssyncadd.s32 $0xFFFFC000  }
0x5d: {  	[spmem:s1] =	stream.indirect.scatter.add.f32 [tilespmem:s30], [sflag:$0x3], $0x80, s29, s25, $0xb8;
	[tilespmem:$0x1BC80] =	vst v63  }
0x5e: {  	_ =	swait.ge [sflag:s23], $0x4000  }
0x5f: {  	s7 =	simm.s32 $0x20;
	s9 =	simm.s32 $0x40;
	[sflag:s23] =	ssyncset.done $0x0  }
.LBB2_2:
0x60: {  	s11 =	sadd.s32 s7, s19  }
0x61: {  	[sflag:s23] =	ssyncadd.s32 $0xFFFFC000;
	s12 =	smov.u32 s9;
	s10 =	sadd.s32 $0x20, s9  }
0x62: {  	[tilespmem:s28], [sflag:$0x3] =	stream.linear.gather [hbm4b:s11+s2], $0x80, $0x38;
	[tilespmem:$0x1BC80] =	vst v63  }
0x63: {  	p5 =	sne.s32 s9, $0x4C0;
	_ =	swait.ge [sflag:s23], $0x80  }
0x64: {  	[sflag:s23] =	ssyncset.done $0x0  }
0x65: {  	s9 =	sadd.s32 s7, s20;
	[sflag:s23] =	ssyncadd.s32 $0xFFFFFF80  }
0x66: {  	[tilespmem:s29], [sflag:$0x3] =	stream.linear.gather [hbm4b:s9+s2], $0x80, $0x38;
	[tilespmem:$0x1BC80] =	vst v63  }
0x67: {  	_ =	swait.ge [sflag:s23], $0x80  }
0x68: {  	[sflag:s23] =	ssyncset.done $0x0  }
0x69: {  	[sflag:s23] =	ssyncadd.s32 $0xFFFFFF80  }
0x6a: {  	[tilespmem:s30], [sflag:$0x2] =	stream.indirect.gather [hbm4b:s3+s25], $0x80, s28, s25, $0xb8;
	[tilespmem:$0x1BC80] =	vst v63  }
0x6b: {  	_ =	swait.ge [sflag:s31], $0x4000  }
0x6c: {  	[sflag:s31] =	ssyncset.done $0x0  }
0x6d: {  	[sflag:s31] =	ssyncadd.s32 $0xFFFFC000  }
0x6e: {  	[spmem:s1] =	stream.indirect.scatter.add.f32 [tilespmem:s26], [sflag:$0x3], $0x80, s24, s25, $0xb8;
	[tilespmem:$0x1BC80] =	vst v63  }
0x6f: {  	_ =	swait.ge [sflag:s23], $0x4000  }
0x70: {  	[sflag:s23] =	ssyncset.done $0x0  }
0x71: {  	s9 =	sadd.s32 s7, s17;
	[sflag:s23] =	ssyncadd.s32 $0xFFFFC000  }
0x72: {  	[tilespmem:s22], [sflag:$0x3] =	stream.linear.gather [hbm4b:s9+s2], $0x80, $0x38;
	[tilespmem:$0x1BC80] =	vst v63  }
0x73: {  	_ =	swait.ge [sflag:s23], $0x80  }
0x74: {  	[sflag:s23] =	ssyncset.done $0x0  }
0x75: {  	s9 =	sadd.s32 s7, s18;
	s7 =	smov.u32 s12;
	[sflag:s23] =	ssyncadd.s32 $0xFFFFFF80  }
0x76: {  	[tilespmem:s24], [sflag:$0x3] =	stream.linear.gather [hbm4b:s9+s2], $0x80, $0x38;
	[tilespmem:$0x1BC80] =	vst v63  }
0x77: {  	_ =	swait.ge [sflag:s23], $0x80  }
0x78: {  	[sflag:s23] =	ssyncset.done $0x0  }
0x79: {  	[sflag:s23] =	ssyncadd.s32 $0xFFFFFF80  }
0x7a: {  	[tilespmem:s26], [sflag:$0x1] =	stream.indirect.gather [hbm4b:s3+s25], $0x80, s22, s25, $0xb8;
	[tilespmem:$0x1BC80] =	vst v63  }
0x7b: {  	_ =	swait.ge [sflag:s0], $0x4000  }
.Ltmp0:
0x7c: {  	[sflag:s0] =	ssyncset.done $0x0;
	(pc) =	sbr.rel @p5 .LBB2_2-.Ltmp0, $4  }
0x7d: {  	[sflag:s0] =	ssyncadd.s32 $0xFFFFC000  }
0x7e: {  	[spmem:s1] =	stream.indirect.scatter.add.f32 [tilespmem:s30], [sflag:$0x3], $0x80, s29, s25, $0xb8;
	[tilespmem:$0x1BC80] =	vst v63  }
0x7f: {  	_ =	swait.ge [sflag:s23], $0x4000  }
0x80: {  	s9 =	smov.u32 s10;
	[sflag:s23] =	ssyncset.done $0x0  }
0x81: {  	s9 =	sadd.s32 s7, s19;
	[sflag:s23] =	ssyncadd.s32 $0xFFFFC000  }
0x82: {  	[tilespmem:s28], [sflag:$0x3] =	stream.linear.gather [hbm4b:s9+s2], $0x80, $0x38;
	[tilespmem:$0x1BC80] =	vst v63  }
0x83: {  	_ =	swait.ge [sflag:s23], $0x80  }
0x84: {  	[sflag:s23] =	ssyncset.done $0x0  }
0x85: {  	s10 =	sadd.s32 s7, s20;
	[sflag:s23] =	ssyncadd.s32 $0xFFFFFF80  }
0x86: {  	[tilespmem:s29], [sflag:$0x3] =	stream.linear.gather [hbm4b:s10+s2], $0x80, $0x38;
	[tilespmem:$0x1BC80] =	vst v63  }
0x87: {  	_ =	swait.ge [sflag:s23], $0x80  }
0x88: {  	[sflag:s23] =	ssyncset.done $0x0  }
0x89: {  	[sflag:s23] =	ssyncadd.s32 $0xFFFFFF80  }
0x8a: {  	[tilespmem:s30], [sflag:$0x2] =	stream.indirect.gather [hbm4b:s3+s25], $0x80, s28, s25, $0xb8;
	[tilespmem:$0x1BC80] =	vst v63  }
0x8b: {  	_ =	swait.ge [sflag:s31], $0x4000  }
0x8c: {  	[sflag:s31] =	ssyncset.done $0x0  }
0x8d: {  	[sflag:s31] =	ssyncadd.s32 $0xFFFFC000  }
0x8e: {  	[spmem:s1] =	stream.indirect.scatter.add.f32 [tilespmem:s26], [sflag:$0x3], $0x80, s24, s25, $0xb8;
	[tilespmem:$0x1BC80] =	vst v63  }
0x8f: {  	_ =	swait.ge [sflag:s23], $0x4000  }
0x90: {  	[sflag:s23] =	ssyncset.done $0x0  }
0x91: {  	s11 =	sadd.s32 s7, s17;
	[sflag:s23] =	ssyncadd.s32 $0xFFFFC000  }
0x92: {  	[tilespmem:s22], [sflag:$0x3] =	stream.linear.gather [hbm4b:s11+s2], $0x80, $0x38;
	[tilespmem:$0x1BC80] =	vst v63  }
0x93: {  	_ =	swait.ge [sflag:s23], $0x80  }
0x94: {  	[sflag:s23] =	ssyncset.done $0x0  }
0x95: {  	s12 =	sadd.s32 s7, s18;
	[sflag:s23] =	ssyncadd.s32 $0xFFFFFF80  }
0x96: {  	[tilespmem:s24], [sflag:$0x3] =	stream.linear.gather [hbm4b:s12+s2], $0x80, $0x38;
	[tilespmem:$0x1BC80] =	vst v63  }
0x97: {  	_ =	swait.ge [sflag:s23], $0x80  }
0x98: {  	[sflag:s23] =	ssyncset.done $0x0  }
0x99: {  	[sflag:s23] =	ssyncadd.s32 $0xFFFFFF80  }
0x9a: {  	[tilespmem:s26], [sflag:$0x1] =	stream.indirect.gather [hbm4b:s3+s25], $0x80, s22, s25, $0xb8;
	[tilespmem:$0x1BC80] =	vst v63  }
0x9b: {  	_ =	swait.ge [sflag:s0], $0x4000  }
0x9c: {  	[sflag:s0] =	ssyncset.done $0x0  }
0x9d: {  	[sflag:s0] =	ssyncadd.s32 $0xFFFFC000  }
0x9e: {  	[spmem:s1] =	stream.indirect.scatter.add.f32 [tilespmem:s30], [sflag:$0x3], $0x80, s29, s25, $0xb8;
	[tilespmem:$0x1BC80] =	vst v63  }
0x9f: {  	_ =	swait.ge [sflag:s23], $0x4000  }
0xa0: {  	[sflag:s23] =	ssyncset.done $0x0  }
0xa1: {  	[sflag:s23] =	ssyncadd.s32 $0xFFFFC000  }
0xa2: {  	_ =	swait.ge [sflag:s31], $0x4000  }
0xa3: {  	[sflag:s31] =	ssyncset.done $0x0  }
0xa4: {  	[sflag:s31] =	ssyncadd.s32 $0xFFFFC000  }
0xa5: {  	[spmem:s1] =	stream.indirect.scatter.add.f32 [tilespmem:s26], [sflag:$0x3], $0x80, s24, s25, $0xb8;
	[tilespmem:$0x1BC80] =	vst v63  }
0xa6: {  	_ =	swait.ge [sflag:s23], $0x4000  }
0xa7: {  	[sflag:s23] =	ssyncset.done $0x0  }
0xa8: {  	[sflag:s23] =	ssyncadd.s32 $0xFFFFC000  }
0xa9: {  	s7 =	sshrl.u32 @p4 s8, $0x3;
	s9 =	simm.s32 @p4 $0x1FC3;
	[bflag:$0x0] =	sbarrier.arrive $0xFFFF  }
0xaa: {  	[hbm:s15], [sflag:s9] =	dma.local @p4 [spmem:s7], $0x2800  }
0xab: {  	s7 =	simm.s32 @p4 $0x3  }
0xac: {  	s4 =	sadd.s32 $0x1, s4;
	_ =	swait.ge @p4 [sflag:s7], $0x2800  }
0xad: {  	p5 =	sne.s32 s4, s16;
	s9 =	sshll.u32 @!p4 s5, $0x6;
	[sflag:s7] =	ssyncset.done @p4 $0x0  }
0xae: {  	[sflag:s7] =	ssyncadd.s32 @p4 $0xFFFFD800;
	s7 =	sor.u32 @!p4 $0x1C03, s9;
	s9 =	sshrl.u32 @!p4 s6, $0x3  }
0xaf: {  	[hbm:s14], [sflag:s7] =	dma.local @!p4 [spmem:s9], $0x2700  }
.Ltmp1:
0xb0: {  	_ = 	snop;
	(pc) =	sbr.rel @p5 .LBB2_1-.Ltmp1, $4  }
0xb1: {  	s7 =	simm.s32 @!p4 $0x3  }
0xb2: {  	_ =	swait.ge @!p4 [sflag:s7], $0x2700  }
0xb3: {  	[sflag:s7] =	ssyncset.done @!p4 $0x0  }
0xb4: {  	[sflag:s7] =	ssyncadd.s32 @!p4 $0xFFFFD900  }
0xb5: {  	_ =	sfence.sel $0x180000  }
0xb6: {  	[bflag:$0x0] =	sbarrier.arrive $0xFFFF  }
0xb7: {  	_ =	strace $0x9000004D  }
0xb8: {  	[bflag:$0x2] =	sbarrier.arrive $0xFFFF  }
0xb9: {  	p0 =	sne.s32 s5, $0x0;
	s0 =	rddreg [dreg:$0x2]  }
0xba: {  	s0 =	sadd.s32 @!p0 $0x100000, s0  }
0xbb: {  	[sflag:s0] =	ssyncadd.tile.s32 @!p0 $0x1;
	_ =	shalt  }
.Lfunc_end2:
_tile_overlayer_lowered:
.L_overlay_start_2:
0xbc: {  	(tag) =	ssettag $0x2  }
0xbd: {  	s0 =	rddreg [dreg:$0x0];
	s2 =	stileid.u32  }
0xbe: {  	s1 =	rddreg [dreg:$0x1];
	p0 =	sne.s32 s2, $0x0  }
0xbf: {  	s3 =	rddreg [dreg:$0x2];
	[bflag:$0x3] =	sbarrier.arrive $0xFFFF;
	s2 =	simm.s32 @!p0 $0x1C03  }
0xc0: {  	[timem:s3], [sflag:s2] =	dma.local @!p0 [hbm:s0], s1  }
0xc1: {  	s0 =	simm.s32 @!p0 $0x3  }
0xc2: {  	_ =	swait.ge @!p0 [sflag:s0], s1  }
0xc3: {  	s1 =	ssub.s32 @!p0 $0x0, s1;
	[sflag:s0] =	ssyncset.done @!p0 $0x0  }
0xc4: {  	[sflag:s0] =	ssyncadd.s32 @!p0 s1  }
0xc5: {  	[bflag:$0x3] =	sbarrier.arrive $0xFFFF  }
0xc6: {  	_ =	shalt  }

</sc_bundles>
